<compile_context>
chip_gen: v7x
topology: tpu7x:2x2x1
jax: 0.10.2.dev20260603
libtpu: 0.0.44.dev20260713+nightly
codegen_flags: <defaults>
</compile_context>

<pallas_src>
import functools

import jax
import jax.numpy as jnp
from jax import lax
from jax.experimental import pallas as pl
from jax.experimental.pallas import tpu as pltpu
from jax.experimental.pallas import tpu_sc as plsc

VOCAB = 1000
D = 1000
B = 4096
T = 20
NW = 32
NVT = D // 8
NBLK = T * NVT
BLK = 32 * 8 * 128
NPB = NBLK // NW

_mesh = plsc.VectorSubcoreMesh(core_axis_name="c", subcore_axis_name="s")


@functools.partial(
    pl.kernel,
    mesh=_mesh,
    out_type=jax.ShapeDtypeStruct((NBLK, BLK), jnp.float32),
    compiler_params=pltpu.CompilerParams(
        use_tc_tiling_on_sc=False, needs_layout_passes=False),
    scratch_types=[
        pltpu.VMEM((8, D), jnp.float32),
        pltpu.VMEM((B // 2,), jnp.int32),
        pltpu.VMEM((B // 2,), jnp.int32),
        pltpu.VMEM((BLK,), jnp.float32),
        pltpu.VMEM((BLK,), jnp.float32),
        pltpu.SemaphoreType.DMA,
        pltpu.SemaphoreType.DMA,
        pltpu.SemaphoreType.DMA,
        pltpu.SemaphoreType.DMA,
    ],
)
def _gather_kernel(idxT_hbm, tableT_hbm, out_hbm,
                   rb, ibA, ibB, bbA, bbB, lA, lB, wA, wB):
    w = lax.axis_index("s") * 2 + lax.axis_index("c")
    start = NPB * w + jnp.minimum(w, 4)
    nblocks = NPB + (w < 4).astype(jnp.int32)

    ibs = (ibA, ibB)
    bbs = (bbA, bbB)
    lsems = (lA, lB)
    wsems = (wA, wB)
    NSLOT = 2

    def load_idx(nb, s):
        pltpu.async_copy(idxT_hbm.at[nb % T], ibs[s], lsems[s])

    def wait_idx(s):
        pltpu.make_async_copy(idxT_hbm.at[0], ibs[s], lsems[s]).wait()

    def write(t, vt, s):
        pltpu.async_copy(bbs[s], out_hbm.at[t * NVT + vt], wsems[s])

    def wait_write(s):
        pltpu.make_async_copy(bbs[s], out_hbm.at[0], wsems[s]).wait()

    def compute(s):
        ib, bb = ibs[s], bbs[s]

        @plsc.parallel_loop(0, 32, 1, unroll=4)
        def body_bt(bt):
            base = bt * 1024
            for m in range(4):
                iv = ib[pl.ds(bt * 64 + m * 16, 16)]
                lo = iv & jnp.int32(0xFFFF)
                hi = lax.shift_right_logical(iv, 16)
                for j, idx16 in ((2 * m, lo), (2 * m + 1, hi)):
                    vals = [plsc.load_gather(rb.at[vi], [idx16])
                            for vi in range(8)]
                    for vi in range(8):
                        bb[pl.ds(base + vi * 128 + j * 16, 16)] = vals[vi]

    load_idx(start, 0)
    load_idx(start + 1, 1)

    def body(kk, carry):
        for s in range(NSLOT):
            k = NSLOT * kk + s
            nb = start + k

            @pl.when(k < nblocks)
            def _():
                vt = nb // T
                t = nb - vt * T

                @pl.when((t == 0) | (k == 0))
                def _():
                    pltpu.sync_copy(tableT_hbm.at[pl.ds(vt * 8, 8)], rb)

                wait_idx(s)

                @pl.when(kk > 0)
                def _():
                    wait_write(s)

                compute(s)
                write(t, vt, s)

                @pl.when(k + NSLOT < nblocks)
                def _():
                    load_idx(nb + NSLOT, s)

        return carry

    lax.fori_loop(0, (NPB + NSLOT) // NSLOT, body, 0)
    wait_write(0)
    wait_write(1)


def kernel(idx, table):
    idxT = idx.T.reshape(T, 32, 4, 2, 16)
    idxP = (idxT[:, :, :, 0, :] | (idxT[:, :, :, 1, :] << 16)).reshape(T, B // 2)
    tableT = table.T
    out2 = _gather_kernel(idxP, tableT)
    out5 = out2.reshape(T, NVT, 32, 8, 128)
    return out5.transpose(2, 4, 0, 1, 3).reshape(B, T, D)

# --- scband reference (transcript-rebuilt; emitter-appended) ---
"""Pipeline reference for scband-bigram-langugae-model-35914516529815 (READ-ONLY COPY).

The authoritative reference and input builder live on the scoring server;
editing this copy changes nothing except your own understanding.
"""

import jax, jax.numpy as jnp
import numpy as np

VOCAB = 1000
B, T = 4096, 20

def setup_inputs(seed: int = 0) -> dict:
    key = jax.random.key(seed)
    k1, k2 = jax.random.split(key)
    idx = jax.random.randint(k1, (B, T), 0, VOCAB, dtype=jnp.int32)
    # learned parameter: nn.Embedding(vocab_size, vocab_size) weight table
    table = jax.random.normal(k2, (VOCAB, VOCAB), dtype=jnp.float32) * 0.02
    return {"idx": idx, "table": table}

def reference(idx, table):
    # BigramLangugaeModel.forward with targets=None:
    # logits = self.token_embedding_table(idx); loss = None
    logits = jnp.take(table, idx, axis=0)  # [B, T, VOCAB]
    return logits

if __name__ == "__main__":
    import jax
    _d = setup_inputs()
    print(jax.jit(kernel)(*tuple(_d.values())))

</pallas_src>

<mosaic_0001>
#map = affine_map<(d0, d1) -> (0, 0)>
module attributes {stable_mosaic.version = 14 : i64} {
  func.func @_gather_kernel(%arg0: i32, %arg1: i32, %arg2: memref<20x2048xi32, #tpu.memory_space<hbm>>, %arg3: memref<1000x1000xf32, #tpu.memory_space<hbm>>, %arg4: memref<2500x32768xf32, #tpu.memory_space<hbm>>, %arg5: memref<8x1000xf32, #tpu.memory_space<vmem>>, %arg6: memref<2048xi32, #tpu.memory_space<vmem>>, %arg7: memref<2048xi32, #tpu.memory_space<vmem>>, %arg8: memref<32768xf32, #tpu.memory_space<vmem>>, %arg9: memref<32768xf32, #tpu.memory_space<vmem>>, %arg10: memref<!tpu.dma_semaphore, #tpu.memory_space<semaphore_mem>>, %arg11: memref<!tpu.dma_semaphore, #tpu.memory_space<semaphore_mem>>, %arg12: memref<!tpu.dma_semaphore, #tpu.memory_space<semaphore_mem>>, %arg13: memref<!tpu.dma_semaphore, #tpu.memory_space<semaphore_mem>>) attributes {dimension_semantics = [#tpu.dimension_semantics<core_parallel>, #tpu.dimension_semantics<subcore_parallel>], iteration_bounds = array<i64: 2, 16>, scalar_prefetch = 0 : i64, scratch_operands = 9 : i64, tpu.core_type = #tpu.core_type<sc_vector_subcore>, window_params = [{transform_indices = #map}, {transform_indices = #map}, {transform_indices = #map}]} {
    %mul3A = arith.constant 2 : i32
    %mul3A_0 = arith.muli %arg1, %mul3A : i32
    %add3A = arith.addi %mul3A_0, %arg0 : i32
    %mul3A_1 = arith.constant 78 : i32
    %mul3A_2 = arith.muli %mul3A_1, %add3A : i32
    %min3A = arith.constant 4 : i32
    %min3A_3 = arith.minsi %add3A, %min3A : i32
    %add3A_4 = arith.addi %mul3A_2, %min3A_3 : i32
    %lt3A = arith.constant 4 : i32
    %lt3A_5 = arith.cmpi slt, %add3A, %lt3A : i32
    %convert_element_type3A = arith.extui %lt3A_5 : i1 to i32
    %add3A_6 = arith.constant 78 : i32
    %add3A_7 = arith.addi %add3A_6, %convert_element_type3A : i32
    %jit3A = arith.constant 20 : i32
    %eq3A = arith.constant 0 : i32
    %eq3A_8 = arith.cmpi eq, %jit3A, %eq3A : i32
    %jit3A_9 = arith.constant 1 : i32
    %select_n3A = arith.select %eq3A_8, %jit3A_9, %jit3A : i32
    %rem3A = arith.remsi %add3A_4, %select_n3A : i32
    %ne3A = arith.constant 0 : i32
    %ne3A_10 = arith.cmpi ne, %rem3A, %ne3A : i32
    %lt3A_11 = arith.constant 0 : i32
    %lt3A_12 = arith.cmpi slt, %rem3A, %lt3A_11 : i32
    %lt3A_13 = arith.constant 0 : i32
    %lt3A_14 = arith.cmpi slt, %select_n3A, %lt3A_13 : i32
    %ne3A_15 = arith.xori %lt3A_12, %lt3A_14 : i1
    %and3A = arith.andi %ne3A_15, %ne3A_10 : i1
    %add3A_16 = arith.addi %rem3A, %select_n3A : i32
    %select_n3A_17 = arith.select %and3A, %add3A_16, %rem3A : i32
    %dma_start3A = arith.constant 0 : i32
    %dma_start3A_18 = tpu.memref_slice %arg2[%select_n3A_17, %dma_start3A] : memref<20x2048xi32, #tpu.memory_space<hbm>> -> memref<1x2048xi32, #tpu.memory_space<hbm>>
    %dma_start3A_19 = tpu.memref_squeeze %dma_start3A_18 : memref<1x2048xi32, #tpu.memory_space<hbm>> -> memref<2048xi32, #tpu.memory_space<hbm>>
    %dma_start3A_20 = arith.constant 0 : i32
    %dma_start3A_21 = tpu.memref_slice %arg2[%select_n3A_17, %dma_start3A_20] : memref<20x2048xi32, #tpu.memory_space<hbm>> -> memref<1x2048xi32, #tpu.memory_space<hbm>>
    %dma_start3A_22 = tpu.memref_squeeze %dma_start3A_21 : memref<1x2048xi32, #tpu.memory_space<hbm>> -> memref<2048xi32, #tpu.memory_space<hbm>>
    tpu.enqueue_dma source(%dma_start3A_22 : memref<2048xi32, #tpu.memory_space<hbm>>) target(%arg6 : memref<2048xi32, #tpu.memory_space<vmem>>) target_semaphore(%arg10 : memref<!tpu.dma_semaphore, #tpu.memory_space<semaphore_mem>>)
    %add3A_23 = arith.constant 1 : i32
    %add3A_24 = arith.addi %add3A_4, %add3A_23 : i32
    %jit3A_25 = arith.constant 20 : i32
    %eq3A_26 = arith.constant 0 : i32
    %eq3A_27 = arith.cmpi eq, %jit3A_25, %eq3A_26 : i32
    %jit3A_28 = arith.constant 1 : i32
    %select_n3A_29 = arith.select %eq3A_27, %jit3A_28, %jit3A_25 : i32
    %rem3A_30 = arith.remsi %add3A_24, %select_n3A_29 : i32
    %ne3A_31 = arith.constant 0 : i32
    %ne3A_32 = arith.cmpi ne, %rem3A_30, %ne3A_31 : i32
    %lt3A_33 = arith.constant 0 : i32
    %lt3A_34 = arith.cmpi slt, %rem3A_30, %lt3A_33 : i32
    %lt3A_35 = arith.constant 0 : i32
    %lt3A_36 = arith.cmpi slt, %select_n3A_29, %lt3A_35 : i32
    %ne3A_37 = arith.xori %lt3A_34, %lt3A_36 : i1
    %and3A_38 = arith.andi %ne3A_37, %ne3A_32 : i1
    %add3A_39 = arith.addi %rem3A_30, %select_n3A_29 : i32
    %select_n3A_40 = arith.select %and3A_38, %add3A_39, %rem3A_30 : i32
    %dma_start3A_41 = arith.constant 0 : i32
    %dma_start3A_42 = tpu.memref_slice %arg2[%select_n3A_40, %dma_start3A_41] : memref<20x2048xi32, #tpu.memory_space<hbm>> -> memref<1x2048xi32, #tpu.memory_space<hbm>>
    %dma_start3A_43 = tpu.memref_squeeze %dma_start3A_42 : memref<1x2048xi32, #tpu.memory_space<hbm>> -> memref<2048xi32, #tpu.memory_space<hbm>>
    %dma_start3A_44 = arith.constant 0 : i32
    %dma_start3A_45 = tpu.memref_slice %arg2[%select_n3A_40, %dma_start3A_44] : memref<20x2048xi32, #tpu.memory_space<hbm>> -> memref<1x2048xi32, #tpu.memory_space<hbm>>
    %dma_start3A_46 = tpu.memref_squeeze %dma_start3A_45 : memref<1x2048xi32, #tpu.memory_space<hbm>> -> memref<2048xi32, #tpu.memory_space<hbm>>
    tpu.enqueue_dma source(%dma_start3A_46 : memref<2048xi32, #tpu.memory_space<hbm>>) target(%arg7 : memref<2048xi32, #tpu.memory_space<vmem>>) target_semaphore(%arg11 : memref<!tpu.dma_semaphore, #tpu.memory_space<semaphore_mem>>)
    %scan3A = arith.constant 0 : i32
    %scan3A_47 = arith.constant 0 : i32
    %scan3A_48 = arith.constant 40 : i32
    %scan3A_49 = arith.addi %scan3A_47, %scan3A_48 : i32
    %scan3A_50 = arith.constant 1 : i32
    scf.for %scan3A_65 = %scan3A_47 to %scan3A_49 step %scan3A_50  : i32 {
      %mul3A_66 = arith.constant 2 : i32
      %mul3A_67 = arith.muli %mul3A_66, %scan3A_65 : i32
      %add3A_68 = arith.constant 0 : i32
      %add3A_69 = arith.addi %mul3A_67, %add3A_68 : i32
      %add3A_70 = arith.addi %add3A_4, %add3A_69 : i32
      %lt3A_71 = arith.cmpi slt, %add3A_69, %add3A_7 : i32
      %convert_element_type3A_72 = arith.extui %lt3A_71 : i1 to i32
      %cond3A = arith.constant 0 : i32
      %cond3A_73 = arith.cmpi ne, %convert_element_type3A_72, %cond3A : i32
      scf.if %cond3A_73 {
        %jit3A_83 = arith.constant 20 : i32
        %div3A = arith.divsi %add3A_70, %jit3A_83 : i32
        %sign3A = arith.constant 0 : i32
        %sign3A_84 = arith.cmpi sgt, %add3A_70, %sign3A : i32
        %sign3A_85 = arith.extui %sign3A_84 : i1 to i32
        %sign3A_86 = arith.constant 0 : i32
        %sign3A_87 = arith.cmpi slt, %add3A_70, %sign3A_86 : i32
        %sign3A_88 = arith.extui %sign3A_87 : i1 to i32
        %sign3A_89 = arith.subi %sign3A_85, %sign3A_88 : i32
        %sign3A_90 = arith.constant 0 : i32
        %sign3A_91 = arith.cmpi sgt, %jit3A_83, %sign3A_90 : i32
        %sign3A_92 = arith.extui %sign3A_91 : i1 to i32
        %sign3A_93 = arith.constant 0 : i32
        %sign3A_94 = arith.cmpi slt, %jit3A_83, %sign3A_93 : i32
        %sign3A_95 = arith.extui %sign3A_94 : i1 to i32
        %sign3A_96 = arith.subi %sign3A_92, %sign3A_95 : i32
        %ne3A_97 = arith.cmpi ne, %sign3A_89, %sign3A_96 : i32
        %rem3A_98 = arith.remsi %add3A_70, %jit3A_83 : i32
        %ne3A_99 = arith.constant 0 : i32
        %ne3A_100 = arith.cmpi ne, %rem3A_98, %ne3A_99 : i32
        %and3A_101 = arith.andi %ne3A_97, %ne3A_100 : i1
        %sub3A = arith.constant 1 : i32
        %sub3A_102 = arith.subi %div3A, %sub3A : i32
        %select_n3A_103 = arith.select %and3A_101, %sub3A_102, %div3A : i32
        %mul3A_104 = arith.constant 20 : i32
        %mul3A_105 = arith.muli %select_n3A_103, %mul3A_104 : i32
        %sub3A_106 = arith.subi %add3A_70, %mul3A_105 : i32
        %eq3A_107 = arith.constant 0 : i32
        %eq3A_108 = arith.cmpi eq, %sub3A_106, %eq3A_107 : i32
        %eq3A_109 = arith.constant 0 : i32
        %eq3A_110 = arith.cmpi eq, %add3A_69, %eq3A_109 : i32
        %or3A = arith.ori %eq3A_108, %eq3A_110 : i1
        %convert_element_type3A_111 = arith.extui %or3A : i1 to i32
        %cond3A_112 = arith.constant 0 : i32
        %cond3A_113 = arith.cmpi ne, %convert_element_type3A_111, %cond3A_112 : i32
        scf.if %cond3A_113 {
          %mul3A_142 = arith.constant 8 : i32
          %mul3A_143 = arith.muli %select_n3A_103, %mul3A_142 : i32
          "tpu.region"() ({
            %run_scoped3A = tpu.sem_alloc : memref<!tpu.dma_semaphore, #tpu.memory_space<semaphore_mem>>
            %dma_start3A_144 = arith.constant 0 : i32
            %dma_start3A_145 = tpu.memref_slice %arg3[%mul3A_143, %dma_start3A_144] : memref<1000x1000xf32, #tpu.memory_space<hbm>> -> memref<8x1000xf32, #tpu.memory_space<hbm>>
            %dma_start3A_146 = arith.constant 0 : i32
            %dma_start3A_147 = tpu.memref_slice %arg3[%mul3A_143, %dma_start3A_146] : memref<1000x1000xf32, #tpu.memory_space<hbm>> -> memref<8x1000xf32, #tpu.memory_space<hbm>>
            tpu.enqueue_dma source(%dma_start3A_147 : memref<8x1000xf32, #tpu.memory_space<hbm>>) target(%arg5 : memref<8x1000xf32, #tpu.memory_space<vmem>>) target_semaphore(%run_scoped3A : memref<!tpu.dma_semaphore, #tpu.memory_space<semaphore_mem>>)
            %dma_wait3A_148 = arith.constant 0 : i32
            %dma_wait3A_149 = tpu.memref_slice %arg3[%mul3A_143, %dma_wait3A_148] : memref<1000x1000xf32, #tpu.memory_space<hbm>> -> memref<8x1000xf32, #tpu.memory_space<hbm>>
            %dma_wait3A_150 = arith.constant 0 : i32
            %dma_wait3A_151 = tpu.memref_slice %arg3[%mul3A_143, %dma_wait3A_150] : memref<1000x1000xf32, #tpu.memory_space<hbm>> -> memref<8x1000xf32, #tpu.memory_space<hbm>>
            tpu.wait_dma2 semaphore(%run_scoped3A : memref<!tpu.dma_semaphore, #tpu.memory_space<semaphore_mem>>) src(%dma_wait3A_151 : memref<8x1000xf32, #tpu.memory_space<hbm>>) dst(%arg5 : memref<8x1000xf32, #tpu.memory_space<vmem>>)
            tpu.yield
          }) : () -> ()
        } else {
        }
        %dma_wait3A_114 = arith.constant 0 : i32
        %dma_wait3A_115 = arith.constant 0 : i32
        %dma_wait3A_116 = tpu.memref_slice %arg2[%dma_wait3A_114, %dma_wait3A_115] : memref<20x2048xi32, #tpu.memory_space<hbm>> -> memref<1x2048xi32, #tpu.memory_space<hbm>>
        %dma_wait3A_117 = tpu.memref_squeeze %dma_wait3A_116 : memref<1x2048xi32, #tpu.memory_space<hbm>> -> memref<2048xi32, #tpu.memory_space<hbm>>
        %dma_wait3A_118 = arith.constant 0 : i32
        %dma_wait3A_119 = tpu.memref_slice %arg2[%dma_wait3A_114, %dma_wait3A_118] : memref<20x2048xi32, #tpu.memory_space<hbm>> -> memref<1x2048xi32, #tpu.memory_space<hbm>>
        %dma_wait3A_120 = tpu.memref_squeeze %dma_wait3A_119 : memref<1x2048xi32, #tpu.memory_space<hbm>> -> memref<2048xi32, #tpu.memory_space<hbm>>
        tpu.wait_dma2 semaphore(%arg10 : memref<!tpu.dma_semaphore, #tpu.memory_space<semaphore_mem>>) src(%dma_wait3A_120 : memref<2048xi32, #tpu.memory_space<hbm>>) dst(%arg6 : memref<2048xi32, #tpu.memory_space<vmem>>)
        %gt3A = arith.constant 0 : i32
        %gt3A_121 = arith.cmpi sgt, %scan3A_65, %gt3A : i32
        %convert_element_type3A_122 = arith.extui %gt3A_121 : i1 to i32
        %cond3A_123 = arith.constant 0 : i32
        %cond3A_124 = arith.cmpi ne, %convert_element_type3A_122, %cond3A_123 : i32
        scf.if %cond3A_124 {
          %dma_wait3A_142 = arith.constant 0 : i32
          %dma_wait3A_143 = arith.constant 0 : i32
          %dma_wait3A_144 = tpu.memref_slice %arg4[%dma_wait3A_142, %dma_wait3A_143] : memref<2500x32768xf32, #tpu.memory_space<hbm>> -> memref<1x32768xf32, #tpu.memory_space<hbm>>
          %dma_wait3A_145 = tpu.memref_squeeze %dma_wait3A_144 : memref<1x32768xf32, #tpu.memory_space<hbm>> -> memref<32768xf32, #tpu.memory_space<hbm>>
          %dma_wait3A_146 = arith.constant 0 : i32
          %dma_wait3A_147 = tpu.memref_slice %arg4[%dma_wait3A_142, %dma_wait3A_146] : memref<2500x32768xf32, #tpu.memory_space<hbm>> -> memref<1x32768xf32, #tpu.memory_space<hbm>>
          %dma_wait3A_148 = tpu.memref_squeeze %dma_wait3A_147 : memref<1x32768xf32, #tpu.memory_space<hbm>> -> memref<32768xf32, #tpu.memory_space<hbm>>
          tpu.wait_dma2 semaphore(%arg12 : memref<!tpu.dma_semaphore, #tpu.memory_space<semaphore_mem>>) src(%arg8 : memref<32768xf32, #tpu.memory_space<vmem>>) dst(%dma_wait3A_148 : memref<32768xf32, #tpu.memory_space<hbm>>)
        } else {
        }
        %parallel_loop3A = arith.constant 0 : i32
        %parallel_loop3A_125 = arith.constant 32 : i32
        %parallel_loop3A_126 = arith.constant 1 : i32
        scf.for %parallel_loop3A_142 = %parallel_loop3A to %parallel_loop3A_125 step %parallel_loop3A_126  : i32 {
          %parallel_loop3A_143 = arith.constant 1024 : i32
          %parallel_loop3A_144 = arith.muli %parallel_loop3A_142, %parallel_loop3A_143 : i32
          %parallel_loop3A_145 = arith.constant 64 : i32
          %parallel_loop3A_146 = arith.muli %parallel_loop3A_142, %parallel_loop3A_145 : i32
          %parallel_loop3A_147 = arith.constant 0 : i32
          %parallel_loop3A_148 = arith.addi %parallel_loop3A_146, %parallel_loop3A_147 : i32
          %parallel_loop3A_149 = arith.index_cast %parallel_loop3A_148 : i32 to index
          %parallel_loop3A_150 = tpu.vector_load %arg6[%parallel_loop3A_149] {strides = array<i32>} : memref<2048xi32, #tpu.memory_space<vmem>>, vector<16xi32>,
          %parallel_loop3A_151 = arith.constant 65535 : i32
          %parallel_loop3A_152 = vector.broadcast %parallel_loop3A_151 : i32 to vector<16xi32>
          %parallel_loop3A_153 = arith.andi %parallel_loop3A_150, %parallel_loop3A_152 : vector<16xi32>
          %parallel_loop3A_154 = arith.constant 16 : i32
          %parallel_loop3A_155 = vector.broadcast %parallel_loop3A_154 : i32 to vector<16xi32>
          %parallel_loop3A_156 = arith.shrui %parallel_loop3A_150, %parallel_loop3A_155 : vector<16xi32>
          %parallel_loop3A_157 = arith.constant 0 : i32
          %parallel_loop3A_158 = arith.constant 0 : i32
          %parallel_loop3A_159 = tpu.memref_slice %arg5[%parallel_loop3A_157, %parallel_loop3A_158] : memref<8x1000xf32, #tpu.memory_space<vmem>> -> memref<1x1000xf32, #tpu.memory_space<vmem>>
          %parallel_loop3A_160 = tpu.memref_squeeze %parallel_loop3A_159 : memref<1x1000xf32, #tpu.memory_space<vmem>> -> memref<1000xf32, #tpu.memory_space<vmem>>
          %parallel_loop3A_161 = tpu.vector_load_idx %parallel_loop3A_160[%parallel_loop3A_153] : memref<1000xf32, #tpu.memory_space<vmem>>[vector<16xi32>], vector<16xf32>,
          %parallel_loop3A_162 = arith.constant 1 : i32
          %parallel_loop3A_163 = arith.constant 0 : i32
          %parallel_loop3A_164 = tpu.memref_slice %arg5[%parallel_loop3A_162, %parallel_loop3A_163] : memref<8x1000xf32, #tpu.memory_space<vmem>> -> memref<1x1000xf32, #tpu.memory_space<vmem>>
          %parallel_loop3A_165 = tpu.memref_squeeze %parallel_loop3A_164 : memref<1x1000xf32, #tpu.memory_space<vmem>> -> memref<1000xf32, #tpu.memory_space<vmem>>
          %parallel_loop3A_166 = tpu.vector_load_idx %parallel_loop3A_165[%parallel_loop3A_153] : memref<1000xf32, #tpu.memory_space<vmem>>[vector<16xi32>], vector<16xf32>,
          %parallel_loop3A_167 = arith.constant 2 : i32
          %parallel_loop3A_168 = arith.constant 0 : i32
          %parallel_loop3A_169 = tpu.memref_slice %arg5[%parallel_loop3A_167, %parallel_loop3A_168] : memref<8x1000xf32, #tpu.memory_space<vmem>> -> memref<1x1000xf32, #tpu.memory_space<vmem>>
          %parallel_loop3A_170 = tpu.memref_squeeze %parallel_loop3A_169 : memref<1x1000xf32, #tpu.memory_space<vmem>> -> memref<1000xf32, #tpu.memory_space<vmem>>
          %parallel_loop3A_171 = tpu.vector_load_idx %parallel_loop3A_170[%parallel_loop3A_153] : memref<1000xf32, #tpu.memory_space<vmem>>[vector<16xi32>], vector<16xf32>,
          %parallel_loop3A_172 = arith.constant 3 : i32
          %parallel_loop3A_173 = arith.constant 0 : i32
          %parallel_loop3A_174 = tpu.memref_slice %arg5[%parallel_loop3A_172, %parallel_loop3A_173] : memref<8x1000xf32, #tpu.memory_space<vmem>> -> memref<1x1000xf32, #tpu.memory_space<vmem>>
          %parallel_loop3A_175 = tpu.memref_squeeze %parallel_loop3A_174 : memref<1x1000xf32, #tpu.memory_space<vmem>> -> memref<1000xf32, #tpu.memory_space<vmem>>
          %parallel_loop3A_176 = tpu.vector_load_idx %parallel_loop3A_175[%parallel_loop3A_153] : memref<1000xf32, #tpu.memory_space<vmem>>[vector<16xi32>], vector<16xf32>,
          %parallel_loop3A_177 = arith.constant 4 : i32
          %parallel_loop3A_178 = arith.constant 0 : i32
          %parallel_loop3A_179 = tpu.memref_slice %arg5[%parallel_loop3A_177, %parallel_loop3A_178] : memref<8x1000xf32, #tpu.memory_space<vmem>> -> memref<1x1000xf32, #tpu.memory_space<vmem>>
          %parallel_loop3A_180 = tpu.memref_squeeze %parallel_loop3A_179 : memref<1x1000xf32, #tpu.memory_space<vmem>> -> memref<1000xf32, #tpu.memory_space<vmem>>
          %parallel_loop3A_181 = tpu.vector_load_idx %parallel_loop3A_180[%parallel_loop3A_153] : memref<1000xf32, #tpu.memory_space<vmem>>[vector<16xi32>], vector<16xf32>,
          %parallel_loop3A_182 = arith.constant 5 : i32
          %parallel_loop3A_183 = arith.constant 0 : i32
          %parallel_loop3A_184 = tpu.memref_slice %arg5[%parallel_loop3A_182, %parallel_loop3A_183] : memref<8x1000xf32, #tpu.memory_space<vmem>> -> memref<1x1000xf32, #tpu.memory_space<vmem>>
          %parallel_loop3A_185 = tpu.memref_squeeze %parallel_loop3A_184 : memref<1x1000xf32, #tpu.memory_space<vmem>> -> memref<1000xf32, #tpu.memory_space<vmem>>
          %parallel_loop3A_186 = tpu.vector_load_idx %parallel_loop3A_185[%parallel_loop3A_153] : memref<1000xf32, #tpu.memory_space<vmem>>[vector<16xi32>], vector<16xf32>,
          %parallel_loop3A_187 = arith.constant 6 : i32
          %parallel_loop3A_188 = arith.constant 0 : i32
          %parallel_loop3A_189 = tpu.memref_slice %arg5[%parallel_loop3A_187, %parallel_loop3A_188] : memref<8x1000xf32, #tpu.memory_space<vmem>> -> memref<1x1000xf32, #tpu.memory_space<vmem>>
          %parallel_loop3A_190 = tpu.memref_squeeze %parallel_loop3A_189 : memref<1x1000xf32, #tpu.memory_space<vmem>> -> memref<1000xf32, #tpu.memory_space<vmem>>
          %parallel_loop3A_191 = tpu.vector_load_idx %parallel_loop3A_190[%parallel_loop3A_153] : memref<1000xf32, #tpu.memory_space<vmem>>[vector<16xi32>], vector<16xf32>,
          %parallel_loop3A_192 = arith.constant 7 : i32
          %parallel_loop3A_193 = arith.constant 0 : i32
          %parallel_loop3A_194 = tpu.memref_slice %arg5[%parallel_loop3A_192, %parallel_loop3A_193] : memref<8x1000xf32, #tpu.memory_space<vmem>> -> memref<1x1000xf32, #tpu.memory_space<vmem>>
          %parallel_loop3A_195 = tpu.memref_squeeze %parallel_loop3A_194 : memref<1x1000xf32, #tpu.memory_space<vmem>> -> memref<1000xf32, #tpu.memory_space<vmem>>
          %parallel_loop3A_196 = tpu.vector_load_idx %parallel_loop3A_195[%parallel_loop3A_153] : memref<1000xf32, #tpu.memory_space<vmem>>[vector<16xi32>], vector<16xf32>,
          %parallel_loop3A_197 = arith.constant 0 : i32
          %parallel_loop3A_198 = arith.addi %parallel_loop3A_144, %parallel_loop3A_197 : i32
          %parallel_loop3A_199 = arith.constant 0 : i32
          %parallel_loop3A_200 = arith.addi %parallel_loop3A_198, %parallel_loop3A_199 : i32
          %parallel_loop3A_201 = arith.index_cast %parallel_loop3A_200 : i32 to index
          %parallel_loop3A_202 = tpu.vector_load %arg8[%parallel_loop3A_201] {strides = array<i32>} : memref<32768xf32, #tpu.memory_space<vmem>>, vector<16xf32>,
          tpu.vector_store %arg8[%parallel_loop3A_201], %parallel_loop3A_161 {strides = array<i32>} : memref<32768xf32, #tpu.memory_space<vmem>>, vector<16xf32>,
          %parallel_loop3A_203 = arith.constant 128 : i32
          %parallel_loop3A_204 = arith.addi %parallel_loop3A_144, %parallel_loop3A_203 : i32
          %parallel_loop3A_205 = arith.constant 0 : i32
          %parallel_loop3A_206 = arith.addi %parallel_loop3A_204, %parallel_loop3A_205 : i32
          %parallel_loop3A_207 = arith.index_cast %parallel_loop3A_206 : i32 to index
          %parallel_loop3A_208 = tpu.vector_load %arg8[%parallel_loop3A_207] {strides = array<i32>} : memref<32768xf32, #tpu.memory_space<vmem>>, vector<16xf32>,
          tpu.vector_store %arg8[%parallel_loop3A_207], %parallel_loop3A_166 {strides = array<i32>} : memref<32768xf32, #tpu.memory_space<vmem>>, vector<16xf32>,
          %parallel_loop3A_209 = arith.constant 256 : i32
          %parallel_loop3A_210 = arith.addi %parallel_loop3A_144, %parallel_loop3A_209 : i32
          %parallel_loop3A_211 = arith.constant 0 : i32
          %parallel_loop3A_212 = arith.addi %parallel_loop3A_210, %parallel_loop3A_211 : i32
          %parallel_loop3A_213 = arith.index_cast %parallel_loop3A_212 : i32 to index
          %parallel_loop3A_214 = tpu.vector_load %arg8[%parallel_loop3A_213] {strides = array<i32>} : memref<32768xf32, #tpu.memory_space<vmem>>, vector<16xf32>,
          tpu.vector_store %arg8[%parallel_loop3A_213], %parallel_loop3A_171 {strides = array<i32>} : memref<32768xf32, #tpu.memory_space<vmem>>, vector<16xf32>,
          %parallel_loop3A_215 = arith.constant 384 : i32
          %parallel_loop3A_216 = arith.addi %parallel_loop3A_144, %parallel_loop3A_215 : i32
          %parallel_loop3A_217 = arith.constant 0 : i32
          %parallel_loop3A_218 = arith.addi %parallel_loop3A_216, %parallel_loop3A_217 : i32
          %parallel_loop3A_219 = arith.index_cast %parallel_loop3A_218 : i32 to index
          %parallel_loop3A_220 = tpu.vector_load %arg8[%parallel_loop3A_219] {strides = array<i32>} : memref<32768xf32, #tpu.memory_space<vmem>>, vector<16xf32>,
          tpu.vector_store %arg8[%parallel_loop3A_219], %parallel_loop3A_176 {strides = array<i32>} : memref<32768xf32, #tpu.memory_space<vmem>>, vector<16xf32>,
          %parallel_loop3A_221 = arith.constant 512 : i32
          %parallel_loop3A_222 = arith.addi %parallel_loop3A_144, %parallel_loop3A_221 : i32
          %parallel_loop3A_223 = arith.constant 0 : i32
          %parallel_loop3A_224 = arith.addi %parallel_loop3A_222, %parallel_loop3A_223 : i32
          %parallel_loop3A_225 = arith.index_cast %parallel_loop3A_224 : i32 to index
          %parallel_loop3A_226 = tpu.vector_load %arg8[%parallel_loop3A_225] {strides = array<i32>} : memref<32768xf32, #tpu.memory_space<vmem>>, vector<16xf32>,
          tpu.vector_store %arg8[%parallel_loop3A_225], %parallel_loop3A_181 {strides = array<i32>} : memref<32768xf32, #tpu.memory_space<vmem>>, vector<16xf32>,
          %parallel_loop3A_227 = arith.constant 640 : i32
          %parallel_loop3A_228 = arith.addi %parallel_loop3A_144, %parallel_loop3A_227 : i32
          %parallel_loop3A_229 = arith.constant 0 : i32
          %parallel_loop3A_230 = arith.addi %parallel_loop3A_228, %parallel_loop3A_229 : i32
          %parallel_loop3A_231 = arith.index_cast %parallel_loop3A_230 : i32 to index
          %parallel_loop3A_232 = tpu.vector_load %arg8[%parallel_loop3A_231] {strides = array<i32>} : memref<32768xf32, #tpu.memory_space<vmem>>, vector<16xf32>,
          tpu.vector_store %arg8[%parallel_loop3A_231], %parallel_loop3A_186 {strides = array<i32>} : memref<32768xf32, #tpu.memory_space<vmem>>, vector<16xf32>,
          %parallel_loop3A_233 = arith.constant 768 : i32
          %parallel_loop3A_234 = arith.addi %parallel_loop3A_144, %parallel_loop3A_233 : i32
          %parallel_loop3A_235 = arith.constant 0 : i32
          %parallel_loop3A_236 = arith.addi %parallel_loop3A_234, %parallel_loop3A_235 : i32
          %parallel_loop3A_237 = arith.index_cast %parallel_loop3A_236 : i32 to index
          %parallel_loop3A_238 = tpu.vector_load %arg8[%parallel_loop3A_237] {strides = array<i32>} : memref<32768xf32, #tpu.memory_space<vmem>>, vector<16xf32>,
          tpu.vector_store %arg8[%parallel_loop3A_237], %parallel_loop3A_191 {strides = array<i32>} : memref<32768xf32, #tpu.memory_space<vmem>>, vector<16xf32>,
          %parallel_loop3A_239 = arith.constant 896 : i32
          %parallel_loop3A_240 = arith.addi %parallel_loop3A_144, %parallel_loop3A_239 : i32
          %parallel_loop3A_241 = arith.constant 0 : i32
          %parallel_loop3A_242 = arith.addi %parallel_loop3A_240, %parallel_loop3A_241 : i32
          %parallel_loop3A_243 = arith.index_cast %parallel_loop3A_242 : i32 to index
          %parallel_loop3A_244 = tpu.vector_load %arg8[%parallel_loop3A_243] {strides = array<i32>} : memref<32768xf32, #tpu.memory_space<vmem>>, vector<16xf32>,
          tpu.vector_store %arg8[%parallel_loop3A_243], %parallel_loop3A_196 {strides = array<i32>} : memref<32768xf32, #tpu.memory_space<vmem>>, vector<16xf32>,
          %parallel_loop3A_245 = arith.constant 0 : i32
          %parallel_loop3A_246 = arith.constant 0 : i32
          %parallel_loop3A_247 = tpu.memref_slice %arg5[%parallel_loop3A_245, %parallel_loop3A_246] : memref<8x1000xf32, #tpu.memory_space<vmem>> -> memref<1x1000xf32, #tpu.memory_space<vmem>>
          %parallel_loop3A_248 = tpu.memref_squeeze %parallel_loop3A_247 : memref<1x1000xf32, #tpu.memory_space<vmem>> -> memref<1000xf32, #tpu.memory_space<vmem>>
          %parallel_loop3A_249 = tpu.vector_load_idx %parallel_loop3A_248[%parallel_loop3A_156] : memref<1000xf32, #tpu.memory_space<vmem>>[vector<16xi32>], vector<16xf32>,
          %parallel_loop3A_250 = arith.constant 1 : i32
          %parallel_loop3A_251 = arith.constant 0 : i32
          %parallel_loop3A_252 = tpu.memref_slice %arg5[%parallel_loop3A_250, %parallel_loop3A_251] : memref<8x1000xf32, #tpu.memory_space<vmem>> -> memref<1x1000xf32, #tpu.memory_space<vmem>>
          %parallel_loop3A_253 = tpu.memref_squeeze %parallel_loop3A_252 : memref<1x1000xf32, #tpu.memory_space<vmem>> -> memref<1000xf32, #tpu.memory_space<vmem>>
          %parallel_loop3A_254 = tpu.vector_load_idx %parallel_loop3A_253[%parallel_loop3A_156] : memref<1000xf32, #tpu.memory_space<vmem>>[vector<16xi32>], vector<16xf32>,
          %parallel_loop3A_255 = arith.constant 2 : i32
          %parallel_loop3A_256 = arith.constant 0 : i32
          %parallel_loop3A_257 = tpu.memref_slice %arg5[%parallel_loop3A_255, %parallel_loop3A_256] : memref<8x1000xf32, #tpu.memory_space<vmem>> -> memref<1x1000xf32, #tpu.memory_space<vmem>>
          %parallel_loop3A_258 = tpu.memref_squeeze %parallel_loop3A_257 : memref<1x1000xf32, #tpu.memory_space<vmem>> -> memref<1000xf32, #tpu.memory_space<vmem>>
          %parallel_loop3A_259 = tpu.vector_load_idx %parallel_loop3A_258[%parallel_loop3A_156] : memref<1000xf32, #tpu.memory_space<vmem>>[vector<16xi32>], vector<16xf32>,
          %parallel_loop3A_260 = arith.constant 3 : i32
          %parallel_loop3A_261 = arith.constant 0 : i32
          %parallel_loop3A_262 = tpu.memref_slice %arg5[%parallel_loop3A_260, %parallel_loop3A_261] : memref<8x1000xf32, #tpu.memory_space<vmem>> -> memref<1x1000xf32, #tpu.memory_space<vmem>>
          %parallel_loop3A_263 = tpu.memref_squeeze %parallel_loop3A_262 : memref<1x1000xf32, #tpu.memory_space<vmem>> -> memref<1000xf32, #tpu.memory_space<vmem>>
          %parallel_loop3A_264 = tpu.vector_load_idx %parallel_loop3A_263[%parallel_loop3A_156] : memref<1000xf32, #tpu.memory_space<vmem>>[vector<16xi32>], vector<16xf32>,
          %parallel_loop3A_265 = arith.constant 4 : i32
          %parallel_loop3A_266 = arith.constant 0 : i32
          %parallel_loop3A_267 = tpu.memref_slice %arg5[%parallel_loop3A_265, %parallel_loop3A_266] : memref<8x1000xf32, #tpu.memory_space<vmem>> -> memref<1x1000xf32, #tpu.memory_space<vmem>>
          %parallel_loop3A_268 = tpu.memref_squeeze %parallel_loop3A_267 : memref<1x1000xf32, #tpu.memory_space<vmem>> -> memref<1000xf32, #tpu.memory_space<vmem>>
          %parallel_loop3A_269 = tpu.vector_load_idx %parallel_loop3A_268[%parallel_loop3A_156] : memref<1000xf32, #tpu.memory_space<vmem>>[vector<16xi32>], vector<16xf32>,
          %parallel_loop3A_270 = arith.constant 5 : i32
          %parallel_loop3A_271 = arith.constant 0 : i32
          %parallel_loop3A_272 = tpu.memref_slice %arg5[%parallel_loop3A_270, %parallel_loop3A_271] : memref<8x1000xf32, #tpu.memory_space<vmem>> -> memref<1x1000xf32, #tpu.memory_space<vmem>>
          %parallel_loop3A_273 = tpu.memref_squeeze %parallel_loop3A_272 : memref<1x1000xf32, #tpu.memory_space<vmem>> -> memref<1000xf32, #tpu.memory_space<vmem>>
          %parallel_loop3A_274 = tpu.vector_load_idx %parallel_loop3A_273[%parallel_loop3A_156] : memref<1000xf32, #tpu.memory_space<vmem>>[vector<16xi32>], vector<16xf32>,
          %parallel_loop3A_275 = arith.constant 6 : i32
          %parallel_loop3A_276 = arith.constant 0 : i32
          %parallel_loop3A_277 = tpu.memref_slice %arg5[%parallel_loop3A_275, %parallel_loop3A_276] : memref<8x1000xf32, #tpu.memory_space<vmem>> -> memref<1x1000xf32, #tpu.memory_space<vmem>>
          %parallel_loop3A_278 = tpu.memref_squeeze %parallel_loop3A_277 : memref<1x1000xf32, #tpu.memory_space<vmem>> -> memref<1000xf32, #tpu.memory_space<vmem>>
          %parallel_loop3A_279 = tpu.vector_load_idx %parallel_loop3A_278[%parallel_loop3A_156] : memref<1000xf32, #tpu.memory_space<vmem>>[vector<16xi32>], vector<16xf32>,
          %parallel_loop3A_280 = arith.constant 7 : i32
          %parallel_loop3A_281 = arith.constant 0 : i32
          %parallel_loop3A_282 = tpu.memref_slice %arg5[%parallel_loop3A_280, %parallel_loop3A_281] : memref<8x1000xf32, #tpu.memory_space<vmem>> -> memref<1x1000xf32, #tpu.memory_space<vmem>>
          %parallel_loop3A_283 = tpu.memref_squeeze %parallel_loop3A_282 : memref<1x1000xf32, #tpu.memory_space<vmem>> -> memref<1000xf32, #tpu.memory_space<vmem>>
          %parallel_loop3A_284 = tpu.vector_load_idx %parallel_loop3A_283[%parallel_loop3A_156] : memref<1000xf32, #tpu.memory_space<vmem>>[vector<16xi32>], vector<16xf32>,
          %parallel_loop3A_285 = arith.constant 0 : i32
          %parallel_loop3A_286 = arith.addi %parallel_loop3A_144, %parallel_loop3A_285 : i32
          %parallel_loop3A_287 = arith.constant 16 : i32
          %parallel_loop3A_288 = arith.addi %parallel_loop3A_286, %parallel_loop3A_287 : i32
          %parallel_loop3A_289 = arith.index_cast %parallel_loop3A_288 : i32 to index
          %parallel_loop3A_290 = tpu.vector_load %arg8[%parallel_loop3A_289] {strides = array<i32>} : memref<32768xf32, #tpu.memory_space<vmem>>, vector<16xf32>,
          tpu.vector_store %arg8[%parallel_loop3A_289], %parallel_loop3A_249 {strides = array<i32>} : memref<32768xf32, #tpu.memory_space<vmem>>, vector<16xf32>,
          %parallel_loop3A_291 = arith.constant 128 : i32
          %parallel_loop3A_292 = arith.addi %parallel_loop3A_144, %parallel_loop3A_291 : i32
          %parallel_loop3A_293 = arith.constant 16 : i32
          %parallel_loop3A_294 = arith.addi %parallel_loop3A_292, %parallel_loop3A_293 : i32
          %parallel_loop3A_295 = arith.index_cast %parallel_loop3A_294 : i32 to index
          %parallel_loop3A_296 = tpu.vector_load %arg8[%parallel_loop3A_295] {strides = array<i32>} : memref<32768xf32, #tpu.memory_space<vmem>>, vector<16xf32>,
          tpu.vector_store %arg8[%parallel_loop3A_295], %parallel_loop3A_254 {strides = array<i32>} : memref<32768xf32, #tpu.memory_space<vmem>>, vector<16xf32>,
          %parallel_loop3A_297 = arith.constant 256 : i32
          %parallel_loop3A_298 = arith.addi %parallel_loop3A_144, %parallel_loop3A_297 : i32
          %parallel_loop3A_299 = arith.constant 16 : i32
          %parallel_loop3A_300 = arith.addi %parallel_loop3A_298, %parallel_loop3A_299 : i32
          %parallel_loop3A_301 = arith.index_cast %parallel_loop3A_300 : i32 to index
          %parallel_loop3A_302 = tpu.vector_load %arg8[%parallel_loop3A_301] {strides = array<i32>} : memref<32768xf32, #tpu.memory_space<vmem>>, vector<16xf32>,
          tpu.vector_store %arg8[%parallel_loop3A_301], %parallel_loop3A_259 {strides = array<i32>} : memref<32768xf32, #tpu.memory_space<vmem>>, vector<16xf32>,
          %parallel_loop3A_303 = arith.constant 384 : i32
          %parallel_loop3A_304 = arith.addi %parallel_loop3A_144, %parallel_loop3A_303 : i32
          %parallel_loop3A_305 = arith.constant 16 : i32
          %parallel_loop3A_306 = arith.addi %parallel_loop3A_304, %parallel_loop3A_305 : i32
          %parallel_loop3A_307 = arith.index_cast %parallel_loop3A_306 : i32 to index
          %parallel_loop3A_308 = tpu.vector_load %arg8[%parallel_loop3A_307] {strides = array<i32>} : memref<32768xf32, #tpu.memory_space<vmem>>, vector<16xf32>,
          tpu.vector_store %arg8[%parallel_loop3A_307], %parallel_loop3A_264 {strides = array<i32>} : memref<32768xf32, #tpu.memory_space<vmem>>, vector<16xf32>,
          %parallel_loop3A_309 = arith.constant 512 : i32
          %parallel_loop3A_310 = arith.addi %parallel_loop3A_144, %parallel_loop3A_309 : i32
          %parallel_loop3A_311 = arith.constant 16 : i32
          %parallel_loop3A_312 = arith.addi %parallel_loop3A_310, %parallel_loop3A_311 : i32
          %parallel_loop3A_313 = arith.index_cast %parallel_loop3A_312 : i32 to index
          %parallel_loop3A_314 = tpu.vector_load %arg8[%parallel_loop3A_313] {strides = array<i32>} : memref<32768xf32, #tpu.memory_space<vmem>>, vector<16xf32>,
          tpu.vector_store %arg8[%parallel_loop3A_313], %parallel_loop3A_269 {strides = array<i32>} : memref<32768xf32, #tpu.memory_space<vmem>>, vector<16xf32>,
          %parallel_loop3A_315 = arith.constant 640 : i32
          %parallel_loop3A_316 = arith.addi %parallel_loop3A_144, %parallel_loop3A_315 : i32
          %parallel_loop3A_317 = arith.constant 16 : i32
          %parallel_loop3A_318 = arith.addi %parallel_loop3A_316, %parallel_loop3A_317 : i32
          %parallel_loop3A_319 = arith.index_cast %parallel_loop3A_318 : i32 to index
          %parallel_loop3A_320 = tpu.vector_load %arg8[%parallel_loop3A_319] {strides = array<i32>} : memref<32768xf32, #tpu.memory_space<vmem>>, vector<16xf32>,
          tpu.vector_store %arg8[%parallel_loop3A_319], %parallel_loop3A_274 {strides = array<i32>} : memref<32768xf32, #tpu.memory_space<vmem>>, vector<16xf32>,
          %parallel_loop3A_321 = arith.constant 768 : i32
          %parallel_loop3A_322 = arith.addi %parallel_loop3A_144, %parallel_loop3A_321 : i32
          %parallel_loop3A_323 = arith.constant 16 : i32
          %parallel_loop3A_324 = arith.addi %parallel_loop3A_322, %parallel_loop3A_323 : i32
          %parallel_loop3A_325 = arith.index_cast %parallel_loop3A_324 : i32 to index
          %parallel_loop3A_326 = tpu.vector_load %arg8[%parallel_loop3A_325] {strides = array<i32>} : memref<32768xf32, #tpu.memory_space<vmem>>, vector<16xf32>,
          tpu.vector_store %arg8[%parallel_loop3A_325], %parallel_loop3A_279 {strides = array<i32>} : memref<32768xf32, #tpu.memory_space<vmem>>, vector<16xf32>,
          %parallel_loop3A_327 = arith.constant 896 : i32
          %parallel_loop3A_328 = arith.addi %parallel_loop3A_144, %parallel_loop3A_327 : i32
          %parallel_loop3A_329 = arith.constant 16 : i32
          %parallel_loop3A_330 = arith.addi %parallel_loop3A_328, %parallel_loop3A_329 : i32
          %parallel_loop3A_331 = arith.index_cast %parallel_loop3A_330 : i32 to index
          %parallel_loop3A_332 = tpu.vector_load %arg8[%parallel_loop3A_331] {strides = array<i32>} : memref<32768xf32, #tpu.memory_space<vmem>>, vector<16xf32>,
          tpu.vector_store %arg8[%parallel_loop3A_331], %parallel_loop3A_284 {strides = array<i32>} : memref<32768xf32, #tpu.memory_space<vmem>>, vector<16xf32>,
          %parallel_loop3A_333 = arith.constant 64 : i32
          %parallel_loop3A_334 = arith.muli %parallel_loop3A_142, %parallel_loop3A_333 : i32
          %parallel_loop3A_335 = arith.constant 16 : i32
          %parallel_loop3A_336 = arith.addi %parallel_loop3A_334, %parallel_loop3A_335 : i32
          %parallel_loop3A_337 = arith.index_cast %parallel_loop3A_336 : i32 to index
          %parallel_loop3A_338 = tpu.vector_load %arg6[%parallel_loop3A_337] {strides = array<i32>} : memref<2048xi32, #tpu.memory_space<vmem>>, vector<16xi32>,
          %parallel_loop3A_339 = arith.constant 65535 : i32
          %parallel_loop3A_340 = vector.broadcast %parallel_loop3A_339 : i32 to vector<16xi32>
          %parallel_loop3A_341 = arith.andi %parallel_loop3A_338, %parallel_loop3A_340 : vector<16xi32>
          %parallel_loop3A_342 = arith.constant 16 : i32
          %parallel_loop3A_343 = vector.broadcast %parallel_loop3A_342 : i32 to vector<16xi32>
          %parallel_loop3A_344 = arith.shrui %parallel_loop3A_338, %parallel_loop3A_343 : vector<16xi32>
          %parallel_loop3A_345 = arith.constant 0 : i32
          %parallel_loop3A_346 = arith.constant 0 : i32
          %parallel_loop3A_347 = tpu.memref_slice %arg5[%parallel_loop3A_345, %parallel_loop3A_346] : memref<8x1000xf32, #tpu.memory_space<vmem>> -> memref<1x1000xf32, #tpu.memory_space<vmem>>
          %parallel_loop3A_348 = tpu.memref_squeeze %parallel_loop3A_347 : memref<1x1000xf32, #tpu.memory_space<vmem>> -> memref<1000xf32, #tpu.memory_space<vmem>>
          %parallel_loop3A_349 = tpu.vector_load_idx %parallel_loop3A_348[%parallel_loop3A_341] : memref<1000xf32, #tpu.memory_space<vmem>>[vector<16xi32>], vector<16xf32>,
          %parallel_loop3A_350 = arith.constant 1 : i32
          %parallel_loop3A_351 = arith.constant 0 : i32
          %parallel_loop3A_352 = tpu.memref_slice %arg5[%parallel_loop3A_350, %parallel_loop3A_351] : memref<8x1000xf32, #tpu.memory_space<vmem>> -> memref<1x1000xf32, #tpu.memory_space<vmem>>
          %parallel_loop3A_353 = tpu.memref_squeeze %parallel_loop3A_352 : memref<1x1000xf32, #tpu.memory_space<vmem>> -> memref<1000xf32, #tpu.memory_space<vmem>>
          %parallel_loop3A_354 = tpu.vector_load_idx %parallel_loop3A_353[%parallel_loop3A_341] : memref<1000xf32, #tpu.memory_space<vmem>>[vector<16xi32>], vector<16xf32>,
          %parallel_loop3A_355 = arith.constant 2 : i32
          %parallel_loop3A_356 = arith.constant 0 : i32
          %parallel_loop3A_357 = tpu.memref_slice %arg5[%parallel_loop3A_355, %parallel_loop3A_356] : memref<8x1000xf32, #tpu.memory_space<vmem>> -> memref<1x1000xf32, #tpu.memory_space<vmem>>
          %parallel_loop3A_358 = tpu.memref_squeeze %parallel_loop3A_357 : memref<1x1000xf32, #tpu.memory_space<vmem>> -> memref<1000xf32, #tpu.memory_space<vmem>>
          %parallel_loop3A_359 = tpu.vector_load_idx %parallel_loop3A_358[%parallel_loop3A_341] : memref<1000xf32, #tpu.memory_space<vmem>>[vector<16xi32>], vector<16xf32>,
          %parallel_loop3A_360 = arith.constant 3 : i32
          %parallel_loop3A_361 = arith.constant 0 : i32
          %parallel_loop3A_362 = tpu.memref_slice %arg5[%parallel_loop3A_360, %parallel_loop3A_361] : memref<8x1000xf32, #tpu.memory_space<vmem>> -> memref<1x1000xf32, #tpu.memory_space<vmem>>
          %parallel_loop3A_363 = tpu.memref_squeeze %parallel_loop3A_362 : memref<1x1000xf32, #tpu.memory_space<vmem>> -> memref<1000xf32, #tpu.memory_space<vmem>>
          %parallel_loop3A_364 = tpu.vector_load_idx %parallel_loop3A_363[%parallel_loop3A_341] : memref<1000xf32, #tpu.memory_space<vmem>>[vector<16xi32>], vector<16xf32>,
          %parallel_loop3A_365 = arith.constant 4 : i32
          %parallel_loop3A_366 = arith.constant 0 : i32
          %parallel_loop3A_367 = tpu.memref_slice %arg5[%parallel_loop3A_365, %parallel_loop3A_366] : memref<8x1000xf32, #tpu.memory_space<vmem>> -> memref<1x1000xf32, #tpu.memory_space<vmem>>
          %parallel_loop3A_368 = tpu.memref_squeeze %parallel_loop3A_367 : memref<1x1000xf32, #tpu.memory_space<vmem>> -> memref<1000xf32, #tpu.memory_space<vmem>>
          %parallel_loop3A_369 = tpu.vector_load_idx %parallel_loop3A_368[%parallel_loop3A_341] : memref<1000xf32, #tpu.memory_space<vmem>>[vector<16xi32>], vector<16xf32>,
          %parallel_loop3A_370 = arith.constant 5 : i32
          %parallel_loop3A_371 = arith.constant 0 : i32
          %parallel_loop3A_372 = tpu.memref_slice %arg5[%parallel_loop3A_370, %parallel_loop3A_371] : memref<8x1000xf32, #tpu.memory_space<vmem>> -> memref<1x1000xf32, #tpu.memory_space<vmem>>
          %parallel_loop3A_373 = tpu.memref_squeeze %parallel_loop3A_372 : memref<1x1000xf32, #tpu.memory_space<vmem>> -> memref<1000xf32, #tpu.memory_space<vmem>>
          %parallel_loop3A_374 = tpu.vector_load_idx %parallel_loop3A_373[%parallel_loop3A_341] : memref<1000xf32, #tpu.memory_space<vmem>>[vector<16xi32>], vector<16xf32>,
          %parallel_loop3A_375 = arith.constant 6 : i32
          %parallel_loop3A_376 = arith.constant 0 : i32
          %parallel_loop3A_377 = tpu.memref_slice %arg5[%parallel_loop3A_375, %parallel_loop3A_376] : memref<8x1000xf32, #tpu.memory_space<vmem>> -> memref<1x1000xf32, #tpu.memory_space<vmem>>
          %parallel_loop3A_378 = tpu.memref_squeeze %parallel_loop3A_377 : memref<1x1000xf32, #tpu.memory_space<vmem>> -> memref<1000xf32, #tpu.memory_space<vmem>>
          %parallel_loop3A_379 = tpu.vector_load_idx %parallel_loop3A_378[%parallel_loop3A_341] : memref<1000xf32, #tpu.memory_space<vmem>>[vector<16xi32>], vector<16xf32>,
          %parallel_loop3A_380 = arith.constant 7 : i32
          %parallel_loop3A_381 = arith.constant 0 : i32
          %parallel_loop3A_382 = tpu.memref_slice %arg5[%parallel_loop3A_380, %parallel_loop3A_381] : memref<8x1000xf32, #tpu.memory_space<vmem>> -> memref<1x1000xf32, #tpu.memory_space<vmem>>
          %parallel_loop3A_383 = tpu.memref_squeeze %parallel_loop3A_382 : memref<1x1000xf32, #tpu.memory_space<vmem>> -> memref<1000xf32, #tpu.memory_space<vmem>>
          %parallel_loop3A_384 = tpu.vector_load_idx %parallel_loop3A_383[%parallel_loop3A_341] : memref<1000xf32, #tpu.memory_space<vmem>>[vector<16xi32>], vector<16xf32>,
          %parallel_loop3A_385 = arith.constant 0 : i32
          %parallel_loop3A_386 = arith.addi %parallel_loop3A_144, %parallel_loop3A_385 : i32
          %parallel_loop3A_387 = arith.constant 32 : i32
          %parallel_loop3A_388 = arith.addi %parallel_loop3A_386, %parallel_loop3A_387 : i32
          %parallel_loop3A_389 = arith.index_cast %parallel_loop3A_388 : i32 to index
          %parallel_loop3A_390 = tpu.vector_load %arg8[%parallel_loop3A_389] {strides = array<i32>} : memref<32768xf32, #tpu.memory_space<vmem>>, vector<16xf32>,
          tpu.vector_store %arg8[%parallel_loop3A_389], %parallel_loop3A_349 {strides = array<i32>} : memref<32768xf32, #tpu.memory_space<vmem>>, vector<16xf32>,
          %parallel_loop3A_391 = arith.constant 128 : i32
          %parallel_loop3A_392 = arith.addi %parallel_loop3A_144, %parallel_loop3A_391 : i32
          %parallel_loop3A_393 = arith.constant 32 : i32
          %parallel_loop3A_394 = arith.addi %parallel_loop3A_392, %parallel_loop3A_393 : i32
          %parallel_loop3A_395 = arith.index_cast %parallel_loop3A_394 : i32 to index
          %parallel_loop3A_396 = tpu.vector_load %arg8[%parallel_loop3A_395] {strides = array<i32>} : memref<32768xf32, #tpu.memory_space<vmem>>, vector<16xf32>,
          tpu.vector_store %arg8[%parallel_loop3A_395], %parallel_loop3A_354 {strides = array<i32>} : memref<32768xf32, #tpu.memory_space<vmem>>, vector<16xf32>,
          %parallel_loop3A_397 = arith.constant 256 : i32
          %parallel_loop3A_398 = arith.addi %parallel_loop3A_144, %parallel_loop3A_397 : i32
          %parallel_loop3A_399 = arith.constant 32 : i32
          %parallel_loop3A_400 = arith.addi %parallel_loop3A_398, %parallel_loop3A_399 : i32
          %parallel_loop3A_401 = arith.index_cast %parallel_loop3A_400 : i32 to index
          %parallel_loop3A_402 = tpu.vector_load %arg8[%parallel_loop3A_401] {strides = array<i32>} : memref<32768xf32, #tpu.memory_space<vmem>>, vector<16xf32>,
          tpu.vector_store %arg8[%parallel_loop3A_401], %parallel_loop3A_359 {strides = array<i32>} : memref<32768xf32, #tpu.memory_space<vmem>>, vector<16xf32>,
          %parallel_loop3A_403 = arith.constant 384 : i32
          %parallel_loop3A_404 = arith.addi %parallel_loop3A_144, %parallel_loop3A_403 : i32
          %parallel_loop3A_405 = arith.constant 32 : i32
          %parallel_loop3A_406 = arith.addi %parallel_loop3A_404, %parallel_loop3A_405 : i32
          %parallel_loop3A_407 = arith.index_cast %parallel_loop3A_406 : i32 to index
          %parallel_loop3A_408 = tpu.vector_load %arg8[%parallel_loop3A_407] {strides = array<i32>} : memref<32768xf32, #tpu.memory_space<vmem>>, vector<16xf32>,
          tpu.vector_store %arg8[%parallel_loop3A_407], %parallel_loop3A_364 {strides = array<i32>} : memref<32768xf32, #tpu.memory_space<vmem>>, vector<16xf32>,
          %parallel_loop3A_409 = arith.constant 512 : i32
          %parallel_loop3A_410 = arith.addi %parallel_loop3A_144, %parallel_loop3A_409 : i32
          %parallel_loop3A_411 = arith.constant 32 : i32
          %parallel_loop3A_412 = arith.addi %parallel_loop3A_410, %parallel_loop3A_411 : i32
          %parallel_loop3A_413 = arith.index_cast %parallel_loop3A_412 : i32 to index
          %parallel_loop3A_414 = tpu.vector_load %arg8[%parallel_loop3A_413] {strides = array<i32>} : memref<32768xf32, #tpu.memory_space<vmem>>, vector<16xf32>,
          tpu.vector_store %arg8[%parallel_loop3A_413], %parallel_loop3A_369 {strides = array<i32>} : memref<32768xf32, #tpu.memory_space<vmem>>, vector<16xf32>,
          %parallel_loop3A_415 = arith.constant 640 : i32
          %parallel_loop3A_416 = arith.addi %parallel_loop3A_144, %parallel_loop3A_415 : i32
          %parallel_loop3A_417 = arith.constant 32 : i32
          %parallel_loop3A_418 = arith.addi %parallel_loop3A_416, %parallel_loop3A_417 : i32
          %parallel_loop3A_419 = arith.index_cast %parallel_loop3A_418 : i32 to index
          %parallel_loop3A_420 = tpu.vector_load %arg8[%parallel_loop3A_419] {strides = array<i32>} : memref<32768xf32, #tpu.memory_space<vmem>>, vector<16xf32>,
          tpu.vector_store %arg8[%parallel_loop3A_419], %parallel_loop3A_374 {strides = array<i32>} : memref<32768xf32, #tpu.memory_space<vmem>>, vector<16xf32>,
          %parallel_loop3A_421 = arith.constant 768 : i32
          %parallel_loop3A_422 = arith.addi %parallel_loop3A_144, %parallel_loop3A_421 : i32
          %parallel_loop3A_423 = arith.constant 32 : i32
          %parallel_loop3A_424 = arith.addi %parallel_loop3A_422, %parallel_loop3A_423 : i32
          %parallel_loop3A_425 = arith.index_cast %parallel_loop3A_424 : i32 to index
          %parallel_loop3A_426 = tpu.vector_load %arg8[%parallel_loop3A_425] {strides = array<i32>} : memref<32768xf32, #tpu.memory_space<vmem>>, vector<16xf32>,
          tpu.vector_store %arg8[%parallel_loop3A_425], %parallel_loop3A_379 {strides = array<i32>} : memref<32768xf32, #tpu.memory_space<vmem>>, vector<16xf32>,
          %parallel_loop3A_427 = arith.constant 896 : i32
          %parallel_loop3A_428 = arith.addi %parallel_loop3A_144, %parallel_loop3A_427 : i32
          %parallel_loop3A_429 = arith.constant 32 : i32
          %parallel_loop3A_430 = arith.addi %parallel_loop3A_428, %parallel_loop3A_429 : i32
          %parallel_loop3A_431 = arith.index_cast %parallel_loop3A_430 : i32 to index
          %parallel_loop3A_432 = tpu.vector_load %arg8[%parallel_loop3A_431] {strides = array<i32>} : memref<32768xf32, #tpu.memory_space<vmem>>, vector<16xf32>,
          tpu.vector_store %arg8[%parallel_loop3A_431], %parallel_loop3A_384 {strides = array<i32>} : memref<32768xf32, #tpu.memory_space<vmem>>, vector<16xf32>,
          %parallel_loop3A_433 = arith.constant 0 : i32
          %parallel_loop3A_434 = arith.constant 0 : i32
          %parallel_loop3A_435 = tpu.memref_slice %arg5[%parallel_loop3A_433, %parallel_loop3A_434] : memref<8x1000xf32, #tpu.memory_space<vmem>> -> memref<1x1000xf32, #tpu.memory_space<vmem>>
          %parallel_loop3A_436 = tpu.memref_squeeze %parallel_loop3A_435 : memref<1x1000xf32, #tpu.memory_space<vmem>> -> memref<1000xf32, #tpu.memory_space<vmem>>
          %parallel_loop3A_437 = tpu.vector_load_idx %parallel_loop3A_436[%parallel_loop3A_344] : memref<1000xf32, #tpu.memory_space<vmem>>[vector<16xi32>], vector<16xf32>,
          %parallel_loop3A_438 = arith.constant 1 : i32
          %parallel_loop3A_439 = arith.constant 0 : i32
          %parallel_loop3A_440 = tpu.memref_slice %arg5[%parallel_loop3A_438, %parallel_loop3A_439] : memref<8x1000xf32, #tpu.memory_space<vmem>> -> memref<1x1000xf32, #tpu.memory_space<vmem>>
          %parallel_loop3A_441 = tpu.memref_squeeze %parallel_loop3A_440 : memref<1x1000xf32, #tpu.memory_space<vmem>> -> memref<1000xf32, #tpu.memory_space<vmem>>
          %parallel_loop3A_442 = tpu.vector_load_idx %parallel_loop3A_441[%parallel_loop3A_344] : memref<1000xf32, #tpu.memory_space<vmem>>[vector<16xi32>], vector<16xf32>,
          %parallel_loop3A_443 = arith.constant 2 : i32
          %parallel_loop3A_444 = arith.constant 0 : i32
          %parallel_loop3A_445 = tpu.memref_slice %arg5[%parallel_loop3A_443, %parallel_loop3A_444] : memref<8x1000xf32, #tpu.memory_space<vmem>> -> memref<1x1000xf32, #tpu.memory_space<vmem>>
          %parallel_loop3A_446 = tpu.memref_squeeze %parallel_loop3A_445 : memref<1x1000xf32, #tpu.memory_space<vmem>> -> memref<1000xf32, #tpu.memory_space<vmem>>
          %parallel_loop3A_447 = tpu.vector_load_idx %parallel_loop3A_446[%parallel_loop3A_344] : memref<1000xf32, #tpu.memory_space<vmem>>[vector<16xi32>], vector<16xf32>,
          %parallel_loop3A_448 = arith.constant 3 : i32
          %parallel_loop3A_449 = arith.constant 0 : i32
          %parallel_loop3A_450 = tpu.memref_slice %arg5[%parallel_loop3A_448, %parallel_loop3A_449] : memref<8x1000xf32, #tpu.memory_space<vmem>> -> memref<1x1000xf32, #tpu.memory_space<vmem>>
          %parallel_loop3A_451 = tpu.memref_squeeze %parallel_loop3A_450 : memref<1x1000xf32, #tpu.memory_space<vmem>> -> memref<1000xf32, #tpu.memory_space<vmem>>
          %parallel_loop3A_452 = tpu.vector_load_idx %parallel_loop3A_451[%parallel_loop3A_344] : memref<1000xf32, #tpu.memory_space<vmem>>[vector<16xi32>], vector<16xf32>,
          %parallel_loop3A_453 = arith.constant 4 : i32
          %parallel_loop3A_454 = arith.constant 0 : i32
          %parallel_loop3A_455 = tpu.memref_slice %arg5[%parallel_loop3A_453, %parallel_loop3A_454] : memref<8x1000xf32, #tpu.memory_space<vmem>> -> memref<1x1000xf32, #tpu.memory_space<vmem>>
          %parallel_loop3A_456 = tpu.memref_squeeze %parallel_loop3A_455 : memref<1x1000xf32, #tpu.memory_space<vmem>> -> memref<1000xf32, #tpu.memory_space<vmem>>
          %parallel_loop3A_457 = tpu.vector_load_idx %parallel_loop3A_456[%parallel_loop3A_344] : memref<1000xf32, #tpu.memory_space<vmem>>[vector<16xi32>], vector<16xf32>,
          %parallel_loop3A_458 = arith.constant 5 : i32
          %parallel_loop3A_459 = arith.constant 0 : i32
          %parallel_loop3A_460 = tpu.memref_slice %arg5[%parallel_loop3A_458, %parallel_loop3A_459] : memref<8x1000xf32, #tpu.memory_space<vmem>> -> memref<1x1000xf32, #tpu.memory_space<vmem>>
          %parallel_loop3A_461 = tpu.memref_squeeze %parallel_loop3A_460 : memref<1x1000xf32, #tpu.memory_space<vmem>> -> memref<1000xf32, #tpu.memory_space<vmem>>
          %parallel_loop3A_462 = tpu.vector_load_idx %parallel_loop3A_461[%parallel_loop3A_344] : memref<1000xf32, #tpu.memory_space<vmem>>[vector<16xi32>], vector<16xf32>,
          %parallel_loop3A_463 = arith.constant 6 : i32
          %parallel_loop3A_464 = arith.constant 0 : i32
          %parallel_loop3A_465 = tpu.memref_slice %arg5[%parallel_loop3A_463, %parallel_loop3A_464] : memref<8x1000xf32, #tpu.memory_space<vmem>> -> memref<1x1000xf32, #tpu.memory_space<vmem>>
          %parallel_loop3A_466 = tpu.memref_squeeze %parallel_loop3A_465 : memref<1x1000xf32, #tpu.memory_space<vmem>> -> memref<1000xf32, #tpu.memory_space<vmem>>
          %parallel_loop3A_467 = tpu.vector_load_idx %parallel_loop3A_466[%parallel_loop3A_344] : memref<1000xf32, #tpu.memory_space<vmem>>[vector<16xi32>], vector<16xf32>,
          %parallel_loop3A_468 = arith.constant 7 : i32
          %parallel_loop3A_469 = arith.constant 0 : i32
          %parallel_loop3A_470 = tpu.memref_slice %arg5[%parallel_loop3A_468, %parallel_loop3A_469] : memref<8x1000xf32, #tpu.memory_space<vmem>> -> memref<1x1000xf32, #tpu.memory_space<vmem>>
          %parallel_loop3A_471 = tpu.memref_squeeze %parallel_loop3A_470 : memref<1x1000xf32, #tpu.memory_space<vmem>> -> memref<1000xf32, #tpu.memory_space<vmem>>
          %parallel_loop3A_472 = tpu.vector_load_idx %parallel_loop3A_471[%parallel_loop3A_344] : memref<1000xf32, #tpu.memory_space<vmem>>[vector<16xi32>], vector<16xf32>,
          %parallel_loop3A_473 = arith.constant 0 : i32
          %parallel_loop3A_474 = arith.addi %parallel_loop3A_144, %parallel_loop3A_473 : i32
          %parallel_loop3A_475 = arith.constant 48 : i32
          %parallel_loop3A_476 = arith.addi %parallel_loop3A_474, %parallel_loop3A_475 : i32
          %parallel_loop3A_477 = arith.index_cast %parallel_loop3A_476 : i32 to index
          %parallel_loop3A_478 = tpu.vector_load %arg8[%parallel_loop3A_477] {strides = array<i32>} : memref<32768xf32, #tpu.memory_space<vmem>>, vector<16xf32>,
          tpu.vector_store %arg8[%parallel_loop3A_477], %parallel_loop3A_437 {strides = array<i32>} : memref<32768xf32, #tpu.memory_space<vmem>>, vector<16xf32>,
          %parallel_loop3A_479 = arith.constant 128 : i32
          %parallel_loop3A_480 = arith.addi %parallel_loop3A_144, %parallel_loop3A_479 : i32
          %parallel_loop3A_481 = arith.constant 48 : i32
          %parallel_loop3A_482 = arith.addi %parallel_loop3A_480, %parallel_loop3A_481 : i32
          %parallel_loop3A_483 = arith.index_cast %parallel_loop3A_482 : i32 to index
          %parallel_loop3A_484 = tpu.vector_load %arg8[%parallel_loop3A_483] {strides = array<i32>} : memref<32768xf32, #tpu.memory_space<vmem>>, vector<16xf32>,
          tpu.vector_store %arg8[%parallel_loop3A_483], %parallel_loop3A_442 {strides = array<i32>} : memref<32768xf32, #tpu.memory_space<vmem>>, vector<16xf32>,
          %parallel_loop3A_485 = arith.constant 256 : i32
          %parallel_loop3A_486 = arith.addi %parallel_loop3A_144, %parallel_loop3A_485 : i32
          %parallel_loop3A_487 = arith.constant 48 : i32
          %parallel_loop3A_488 = arith.addi %parallel_loop3A_486, %parallel_loop3A_487 : i32
          %parallel_loop3A_489 = arith.index_cast %parallel_loop3A_488 : i32 to index
          %parallel_loop3A_490 = tpu.vector_load %arg8[%parallel_loop3A_489] {strides = array<i32>} : memref<32768xf32, #tpu.memory_space<vmem>>, vector<16xf32>,
          tpu.vector_store %arg8[%parallel_loop3A_489], %parallel_loop3A_447 {strides = array<i32>} : memref<32768xf32, #tpu.memory_space<vmem>>, vector<16xf32>,
          %parallel_loop3A_491 = arith.constant 384 : i32
          %parallel_loop3A_492 = arith.addi %parallel_loop3A_144, %parallel_loop3A_491 : i32
          %parallel_loop3A_493 = arith.constant 48 : i32
          %parallel_loop3A_494 = arith.addi %parallel_loop3A_492, %parallel_loop3A_493 : i32
          %parallel_loop3A_495 = arith.index_cast %parallel_loop3A_494 : i32 to index
          %parallel_loop3A_496 = tpu.vector_load %arg8[%parallel_loop3A_495] {strides = array<i32>} : memref<32768xf32, #tpu.memory_space<vmem>>, vector<16xf32>,
          tpu.vector_store %arg8[%parallel_loop3A_495], %parallel_loop3A_452 {strides = array<i32>} : memref<32768xf32, #tpu.memory_space<vmem>>, vector<16xf32>,
          %parallel_loop3A_497 = arith.constant 512 : i32
          %parallel_loop3A_498 = arith.addi %parallel_loop3A_144, %parallel_loop3A_497 : i32
          %parallel_loop3A_499 = arith.constant 48 : i32
          %parallel_loop3A_500 = arith.addi %parallel_loop3A_498, %parallel_loop3A_499 : i32
          %parallel_loop3A_501 = arith.index_cast %parallel_loop3A_500 : i32 to index
          %parallel_loop3A_502 = tpu.vector_load %arg8[%parallel_loop3A_501] {strides = array<i32>} : memref<32768xf32, #tpu.memory_space<vmem>>, vector<16xf32>,
          tpu.vector_store %arg8[%parallel_loop3A_501], %parallel_loop3A_457 {strides = array<i32>} : memref<32768xf32, #tpu.memory_space<vmem>>, vector<16xf32>,
          %parallel_loop3A_503 = arith.constant 640 : i32
          %parallel_loop3A_504 = arith.addi %parallel_loop3A_144, %parallel_loop3A_503 : i32
          %parallel_loop3A_505 = arith.constant 48 : i32
          %parallel_loop3A_506 = arith.addi %parallel_loop3A_504, %parallel_loop3A_505 : i32
          %parallel_loop3A_507 = arith.index_cast %parallel_loop3A_506 : i32 to index
          %parallel_loop3A_508 = tpu.vector_load %arg8[%parallel_loop3A_507] {strides = array<i32>} : memref<32768xf32, #tpu.memory_space<vmem>>, vector<16xf32>,
          tpu.vector_store %arg8[%parallel_loop3A_507], %parallel_loop3A_462 {strides = array<i32>} : memref<32768xf32, #tpu.memory_space<vmem>>, vector<16xf32>,
          %parallel_loop3A_509 = arith.constant 768 : i32
          %parallel_loop3A_510 = arith.addi %parallel_loop3A_144, %parallel_loop3A_509 : i32
          %parallel_loop3A_511 = arith.constant 48 : i32
          %parallel_loop3A_512 = arith.addi %parallel_loop3A_510, %parallel_loop3A_511 : i32
          %parallel_loop3A_513 = arith.index_cast %parallel_loop3A_512 : i32 to index
          %parallel_loop3A_514 = tpu.vector_load %arg8[%parallel_loop3A_513] {strides = array<i32>} : memref<32768xf32, #tpu.memory_space<vmem>>, vector<16xf32>,
          tpu.vector_store %arg8[%parallel_loop3A_513], %parallel_loop3A_467 {strides = array<i32>} : memref<32768xf32, #tpu.memory_space<vmem>>, vector<16xf32>,
          %parallel_loop3A_515 = arith.constant 896 : i32
          %parallel_loop3A_516 = arith.addi %parallel_loop3A_144, %parallel_loop3A_515 : i32
          %parallel_loop3A_517 = arith.constant 48 : i32
          %parallel_loop3A_518 = arith.addi %parallel_loop3A_516, %parallel_loop3A_517 : i32
          %parallel_loop3A_519 = arith.index_cast %parallel_loop3A_518 : i32 to index
          %parallel_loop3A_520 = tpu.vector_load %arg8[%parallel_loop3A_519] {strides = array<i32>} : memref<32768xf32, #tpu.memory_space<vmem>>, vector<16xf32>,
          tpu.vector_store %arg8[%parallel_loop3A_519], %parallel_loop3A_472 {strides = array<i32>} : memref<32768xf32, #tpu.memory_space<vmem>>, vector<16xf32>,
          %parallel_loop3A_521 = arith.constant 64 : i32
          %parallel_loop3A_522 = arith.muli %parallel_loop3A_142, %parallel_loop3A_521 : i32
          %parallel_loop3A_523 = arith.constant 32 : i32
          %parallel_loop3A_524 = arith.addi %parallel_loop3A_522, %parallel_loop3A_523 : i32
          %parallel_loop3A_525 = arith.index_cast %parallel_loop3A_524 : i32 to index
          %parallel_loop3A_526 = tpu.vector_load %arg6[%parallel_loop3A_525] {strides = array<i32>} : memref<2048xi32, #tpu.memory_space<vmem>>, vector<16xi32>,
          %parallel_loop3A_527 = arith.constant 65535 : i32
          %parallel_loop3A_528 = vector.broadcast %parallel_loop3A_527 : i32 to vector<16xi32>
          %parallel_loop3A_529 = arith.andi %parallel_loop3A_526, %parallel_loop3A_528 : vector<16xi32>
          %parallel_loop3A_530 = arith.constant 16 : i32
          %parallel_loop3A_531 = vector.broadcast %parallel_loop3A_530 : i32 to vector<16xi32>
          %parallel_loop3A_532 = arith.shrui %parallel_loop3A_526, %parallel_loop3A_531 : vector<16xi32>
          %parallel_loop3A_533 = arith.constant 0 : i32
          %parallel_loop3A_534 = arith.constant 0 : i32
          %parallel_loop3A_535 = tpu.memref_slice %arg5[%parallel_loop3A_533, %parallel_loop3A_534] : memref<8x1000xf32, #tpu.memory_space<vmem>> -> memref<1x1000xf32, #tpu.memory_space<vmem>>
          %parallel_loop3A_536 = tpu.memref_squeeze %parallel_loop3A_535 : memref<1x1000xf32, #tpu.memory_space<vmem>> -> memref<1000xf32, #tpu.memory_space<vmem>>
          %parallel_loop3A_537 = tpu.vector_load_idx %parallel_loop3A_536[%parallel_loop3A_529] : memref<1000xf32, #tpu.memory_space<vmem>>[vector<16xi32>], vector<16xf32>,
          %parallel_loop3A_538 = arith.constant 1 : i32
          %parallel_loop3A_539 = arith.constant 0 : i32
          %parallel_loop3A_540 = tpu.memref_slice %arg5[%parallel_loop3A_538, %parallel_loop3A_539] : memref<8x1000xf32, #tpu.memory_space<vmem>> -> memref<1x1000xf32, #tpu.memory_space<vmem>>
          %parallel_loop3A_541 = tpu.memref_squeeze %parallel_loop3A_540 : memref<1x1000xf32, #tpu.memory_space<vmem>> -> memref<1000xf32, #tpu.memory_space<vmem>>
          %parallel_loop3A_542 = tpu.vector_load_idx %parallel_loop3A_541[%parallel_loop3A_529] : memref<1000xf32, #tpu.memory_space<vmem>>[vector<16xi32>], vector<16xf32>,
          %parallel_loop3A_543 = arith.constant 2 : i32
          %parallel_loop3A_544 = arith.constant 0 : i32
          %parallel_loop3A_545 = tpu.memref_slice %arg5[%parallel_loop3A_543, %parallel_loop3A_544] : memref<8x1000xf32, #tpu.memory_space<vmem>> -> memref<1x1000xf32, #tpu.memory_space<vmem>>
          %parallel_loop3A_546 = tpu.memref_squeeze %parallel_loop3A_545 : memref<1x1000xf32, #tpu.memory_space<vmem>> -> memref<1000xf32, #tpu.memory_space<vmem>>
          %parallel_loop3A_547 = tpu.vector_load_idx %parallel_loop3A_546[%parallel_loop3A_529] : memref<1000xf32, #tpu.memory_space<vmem>>[vector<16xi32>], vector<16xf32>,
          %parallel_loop3A_548 = arith.constant 3 : i32
          %parallel_loop3A_549 = arith.constant 0 : i32
          %parallel_loop3A_550 = tpu.memref_slice %arg5[%parallel_loop3A_548, %parallel_loop3A_549] : memref<8x1000xf32, #tpu.memory_space<vmem>> -> memref<1x1000xf32, #tpu.memory_space<vmem>>
          %parallel_loop3A_551 = tpu.memref_squeeze %parallel_loop3A_550 : memref<1x1000xf32, #tpu.memory_space<vmem>> -> memref<1000xf32, #tpu.memory_space<vmem>>
          %parallel_loop3A_552 = tpu.vector_load_idx %parallel_loop3A_551[%parallel_loop3A_529] : memref<1000xf32, #tpu.memory_space<vmem>>[vector<16xi32>], vector<16xf32>,
          %parallel_loop3A_553 = arith.constant 4 : i32
          %parallel_loop3A_554 = arith.constant 0 : i32
          %parallel_loop3A_555 = tpu.memref_slice %arg5[%parallel_loop3A_553, %parallel_loop3A_554] : memref<8x1000xf32, #tpu.memory_space<vmem>> -> memref<1x1000xf32, #tpu.memory_space<vmem>>
          %parallel_loop3A_556 = tpu.memref_squeeze %parallel_loop3A_555 : memref<1x1000xf32, #tpu.memory_space<vmem>> -> memref<1000xf32, #tpu.memory_space<vmem>>
          %parallel_loop3A_557 = tpu.vector_load_idx %parallel_loop3A_556[%parallel_loop3A_529] : memref<1000xf32, #tpu.memory_space<vmem>>[vector<16xi32>], vector<16xf32>,
          %parallel_loop3A_558 = arith.constant 5 : i32
          %parallel_loop3A_559 = arith.constant 0 : i32
          %parallel_loop3A_560 = tpu.memref_slice %arg5[%parallel_loop3A_558, %parallel_loop3A_559] : memref<8x1000xf32, #tpu.memory_space<vmem>> -> memref<1x1000xf32, #tpu.memory_space<vmem>>
          %parallel_loop3A_561 = tpu.memref_squeeze %parallel_loop3A_560 : memref<1x1000xf32, #tpu.memory_space<vmem>> -> memref<1000xf32, #tpu.memory_space<vmem>>
          %parallel_loop3A_562 = tpu.vector_load_idx %parallel_loop3A_561[%parallel_loop3A_529] : memref<1000xf32, #tpu.memory_space<vmem>>[vector<16xi32>], vector<16xf32>,
          %parallel_loop3A_563 = arith.constant 6 : i32
          %parallel_loop3A_564 = arith.constant 0 : i32
          %parallel_loop3A_565 = tpu.memref_slice %arg5[%parallel_loop3A_563, %parallel_loop3A_564] : memref<8x1000xf32, #tpu.memory_space<vmem>> -> memref<1x1000xf32, #tpu.memory_space<vmem>>
          %parallel_loop3A_566 = tpu.memref_squeeze %parallel_loop3A_565 : memref<1x1000xf32, #tpu.memory_space<vmem>> -> memref<1000xf32, #tpu.memory_space<vmem>>
          %parallel_loop3A_567 = tpu.vector_load_idx %parallel_loop3A_566[%parallel_loop3A_529] : memref<1000xf32, #tpu.memory_space<vmem>>[vector<16xi32>], vector<16xf32>,
          %parallel_loop3A_568 = arith.constant 7 : i32
          %parallel_loop3A_569 = arith.constant 0 : i32
          %parallel_loop3A_570 = tpu.memref_slice %arg5[%parallel_loop3A_568, %parallel_loop3A_569] : memref<8x1000xf32, #tpu.memory_space<vmem>> -> memref<1x1000xf32, #tpu.memory_space<vmem>>
          %parallel_loop3A_571 = tpu.memref_squeeze %parallel_loop3A_570 : memref<1x1000xf32, #tpu.memory_space<vmem>> -> memref<1000xf32, #tpu.memory_space<vmem>>
          %parallel_loop3A_572 = tpu.vector_load_idx %parallel_loop3A_571[%parallel_loop3A_529] : memref<1000xf32, #tpu.memory_space<vmem>>[vector<16xi32>], vector<16xf32>,
          %parallel_loop3A_573 = arith.constant 0 : i32
          %parallel_loop3A_574 = arith.addi %parallel_loop3A_144, %parallel_loop3A_573 : i32
          %parallel_loop3A_575 = arith.constant 64 : i32
          %parallel_loop3A_576 = arith.addi %parallel_loop3A_574, %parallel_loop3A_575 : i32
          %parallel_loop3A_577 = arith.index_cast %parallel_loop3A_576 : i32 to index
          %parallel_loop3A_578 = tpu.vector_load %arg8[%parallel_loop3A_577] {strides = array<i32>} : memref<32768xf32, #tpu.memory_space<vmem>>, vector<16xf32>,
          tpu.vector_store %arg8[%parallel_loop3A_577], %parallel_loop3A_537 {strides = array<i32>} : memref<32768xf32, #tpu.memory_space<vmem>>, vector<16xf32>,
          %parallel_loop3A_579 = arith.constant 128 : i32
          %parallel_loop3A_580 = arith.addi %parallel_loop3A_144, %parallel_loop3A_579 : i32
          %parallel_loop3A_581 = arith.constant 64 : i32
          %parallel_loop3A_582 = arith.addi %parallel_loop3A_580, %parallel_loop3A_581 : i32
          %parallel_loop3A_583 = arith.index_cast %parallel_loop3A_582 : i32 to index
          %parallel_loop3A_584 = tpu.vector_load %arg8[%parallel_loop3A_583] {strides = array<i32>} : memref<32768xf32, #tpu.memory_space<vmem>>, vector<16xf32>,
          tpu.vector_store %arg8[%parallel_loop3A_583], %parallel_loop3A_542 {strides = array<i32>} : memref<32768xf32, #tpu.memory_space<vmem>>, vector<16xf32>,
          %parallel_loop3A_585 = arith.constant 256 : i32
          %parallel_loop3A_586 = arith.addi %parallel_loop3A_144, %parallel_loop3A_585 : i32
          %parallel_loop3A_587 = arith.constant 64 : i32
          %parallel_loop3A_588 = arith.addi %parallel_loop3A_586, %parallel_loop3A_587 : i32
          %parallel_loop3A_589 = arith.index_cast %parallel_loop3A_588 : i32 to index
          %parallel_loop3A_590 = tpu.vector_load %arg8[%parallel_loop3A_589] {strides = array<i32>} : memref<32768xf32, #tpu.memory_space<vmem>>, vector<16xf32>,
          tpu.vector_store %arg8[%parallel_loop3A_589], %parallel_loop3A_547 {strides = array<i32>} : memref<32768xf32, #tpu.memory_space<vmem>>, vector<16xf32>,
          %parallel_loop3A_591 = arith.constant 384 : i32
          %parallel_loop3A_592 = arith.addi %parallel_loop3A_144, %parallel_loop3A_591 : i32
          %parallel_loop3A_593 = arith.constant 64 : i32
          %parallel_loop3A_594 = arith.addi %parallel_loop3A_592, %parallel_loop3A_593 : i32
          %parallel_loop3A_595 = arith.index_cast %parallel_loop3A_594 : i32 to index
          %parallel_loop3A_596 = tpu.vector_load %arg8[%parallel_loop3A_595] {strides = array<i32>} : memref<32768xf32, #tpu.memory_space<vmem>>, vector<16xf32>,
          tpu.vector_store %arg8[%parallel_loop3A_595], %parallel_loop3A_552 {strides = array<i32>} : memref<32768xf32, #tpu.memory_space<vmem>>, vector<16xf32>,
          %parallel_loop3A_597 = arith.constant 512 : i32
          %parallel_loop3A_598 = arith.addi %parallel_loop3A_144, %parallel_loop3A_597 : i32
          %parallel_loop3A_599 = arith.constant 64 : i32
          %parallel_loop3A_600 = arith.addi %parallel_loop3A_598, %parallel_loop3A_599 : i32
          %parallel_loop3A_601 = arith.index_cast %parallel_loop3A_600 : i32 to index
          %parallel_loop3A_602 = tpu.vector_load %arg8[%parallel_loop3A_601] {strides = array<i32>} : memref<32768xf32, #tpu.memory_space<vmem>>, vector<16xf32>,
          tpu.vector_store %arg8[%parallel_loop3A_601], %parallel_loop3A_557 {strides = array<i32>} : memref<32768xf32, #tpu.memory_space<vmem>>, vector<16xf32>,
          %parallel_loop3A_603 = arith.constant 640 : i32
          %parallel_loop3A_604 = arith.addi %parallel_loop3A_144, %parallel_loop3A_603 : i32
          %parallel_loop3A_605 = arith.constant 64 : i32
          %parallel_loop3A_606 = arith.addi %parallel_loop3A_604, %parallel_loop3A_605 : i32
          %parallel_loop3A_607 = arith.index_cast %parallel_loop3A_606 : i32 to index
          %parallel_loop3A_608 = tpu.vector_load %arg8[%parallel_loop3A_607] {strides = array<i32>} : memref<32768xf32, #tpu.memory_space<vmem>>, vector<16xf32>,
          tpu.vector_store %arg8[%parallel_loop3A_607], %parallel_loop3A_562 {strides = array<i32>} : memref<32768xf32, #tpu.memory_space<vmem>>, vector<16xf32>,
          %parallel_loop3A_609 = arith.constant 768 : i32
          %parallel_loop3A_610 = arith.addi %parallel_loop3A_144, %parallel_loop3A_609 : i32
          %parallel_loop3A_611 = arith.constant 64 : i32
          %parallel_loop3A_612 = arith.addi %parallel_loop3A_610, %parallel_loop3A_611 : i32
          %parallel_loop3A_613 = arith.index_cast %parallel_loop3A_612 : i32 to index
          %parallel_loop3A_614 = tpu.vector_load %arg8[%parallel_loop3A_613] {strides = array<i32>} : memref<32768xf32, #tpu.memory_space<vmem>>, vector<16xf32>,
          tpu.vector_store %arg8[%parallel_loop3A_613], %parallel_loop3A_567 {strides = array<i32>} : memref<32768xf32, #tpu.memory_space<vmem>>, vector<16xf32>,
          %parallel_loop3A_615 = arith.constant 896 : i32
          %parallel_loop3A_616 = arith.addi %parallel_loop3A_144, %parallel_loop3A_615 : i32
          %parallel_loop3A_617 = arith.constant 64 : i32
          %parallel_loop3A_618 = arith.addi %parallel_loop3A_616, %parallel_loop3A_617 : i32
          %parallel_loop3A_619 = arith.index_cast %parallel_loop3A_618 : i32 to index
          %parallel_loop3A_620 = tpu.vector_load %arg8[%parallel_loop3A_619] {strides = array<i32>} : memref<32768xf32, #tpu.memory_space<vmem>>, vector<16xf32>,
          tpu.vector_store %arg8[%parallel_loop3A_619], %parallel_loop3A_572 {strides = array<i32>} : memref<32768xf32, #tpu.memory_space<vmem>>, vector<16xf32>,
          %parallel_loop3A_621 = arith.constant 0 : i32
          %parallel_loop3A_622 = arith.constant 0 : i32
          %parallel_loop3A_623 = tpu.memref_slice %arg5[%parallel_loop3A_621, %parallel_loop3A_622] : memref<8x1000xf32, #tpu.memory_space<vmem>> -> memref<1x1000xf32, #tpu.memory_space<vmem>>
          %parallel_loop3A_624 = tpu.memref_squeeze %parallel_loop3A_623 : memref<1x1000xf32, #tpu.memory_space<vmem>> -> memref<1000xf32, #tpu.memory_space<vmem>>
          %parallel_loop3A_625 = tpu.vector_load_idx %parallel_loop3A_624[%parallel_loop3A_532] : memref<1000xf32, #tpu.memory_space<vmem>>[vector<16xi32>], vector<16xf32>,
          %parallel_loop3A_626 = arith.constant 1 : i32
          %parallel_loop3A_627 = arith.constant 0 : i32
          %parallel_loop3A_628 = tpu.memref_slice %arg5[%parallel_loop3A_626, %parallel_loop3A_627] : memref<8x1000xf32, #tpu.memory_space<vmem>> -> memref<1x1000xf32, #tpu.memory_space<vmem>>
          %parallel_loop3A_629 = tpu.memref_squeeze %parallel_loop3A_628 : memref<1x1000xf32, #tpu.memory_space<vmem>> -> memref<1000xf32, #tpu.memory_space<vmem>>
          %parallel_loop3A_630 = tpu.vector_load_idx %parallel_loop3A_629[%parallel_loop3A_532] : memref<1000xf32, #tpu.memory_space<vmem>>[vector<16xi32>], vector<16xf32>,
          %parallel_loop3A_631 = arith.constant 2 : i32
          %parallel_loop3A_632 = arith.constant 0 : i32
          %parallel_loop3A_633 = tpu.memref_slice %arg5[%parallel_loop3A_631, %parallel_loop3A_632] : memref<8x1000xf32, #tpu.memory_space<vmem>> -> memref<1x1000xf32, #tpu.memory_space<vmem>>
          %parallel_loop3A_634 = tpu.memref_squeeze %parallel_loop3A_633 : memref<1x1000xf32, #tpu.memory_space<vmem>> -> memref<1000xf32, #tpu.memory_space<vmem>>
          %parallel_loop3A_635 = tpu.vector_load_idx %parallel_loop3A_634[%parallel_loop3A_532] : memref<1000xf32, #tpu.memory_space<vmem>>[vector<16xi32>], vector<16xf32>,
          %parallel_loop3A_636 = arith.constant 3 : i32
          %parallel_loop3A_637 = arith.constant 0 : i32
          %parallel_loop3A_638 = tpu.memref_slice %arg5[%parallel_loop3A_636, %parallel_loop3A_637] : memref<8x1000xf32, #tpu.memory_space<vmem>> -> memref<1x1000xf32, #tpu.memory_space<vmem>>
          %parallel_loop3A_639 = tpu.memref_squeeze %parallel_loop3A_638 : memref<1x1000xf32, #tpu.memory_space<vmem>> -> memref<1000xf32, #tpu.memory_space<vmem>>
          %parallel_loop3A_640 = tpu.vector_load_idx %parallel_loop3A_639[%parallel_loop3A_532] : memref<1000xf32, #tpu.memory_space<vmem>>[vector<16xi32>], vector<16xf32>,
          %parallel_loop3A_641 = arith.constant 4 : i32
          %parallel_loop3A_642 = arith.constant 0 : i32
          %parallel_loop3A_643 = tpu.memref_slice %arg5[%parallel_loop3A_641, %parallel_loop3A_642] : memref<8x1000xf32, #tpu.memory_space<vmem>> -> memref<1x1000xf32, #tpu.memory_space<vmem>>
          %parallel_loop3A_644 = tpu.memref_squeeze %parallel_loop3A_643 : memref<1x1000xf32, #tpu.memory_space<vmem>> -> memref<1000xf32, #tpu.memory_space<vmem>>
          %parallel_loop3A_645 = tpu.vector_load_idx %parallel_loop3A_644[%parallel_loop3A_532] : memref<1000xf32, #tpu.memory_space<vmem>>[vector<16xi32>], vector<16xf32>,
          %parallel_loop3A_646 = arith.constant 5 : i32
          %parallel_loop3A_647 = arith.constant 0 : i32
          %parallel_loop3A_648 = tpu.memref_slice %arg5[%parallel_loop3A_646, %parallel_loop3A_647] : memref<8x1000xf32, #tpu.memory_space<vmem>> -> memref<1x1000xf32, #tpu.memory_space<vmem>>
          %parallel_loop3A_649 = tpu.memref_squeeze %parallel_loop3A_648 : memref<1x1000xf32, #tpu.memory_space<vmem>> -> memref<1000xf32, #tpu.memory_space<vmem>>
          %parallel_loop3A_650 = tpu.vector_load_idx %parallel_loop3A_649[%parallel_loop3A_532] : memref<1000xf32, #tpu.memory_space<vmem>>[vector<16xi32>], vector<16xf32>,
          %parallel_loop3A_651 = arith.constant 6 : i32
          %parallel_loop3A_652 = arith.constant 0 : i32
          %parallel_loop3A_653 = tpu.memref_slice %arg5[%parallel_loop3A_651, %parallel_loop3A_652] : memref<8x1000xf32, #tpu.memory_space<vmem>> -> memref<1x1000xf32, #tpu.memory_space<vmem>>
          %parallel_loop3A_654 = tpu.memref_squeeze %parallel_loop3A_653 : memref<1x1000xf32, #tpu.memory_space<vmem>> -> memref<1000xf32, #tpu.memory_space<vmem>>
          %parallel_loop3A_655 = tpu.vector_load_idx %parallel_loop3A_654[%parallel_loop3A_532] : memref<1000xf32, #tpu.memory_space<vmem>>[vector<16xi32>], vector<16xf32>,
          %parallel_loop3A_656 = arith.constant 7 : i32
          %parallel_loop3A_657 = arith.constant 0 : i32
          %parallel_loop3A_658 = tpu.memref_slice %arg5[%parallel_loop3A_656, %parallel_loop3A_657] : memref<8x1000xf32, #tpu.memory_space<vmem>> -> memref<1x1000xf32, #tpu.memory_space<vmem>>
          %parallel_loop3A_659 = tpu.memref_squeeze %parallel_loop3A_658 : memref<1x1000xf32, #tpu.memory_space<vmem>> -> memref<1000xf32, #tpu.memory_space<vmem>>
          %parallel_loop3A_660 = tpu.vector_load_idx %parallel_loop3A_659[%parallel_loop3A_532] : memref<1000xf32, #tpu.memory_space<vmem>>[vector<16xi32>], vector<16xf32>,
          %parallel_loop3A_661 = arith.constant 0 : i32
          %parallel_loop3A_662 = arith.addi %parallel_loop3A_144, %parallel_loop3A_661 : i32
          %parallel_loop3A_663 = arith.constant 80 : i32
          %parallel_loop3A_664 = arith.addi %parallel_loop3A_662, %parallel_loop3A_663 : i32
          %parallel_loop3A_665 = arith.index_cast %parallel_loop3A_664 : i32 to index
          %parallel_loop3A_666 = tpu.vector_load %arg8[%parallel_loop3A_665] {strides = array<i32>} : memref<32768xf32, #tpu.memory_space<vmem>>, vector<16xf32>,
          tpu.vector_store %arg8[%parallel_loop3A_665], %parallel_loop3A_625 {strides = array<i32>} : memref<32768xf32, #tpu.memory_space<vmem>>, vector<16xf32>,
          %parallel_loop3A_667 = arith.constant 128 : i32
          %parallel_loop3A_668 = arith.addi %parallel_loop3A_144, %parallel_loop3A_667 : i32
          %parallel_loop3A_669 = arith.constant 80 : i32
          %parallel_loop3A_670 = arith.addi %parallel_loop3A_668, %parallel_loop3A_669 : i32
          %parallel_loop3A_671 = arith.index_cast %parallel_loop3A_670 : i32 to index
          %parallel_loop3A_672 = tpu.vector_load %arg8[%parallel_loop3A_671] {strides = array<i32>} : memref<32768xf32, #tpu.memory_space<vmem>>, vector<16xf32>,
          tpu.vector_store %arg8[%parallel_loop3A_671], %parallel_loop3A_630 {strides = array<i32>} : memref<32768xf32, #tpu.memory_space<vmem>>, vector<16xf32>,
          %parallel_loop3A_673 = arith.constant 256 : i32
          %parallel_loop3A_674 = arith.addi %parallel_loop3A_144, %parallel_loop3A_673 : i32
          %parallel_loop3A_675 = arith.constant 80 : i32
          %parallel_loop3A_676 = arith.addi %parallel_loop3A_674, %parallel_loop3A_675 : i32
          %parallel_loop3A_677 = arith.index_cast %parallel_loop3A_676 : i32 to index
          %parallel_loop3A_678 = tpu.vector_load %arg8[%parallel_loop3A_677] {strides = array<i32>} : memref<32768xf32, #tpu.memory_space<vmem>>, vector<16xf32>,
          tpu.vector_store %arg8[%parallel_loop3A_677], %parallel_loop3A_635 {strides = array<i32>} : memref<32768xf32, #tpu.memory_space<vmem>>, vector<16xf32>,
          %parallel_loop3A_679 = arith.constant 384 : i32
          %parallel_loop3A_680 = arith.addi %parallel_loop3A_144, %parallel_loop3A_679 : i32
          %parallel_loop3A_681 = arith.constant 80 : i32
          %parallel_loop3A_682 = arith.addi %parallel_loop3A_680, %parallel_loop3A_681 : i32
          %parallel_loop3A_683 = arith.index_cast %parallel_loop3A_682 : i32 to index
          %parallel_loop3A_684 = tpu.vector_load %arg8[%parallel_loop3A_683] {strides = array<i32>} : memref<32768xf32, #tpu.memory_space<vmem>>, vector<16xf32>,
          tpu.vector_store %arg8[%parallel_loop3A_683], %parallel_loop3A_640 {strides = array<i32>} : memref<32768xf32, #tpu.memory_space<vmem>>, vector<16xf32>,
          %parallel_loop3A_685 = arith.constant 512 : i32
          %parallel_loop3A_686 = arith.addi %parallel_loop3A_144, %parallel_loop3A_685 : i32
          %parallel_loop3A_687 = arith.constant 80 : i32
          %parallel_loop3A_688 = arith.addi %parallel_loop3A_686, %parallel_loop3A_687 : i32
          %parallel_loop3A_689 = arith.index_cast %parallel_loop3A_688 : i32 to index
          %parallel_loop3A_690 = tpu.vector_load %arg8[%parallel_loop3A_689] {strides = array<i32>} : memref<32768xf32, #tpu.memory_space<vmem>>, vector<16xf32>,
          tpu.vector_store %arg8[%parallel_loop3A_689], %parallel_loop3A_645 {strides = array<i32>} : memref<32768xf32, #tpu.memory_space<vmem>>, vector<16xf32>,
          %parallel_loop3A_691 = arith.constant 640 : i32
          %parallel_loop3A_692 = arith.addi %parallel_loop3A_144, %parallel_loop3A_691 : i32
          %parallel_loop3A_693 = arith.constant 80 : i32
          %parallel_loop3A_694 = arith.addi %parallel_loop3A_692, %parallel_loop3A_693 : i32
          %parallel_loop3A_695 = arith.index_cast %parallel_loop3A_694 : i32 to index
          %parallel_loop3A_696 = tpu.vector_load %arg8[%parallel_loop3A_695] {strides = array<i32>} : memref<32768xf32, #tpu.memory_space<vmem>>, vector<16xf32>,
          tpu.vector_store %arg8[%parallel_loop3A_695], %parallel_loop3A_650 {strides = array<i32>} : memref<32768xf32, #tpu.memory_space<vmem>>, vector<16xf32>,
          %parallel_loop3A_697 = arith.constant 768 : i32
          %parallel_loop3A_698 = arith.addi %parallel_loop3A_144, %parallel_loop3A_697 : i32
          %parallel_loop3A_699 = arith.constant 80 : i32
          %parallel_loop3A_700 = arith.addi %parallel_loop3A_698, %parallel_loop3A_699 : i32
          %parallel_loop3A_701 = arith.index_cast %parallel_loop3A_700 : i32 to index
          %parallel_loop3A_702 = tpu.vector_load %arg8[%parallel_loop3A_701] {strides = array<i32>} : memref<32768xf32, #tpu.memory_space<vmem>>, vector<16xf32>,
          tpu.vector_store %arg8[%parallel_loop3A_701], %parallel_loop3A_655 {strides = array<i32>} : memref<32768xf32, #tpu.memory_space<vmem>>, vector<16xf32>,
          %parallel_loop3A_703 = arith.constant 896 : i32
          %parallel_loop3A_704 = arith.addi %parallel_loop3A_144, %parallel_loop3A_703 : i32
          %parallel_loop3A_705 = arith.constant 80 : i32
          %parallel_loop3A_706 = arith.addi %parallel_loop3A_704, %parallel_loop3A_705 : i32
          %parallel_loop3A_707 = arith.index_cast %parallel_loop3A_706 : i32 to index
          %parallel_loop3A_708 = tpu.vector_load %arg8[%parallel_loop3A_707] {strides = array<i32>} : memref<32768xf32, #tpu.memory_space<vmem>>, vector<16xf32>,
          tpu.vector_store %arg8[%parallel_loop3A_707], %parallel_loop3A_660 {strides = array<i32>} : memref<32768xf32, #tpu.memory_space<vmem>>, vector<16xf32>,
          %parallel_loop3A_709 = arith.constant 64 : i32
          %parallel_loop3A_710 = arith.muli %parallel_loop3A_142, %parallel_loop3A_709 : i32
          %parallel_loop3A_711 = arith.constant 48 : i32
          %parallel_loop3A_712 = arith.addi %parallel_loop3A_710, %parallel_loop3A_711 : i32
          %parallel_loop3A_713 = arith.index_cast %parallel_loop3A_712 : i32 to index
          %parallel_loop3A_714 = tpu.vector_load %arg6[%parallel_loop3A_713] {strides = array<i32>} : memref<2048xi32, #tpu.memory_space<vmem>>, vector<16xi32>,
          %parallel_loop3A_715 = arith.constant 65535 : i32
          %parallel_loop3A_716 = vector.broadcast %parallel_loop3A_715 : i32 to vector<16xi32>
          %parallel_loop3A_717 = arith.andi %parallel_loop3A_714, %parallel_loop3A_716 : vector<16xi32>
          %parallel_loop3A_718 = arith.constant 16 : i32
          %parallel_loop3A_719 = vector.broadcast %parallel_loop3A_718 : i32 to vector<16xi32>
          %parallel_loop3A_720 = arith.shrui %parallel_loop3A_714, %parallel_loop3A_719 : vector<16xi32>
          %parallel_loop3A_721 = arith.constant 0 : i32
          %parallel_loop3A_722 = arith.constant 0 : i32
          %parallel_loop3A_723 = tpu.memref_slice %arg5[%parallel_loop3A_721, %parallel_loop3A_722] : memref<8x1000xf32, #tpu.memory_space<vmem>> -> memref<1x1000xf32, #tpu.memory_space<vmem>>
          %parallel_loop3A_724 = tpu.memref_squeeze %parallel_loop3A_723 : memref<1x1000xf32, #tpu.memory_space<vmem>> -> memref<1000xf32, #tpu.memory_space<vmem>>
          %parallel_loop3A_725 = tpu.vector_load_idx %parallel_loop3A_724[%parallel_loop3A_717] : memref<1000xf32, #tpu.memory_space<vmem>>[vector<16xi32>], vector<16xf32>,
          %parallel_loop3A_726 = arith.constant 1 : i32
          %parallel_loop3A_727 = arith.constant 0 : i32
          %parallel_loop3A_728 = tpu.memref_slice %arg5[%parallel_loop3A_726, %parallel_loop3A_727] : memref<8x1000xf32, #tpu.memory_space<vmem>> -> memref<1x1000xf32, #tpu.memory_space<vmem>>
          %parallel_loop3A_729 = tpu.memref_squeeze %parallel_loop3A_728 : memref<1x1000xf32, #tpu.memory_space<vmem>> -> memref<1000xf32, #tpu.memory_space<vmem>>
          %parallel_loop3A_730 = tpu.vector_load_idx %parallel_loop3A_729[%parallel_loop3A_717] : memref<1000xf32, #tpu.memory_space<vmem>>[vector<16xi32>], vector<16xf32>,
          %parallel_loop3A_731 = arith.constant 2 : i32
          %parallel_loop3A_732 = arith.constant 0 : i32
          %parallel_loop3A_733 = tpu.memref_slice %arg5[%parallel_loop3A_731, %parallel_loop3A_732] : memref<8x1000xf32, #tpu.memory_space<vmem>> -> memref<1x1000xf32, #tpu.memory_space<vmem>>
          %parallel_loop3A_734 = tpu.memref_squeeze %parallel_loop3A_733 : memref<1x1000xf32, #tpu.memory_space<vmem>> -> memref<1000xf32, #tpu.memory_space<vmem>>
          %parallel_loop3A_735 = tpu.vector_load_idx %parallel_loop3A_734[%parallel_loop3A_717] : memref<1000xf32, #tpu.memory_space<vmem>>[vector<16xi32>], vector<16xf32>,
          %parallel_loop3A_736 = arith.constant 3 : i32
          %parallel_loop3A_737 = arith.constant 0 : i32
          %parallel_loop3A_738 = tpu.memref_slice %arg5[%parallel_loop3A_736, %parallel_loop3A_737] : memref<8x1000xf32, #tpu.memory_space<vmem>> -> memref<1x1000xf32, #tpu.memory_space<vmem>>
          %parallel_loop3A_739 = tpu.memref_squeeze %parallel_loop3A_738 : memref<1x1000xf32, #tpu.memory_space<vmem>> -> memref<1000xf32, #tpu.memory_space<vmem>>
          %parallel_loop3A_740 = tpu.vector_load_idx %parallel_loop3A_739[%parallel_loop3A_717] : memref<1000xf32, #tpu.memory_space<vmem>>[vector<16xi32>], vector<16xf32>,
          %parallel_loop3A_741 = arith.constant 4 : i32
          %parallel_loop3A_742 = arith.constant 0 : i32
          %parallel_loop3A_743 = tpu.memref_slice %arg5[%parallel_loop3A_741, %parallel_loop3A_742] : memref<8x1000xf32, #tpu.memory_space<vmem>> -> memref<1x1000xf32, #tpu.memory_space<vmem>>
          %parallel_loop3A_744 = tpu.memref_squeeze %parallel_loop3A_743 : memref<1x1000xf32, #tpu.memory_space<vmem>> -> memref<1000xf32, #tpu.memory_space<vmem>>
          %parallel_loop3A_745 = tpu.vector_load_idx %parallel_loop3A_744[%parallel_loop3A_717] : memref<1000xf32, #tpu.memory_space<vmem>>[vector<16xi32>], vector<16xf32>,
          %parallel_loop3A_746 = arith.constant 5 : i32
          %parallel_loop3A_747 = arith.constant 0 : i32
          %parallel_loop3A_748 = tpu.memref_slice %arg5[%parallel_loop3A_746, %parallel_loop3A_747] : memref<8x1000xf32, #tpu.memory_space<vmem>> -> memref<1x1000xf32, #tpu.memory_space<vmem>>
          %parallel_loop3A_749 = tpu.memref_squeeze %parallel_loop3A_748 : memref<1x1000xf32, #tpu.memory_space<vmem>> -> memref<1000xf32, #tpu.memory_space<vmem>>
          %parallel_loop3A_750 = tpu.vector_load_idx %parallel_loop3A_749[%parallel_loop3A_717] : memref<1000xf32, #tpu.memory_space<vmem>>[vector<16xi32>], vector<16xf32>,
          %parallel_loop3A_751 = arith.constant 6 : i32
          %parallel_loop3A_752 = arith.constant 0 : i32
          %parallel_loop3A_753 = tpu.memref_slice %arg5[%parallel_loop3A_751, %parallel_loop3A_752] : memref<8x1000xf32, #tpu.memory_space<vmem>> -> memref<1x1000xf32, #tpu.memory_space<vmem>>
          %parallel_loop3A_754 = tpu.memref_squeeze %parallel_loop3A_753 : memref<1x1000xf32, #tpu.memory_space<vmem>> -> memref<1000xf32, #tpu.memory_space<vmem>>
          %parallel_loop3A_755 = tpu.vector_load_idx %parallel_loop3A_754[%parallel_loop3A_717] : memref<1000xf32, #tpu.memory_space<vmem>>[vector<16xi32>], vector<16xf32>,
          %parallel_loop3A_756 = arith.constant 7 : i32
          %parallel_loop3A_757 = arith.constant 0 : i32
          %parallel_loop3A_758 = tpu.memref_slice %arg5[%parallel_loop3A_756, %parallel_loop3A_757] : memref<8x1000xf32, #tpu.memory_space<vmem>> -> memref<1x1000xf32, #tpu.memory_space<vmem>>
          %parallel_loop3A_759 = tpu.memref_squeeze %parallel_loop3A_758 : memref<1x1000xf32, #tpu.memory_space<vmem>> -> memref<1000xf32, #tpu.memory_space<vmem>>
          %parallel_loop3A_760 = tpu.vector_load_idx %parallel_loop3A_759[%parallel_loop3A_717] : memref<1000xf32, #tpu.memory_space<vmem>>[vector<16xi32>], vector<16xf32>,
          %parallel_loop3A_761 = arith.constant 0 : i32
          %parallel_loop3A_762 = arith.addi %parallel_loop3A_144, %parallel_loop3A_761 : i32
          %parallel_loop3A_763 = arith.constant 96 : i32
          %parallel_loop3A_764 = arith.addi %parallel_loop3A_762, %parallel_loop3A_763 : i32
          %parallel_loop3A_765 = arith.index_cast %parallel_loop3A_764 : i32 to index
          %parallel_loop3A_766 = tpu.vector_load %arg8[%parallel_loop3A_765] {strides = array<i32>} : memref<32768xf32, #tpu.memory_space<vmem>>, vector<16xf32>,
          tpu.vector_store %arg8[%parallel_loop3A_765], %parallel_loop3A_725 {strides = array<i32>} : memref<32768xf32, #tpu.memory_space<vmem>>, vector<16xf32>,
          %parallel_loop3A_767 = arith.constant 128 : i32
          %parallel_loop3A_768 = arith.addi %parallel_loop3A_144, %parallel_loop3A_767 : i32
          %parallel_loop3A_769 = arith.constant 96 : i32
          %parallel_loop3A_770 = arith.addi %parallel_loop3A_768, %parallel_loop3A_769 : i32
          %parallel_loop3A_771 = arith.index_cast %parallel_loop3A_770 : i32 to index
          %parallel_loop3A_772 = tpu.vector_load %arg8[%parallel_loop3A_771] {strides = array<i32>} : memref<32768xf32, #tpu.memory_space<vmem>>, vector<16xf32>,
          tpu.vector_store %arg8[%parallel_loop3A_771], %parallel_loop3A_730 {strides = array<i32>} : memref<32768xf32, #tpu.memory_space<vmem>>, vector<16xf32>,
          %parallel_loop3A_773 = arith.constant 256 : i32
          %parallel_loop3A_774 = arith.addi %parallel_loop3A_144, %parallel_loop3A_773 : i32
          %parallel_loop3A_775 = arith.constant 96 : i32
          %parallel_loop3A_776 = arith.addi %parallel_loop3A_774, %parallel_loop3A_775 : i32
          %parallel_loop3A_777 = arith.index_cast %parallel_loop3A_776 : i32 to index
          %parallel_loop3A_778 = tpu.vector_load %arg8[%parallel_loop3A_777] {strides = array<i32>} : memref<32768xf32, #tpu.memory_space<vmem>>, vector<16xf32>,
          tpu.vector_store %arg8[%parallel_loop3A_777], %parallel_loop3A_735 {strides = array<i32>} : memref<32768xf32, #tpu.memory_space<vmem>>, vector<16xf32>,
          %parallel_loop3A_779 = arith.constant 384 : i32
          %parallel_loop3A_780 = arith.addi %parallel_loop3A_144, %parallel_loop3A_779 : i32
          %parallel_loop3A_781 = arith.constant 96 : i32
          %parallel_loop3A_782 = arith.addi %parallel_loop3A_780, %parallel_loop3A_781 : i32
          %parallel_loop3A_783 = arith.index_cast %parallel_loop3A_782 : i32 to index
          %parallel_loop3A_784 = tpu.vector_load %arg8[%parallel_loop3A_783] {strides = array<i32>} : memref<32768xf32, #tpu.memory_space<vmem>>, vector<16xf32>,
          tpu.vector_store %arg8[%parallel_loop3A_783], %parallel_loop3A_740 {strides = array<i32>} : memref<32768xf32, #tpu.memory_space<vmem>>, vector<16xf32>,
          %parallel_loop3A_785 = arith.constant 512 : i32
          %parallel_loop3A_786 = arith.addi %parallel_loop3A_144, %parallel_loop3A_785 : i32
          %parallel_loop3A_787 = arith.constant 96 : i32
          %parallel_loop3A_788 = arith.addi %parallel_loop3A_786, %parallel_loop3A_787 : i32
          %parallel_loop3A_789 = arith.index_cast %parallel_loop3A_788 : i32 to index
          %parallel_loop3A_790 = tpu.vector_load %arg8[%parallel_loop3A_789] {strides = array<i32>} : memref<32768xf32, #tpu.memory_space<vmem>>, vector<16xf32>,
          tpu.vector_store %arg8[%parallel_loop3A_789], %parallel_loop3A_745 {strides = array<i32>} : memref<32768xf32, #tpu.memory_space<vmem>>, vector<16xf32>,
          %parallel_loop3A_791 = arith.constant 640 : i32
          %parallel_loop3A_792 = arith.addi %parallel_loop3A_144, %parallel_loop3A_791 : i32
          %parallel_loop3A_793 = arith.constant 96 : i32
          %parallel_loop3A_794 = arith.addi %parallel_loop3A_792, %parallel_loop3A_793 : i32
          %parallel_loop3A_795 = arith.index_cast %parallel_loop3A_794 : i32 to index
          %parallel_loop3A_796 = tpu.vector_load %arg8[%parallel_loop3A_795] {strides = array<i32>} : memref<32768xf32, #tpu.memory_space<vmem>>, vector<16xf32>,
          tpu.vector_store %arg8[%parallel_loop3A_795], %parallel_loop3A_750 {strides = array<i32>} : memref<32768xf32, #tpu.memory_space<vmem>>, vector<16xf32>,
          %parallel_loop3A_797 = arith.constant 768 : i32
          %parallel_loop3A_798 = arith.addi %parallel_loop3A_144, %parallel_loop3A_797 : i32
          %parallel_loop3A_799 = arith.constant 96 : i32
          %parallel_loop3A_800 = arith.addi %parallel_loop3A_798, %parallel_loop3A_799 : i32
          %parallel_loop3A_801 = arith.index_cast %parallel_loop3A_800 : i32 to index
          %parallel_loop3A_802 = tpu.vector_load %arg8[%parallel_loop3A_801] {strides = array<i32>} : memref<32768xf32, #tpu.memory_space<vmem>>, vector<16xf32>,
          tpu.vector_store %arg8[%parallel_loop3A_801], %parallel_loop3A_755 {strides = array<i32>} : memref<32768xf32, #tpu.memory_space<vmem>>, vector<16xf32>,
          %parallel_loop3A_803 = arith.constant 896 : i32
          %parallel_loop3A_804 = arith.addi %parallel_loop3A_144, %parallel_loop3A_803 : i32
          %parallel_loop3A_805 = arith.constant 96 : i32
          %parallel_loop3A_806 = arith.addi %parallel_loop3A_804, %parallel_loop3A_805 : i32
          %parallel_loop3A_807 = arith.index_cast %parallel_loop3A_806 : i32 to index
          %parallel_loop3A_808 = tpu.vector_load %arg8[%parallel_loop3A_807] {strides = array<i32>} : memref<32768xf32, #tpu.memory_space<vmem>>, vector<16xf32>,
          tpu.vector_store %arg8[%parallel_loop3A_807], %parallel_loop3A_760 {strides = array<i32>} : memref<32768xf32, #tpu.memory_space<vmem>>, vector<16xf32>,
          %parallel_loop3A_809 = arith.constant 0 : i32
          %parallel_loop3A_810 = arith.constant 0 : i32
          %parallel_loop3A_811 = tpu.memref_slice %arg5[%parallel_loop3A_809, %parallel_loop3A_810] : memref<8x1000xf32, #tpu.memory_space<vmem>> -> memref<1x1000xf32, #tpu.memory_space<vmem>>
          %parallel_loop3A_812 = tpu.memref_squeeze %parallel_loop3A_811 : memref<1x1000xf32, #tpu.memory_space<vmem>> -> memref<1000xf32, #tpu.memory_space<vmem>>
          %parallel_loop3A_813 = tpu.vector_load_idx %parallel_loop3A_812[%parallel_loop3A_720] : memref<1000xf32, #tpu.memory_space<vmem>>[vector<16xi32>], vector<16xf32>,
          %parallel_loop3A_814 = arith.constant 1 : i32
          %parallel_loop3A_815 = arith.constant 0 : i32
          %parallel_loop3A_816 = tpu.memref_slice %arg5[%parallel_loop3A_814, %parallel_loop3A_815] : memref<8x1000xf32, #tpu.memory_space<vmem>> -> memref<1x1000xf32, #tpu.memory_space<vmem>>
          %parallel_loop3A_817 = tpu.memref_squeeze %parallel_loop3A_816 : memref<1x1000xf32, #tpu.memory_space<vmem>> -> memref<1000xf32, #tpu.memory_space<vmem>>
          %parallel_loop3A_818 = tpu.vector_load_idx %parallel_loop3A_817[%parallel_loop3A_720] : memref<1000xf32, #tpu.memory_space<vmem>>[vector<16xi32>], vector<16xf32>,
          %parallel_loop3A_819 = arith.constant 2 : i32
          %parallel_loop3A_820 = arith.constant 0 : i32
          %parallel_loop3A_821 = tpu.memref_slice %arg5[%parallel_loop3A_819, %parallel_loop3A_820] : memref<8x1000xf32, #tpu.memory_space<vmem>> -> memref<1x1000xf32, #tpu.memory_space<vmem>>
          %parallel_loop3A_822 = tpu.memref_squeeze %parallel_loop3A_821 : memref<1x1000xf32, #tpu.memory_space<vmem>> -> memref<1000xf32, #tpu.memory_space<vmem>>
          %parallel_loop3A_823 = tpu.vector_load_idx %parallel_loop3A_822[%parallel_loop3A_720] : memref<1000xf32, #tpu.memory_space<vmem>>[vector<16xi32>], vector<16xf32>,
          %parallel_loop3A_824 = arith.constant 3 : i32
          %parallel_loop3A_825 = arith.constant 0 : i32
          %parallel_loop3A_826 = tpu.memref_slice %arg5[%parallel_loop3A_824, %parallel_loop3A_825] : memref<8x1000xf32, #tpu.memory_space<vmem>> -> memref<1x1000xf32, #tpu.memory_space<vmem>>
          %parallel_loop3A_827 = tpu.memref_squeeze %parallel_loop3A_826 : memref<1x1000xf32, #tpu.memory_space<vmem>> -> memref<1000xf32, #tpu.memory_space<vmem>>
          %parallel_loop3A_828 = tpu.vector_load_idx %parallel_loop3A_827[%parallel_loop3A_720] : memref<1000xf32, #tpu.memory_space<vmem>>[vector<16xi32>], vector<16xf32>,
          %parallel_loop3A_829 = arith.constant 4 : i32
          %parallel_loop3A_830 = arith.constant 0 : i32
          %parallel_loop3A_831 = tpu.memref_slice %arg5[%parallel_loop3A_829, %parallel_loop3A_830] : memref<8x1000xf32, #tpu.memory_space<vmem>> -> memref<1x1000xf32, #tpu.memory_space<vmem>>
          %parallel_loop3A_832 = tpu.memref_squeeze %parallel_loop3A_831 : memref<1x1000xf32, #tpu.memory_space<vmem>> -> memref<1000xf32, #tpu.memory_space<vmem>>
          %parallel_loop3A_833 = tpu.vector_load_idx %parallel_loop3A_832[%parallel_loop3A_720] : memref<1000xf32, #tpu.memory_space<vmem>>[vector<16xi32>], vector<16xf32>,
          %parallel_loop3A_834 = arith.constant 5 : i32
          %parallel_loop3A_835 = arith.constant 0 : i32
          %parallel_loop3A_836 = tpu.memref_slice %arg5[%parallel_loop3A_834, %parallel_loop3A_835] : memref<8x1000xf32, #tpu.memory_space<vmem>> -> memref<1x1000xf32, #tpu.memory_space<vmem>>
          %parallel_loop3A_837 = tpu.memref_squeeze %parallel_loop3A_836 : memref<1x1000xf32, #tpu.memory_space<vmem>> -> memref<1000xf32, #tpu.memory_space<vmem>>
          %parallel_loop3A_838 = tpu.vector_load_idx %parallel_loop3A_837[%parallel_loop3A_720] : memref<1000xf32, #tpu.memory_space<vmem>>[vector<16xi32>], vector<16xf32>,
          %parallel_loop3A_839 = arith.constant 6 : i32
          %parallel_loop3A_840 = arith.constant 0 : i32
          %parallel_loop3A_841 = tpu.memref_slice %arg5[%parallel_loop3A_839, %parallel_loop3A_840] : memref<8x1000xf32, #tpu.memory_space<vmem>> -> memref<1x1000xf32, #tpu.memory_space<vmem>>
          %parallel_loop3A_842 = tpu.memref_squeeze %parallel_loop3A_841 : memref<1x1000xf32, #tpu.memory_space<vmem>> -> memref<1000xf32, #tpu.memory_space<vmem>>
          %parallel_loop3A_843 = tpu.vector_load_idx %parallel_loop3A_842[%parallel_loop3A_720] : memref<1000xf32, #tpu.memory_space<vmem>>[vector<16xi32>], vector<16xf32>,
          %parallel_loop3A_844 = arith.constant 7 : i32
          %parallel_loop3A_845 = arith.constant 0 : i32
          %parallel_loop3A_846 = tpu.memref_slice %arg5[%parallel_loop3A_844, %parallel_loop3A_845] : memref<8x1000xf32, #tpu.memory_space<vmem>> -> memref<1x1000xf32, #tpu.memory_space<vmem>>
          %parallel_loop3A_847 = tpu.memref_squeeze %parallel_loop3A_846 : memref<1x1000xf32, #tpu.memory_space<vmem>> -> memref<1000xf32, #tpu.memory_space<vmem>>
          %parallel_loop3A_848 = tpu.vector_load_idx %parallel_loop3A_847[%parallel_loop3A_720] : memref<1000xf32, #tpu.memory_space<vmem>>[vector<16xi32>], vector<16xf32>,
          %parallel_loop3A_849 = arith.constant 0 : i32
          %parallel_loop3A_850 = arith.addi %parallel_loop3A_144, %parallel_loop3A_849 : i32
          %parallel_loop3A_851 = arith.constant 112 : i32
          %parallel_loop3A_852 = arith.addi %parallel_loop3A_850, %parallel_loop3A_851 : i32
          %parallel_loop3A_853 = arith.index_cast %parallel_loop3A_852 : i32 to index
          %parallel_loop3A_854 = tpu.vector_load %arg8[%parallel_loop3A_853] {strides = array<i32>} : memref<32768xf32, #tpu.memory_space<vmem>>, vector<16xf32>,
          tpu.vector_store %arg8[%parallel_loop3A_853], %parallel_loop3A_813 {strides = array<i32>} : memref<32768xf32, #tpu.memory_space<vmem>>, vector<16xf32>,
          %parallel_loop3A_855 = arith.constant 128 : i32
          %parallel_loop3A_856 = arith.addi %parallel_loop3A_144, %parallel_loop3A_855 : i32
          %parallel_loop3A_857 = arith.constant 112 : i32
          %parallel_loop3A_858 = arith.addi %parallel_loop3A_856, %parallel_loop3A_857 : i32
          %parallel_loop3A_859 = arith.index_cast %parallel_loop3A_858 : i32 to index
          %parallel_loop3A_860 = tpu.vector_load %arg8[%parallel_loop3A_859] {strides = array<i32>} : memref<32768xf32, #tpu.memory_space<vmem>>, vector<16xf32>,
          tpu.vector_store %arg8[%parallel_loop3A_859], %parallel_loop3A_818 {strides = array<i32>} : memref<32768xf32, #tpu.memory_space<vmem>>, vector<16xf32>,
          %parallel_loop3A_861 = arith.constant 256 : i32
          %parallel_loop3A_862 = arith.addi %parallel_loop3A_144, %parallel_loop3A_861 : i32
          %parallel_loop3A_863 = arith.constant 112 : i32
          %parallel_loop3A_864 = arith.addi %parallel_loop3A_862, %parallel_loop3A_863 : i32
          %parallel_loop3A_865 = arith.index_cast %parallel_loop3A_864 : i32 to index
          %parallel_loop3A_866 = tpu.vector_load %arg8[%parallel_loop3A_865] {strides = array<i32>} : memref<32768xf32, #tpu.memory_space<vmem>>, vector<16xf32>,
          tpu.vector_store %arg8[%parallel_loop3A_865], %parallel_loop3A_823 {strides = array<i32>} : memref<32768xf32, #tpu.memory_space<vmem>>, vector<16xf32>,
          %parallel_loop3A_867 = arith.constant 384 : i32
          %parallel_loop3A_868 = arith.addi %parallel_loop3A_144, %parallel_loop3A_867 : i32
          %parallel_loop3A_869 = arith.constant 112 : i32
          %parallel_loop3A_870 = arith.addi %parallel_loop3A_868, %parallel_loop3A_869 : i32
          %parallel_loop3A_871 = arith.index_cast %parallel_loop3A_870 : i32 to index
          %parallel_loop3A_872 = tpu.vector_load %arg8[%parallel_loop3A_871] {strides = array<i32>} : memref<32768xf32, #tpu.memory_space<vmem>>, vector<16xf32>,
          tpu.vector_store %arg8[%parallel_loop3A_871], %parallel_loop3A_828 {strides = array<i32>} : memref<32768xf32, #tpu.memory_space<vmem>>, vector<16xf32>,
          %parallel_loop3A_873 = arith.constant 512 : i32
          %parallel_loop3A_874 = arith.addi %parallel_loop3A_144, %parallel_loop3A_873 : i32
          %parallel_loop3A_875 = arith.constant 112 : i32
          %parallel_loop3A_876 = arith.addi %parallel_loop3A_874, %parallel_loop3A_875 : i32
          %parallel_loop3A_877 = arith.index_cast %parallel_loop3A_876 : i32 to index
          %parallel_loop3A_878 = tpu.vector_load %arg8[%parallel_loop3A_877] {strides = array<i32>} : memref<32768xf32, #tpu.memory_space<vmem>>, vector<16xf32>,
          tpu.vector_store %arg8[%parallel_loop3A_877], %parallel_loop3A_833 {strides = array<i32>} : memref<32768xf32, #tpu.memory_space<vmem>>, vector<16xf32>,
          %parallel_loop3A_879 = arith.constant 640 : i32
          %parallel_loop3A_880 = arith.addi %parallel_loop3A_144, %parallel_loop3A_879 : i32
          %parallel_loop3A_881 = arith.constant 112 : i32
          %parallel_loop3A_882 = arith.addi %parallel_loop3A_880, %parallel_loop3A_881 : i32
          %parallel_loop3A_883 = arith.index_cast %parallel_loop3A_882 : i32 to index
          %parallel_loop3A_884 = tpu.vector_load %arg8[%parallel_loop3A_883] {strides = array<i32>} : memref<32768xf32, #tpu.memory_space<vmem>>, vector<16xf32>,
          tpu.vector_store %arg8[%parallel_loop3A_883], %parallel_loop3A_838 {strides = array<i32>} : memref<32768xf32, #tpu.memory_space<vmem>>, vector<16xf32>,
          %parallel_loop3A_885 = arith.constant 768 : i32
          %parallel_loop3A_886 = arith.addi %parallel_loop3A_144, %parallel_loop3A_885 : i32
          %parallel_loop3A_887 = arith.constant 112 : i32
          %parallel_loop3A_888 = arith.addi %parallel_loop3A_886, %parallel_loop3A_887 : i32
          %parallel_loop3A_889 = arith.index_cast %parallel_loop3A_888 : i32 to index
          %parallel_loop3A_890 = tpu.vector_load %arg8[%parallel_loop3A_889] {strides = array<i32>} : memref<32768xf32, #tpu.memory_space<vmem>>, vector<16xf32>,
          tpu.vector_store %arg8[%parallel_loop3A_889], %parallel_loop3A_843 {strides = array<i32>} : memref<32768xf32, #tpu.memory_space<vmem>>, vector<16xf32>,
          %parallel_loop3A_891 = arith.constant 896 : i32
          %parallel_loop3A_892 = arith.addi %parallel_loop3A_144, %parallel_loop3A_891 : i32
          %parallel_loop3A_893 = arith.constant 112 : i32
          %parallel_loop3A_894 = arith.addi %parallel_loop3A_892, %parallel_loop3A_893 : i32
          %parallel_loop3A_895 = arith.index_cast %parallel_loop3A_894 : i32 to index
          %parallel_loop3A_896 = tpu.vector_load %arg8[%parallel_loop3A_895] {strides = array<i32>} : memref<32768xf32, #tpu.memory_space<vmem>>, vector<16xf32>,
          tpu.vector_store %arg8[%parallel_loop3A_895], %parallel_loop3A_848 {strides = array<i32>} : memref<32768xf32, #tpu.memory_space<vmem>>, vector<16xf32>,
        } {sc.loop_unroll_factor = 4 : i64, sc.parallel_access}
        %mul3A_127 = arith.constant 125 : i32
        %mul3A_128 = arith.muli %sub3A_106, %mul3A_127 : i32
        %add3A_129 = arith.addi %mul3A_128, %select_n3A_103 : i32
        %dma_start3A_130 = arith.constant 0 : i32
        %dma_start3A_131 = tpu.memref_slice %arg4[%add3A_129, %dma_start3A_130] : memref<2500x32768xf32, #tpu.memory_space<hbm>> -> memref<1x32768xf32, #tpu.memory_space<hbm>>
        %dma_start3A_132 = tpu.memref_squeeze %dma_start3A_131 : memref<1x32768xf32, #tpu.memory_space<hbm>> -> memref<32768xf32, #tpu.memory_space<hbm>>
        %dma_start3A_133 = arith.constant 0 : i32
        %dma_start3A_134 = tpu.memref_slice %arg4[%add3A_129, %dma_start3A_133] : memref<2500x32768xf32, #tpu.memory_space<hbm>> -> memref<1x32768xf32, #tpu.memory_space<hbm>>
        %dma_start3A_135 = tpu.memref_squeeze %dma_start3A_134 : memref<1x32768xf32, #tpu.memory_space<hbm>> -> memref<32768xf32, #tpu.memory_space<hbm>>
        tpu.enqueue_dma source(%arg8 : memref<32768xf32, #tpu.memory_space<vmem>>) target(%dma_start3A_135 : memref<32768xf32, #tpu.memory_space<hbm>>) target_semaphore(%arg12 : memref<!tpu.dma_semaphore, #tpu.memory_space<semaphore_mem>>)
        %add3A_136 = arith.constant 2 : i32
        %add3A_137 = arith.addi %add3A_69, %add3A_136 : i32
        %lt3A_138 = arith.cmpi slt, %add3A_137, %add3A_7 : i32
        %convert_element_type3A_139 = arith.extui %lt3A_138 : i1 to i32
        %cond3A_140 = arith.constant 0 : i32
        %cond3A_141 = arith.cmpi ne, %convert_element_type3A_139, %cond3A_140 : i32
        scf.if %cond3A_141 {
          %add3A_142 = arith.constant 2 : i32
          %add3A_143 = arith.addi %add3A_70, %add3A_142 : i32
          %jit3A_144 = arith.constant 20 : i32
          %eq3A_145 = arith.constant 0 : i32
          %eq3A_146 = arith.cmpi eq, %jit3A_144, %eq3A_145 : i32
          %jit3A_147 = arith.constant 1 : i32
          %select_n3A_148 = arith.select %eq3A_146, %jit3A_147, %jit3A_144 : i32
          %rem3A_149 = arith.remsi %add3A_143, %select_n3A_148 : i32
          %ne3A_150 = arith.constant 0 : i32
          %ne3A_151 = arith.cmpi ne, %rem3A_149, %ne3A_150 : i32
          %lt3A_152 = arith.constant 0 : i32
          %lt3A_153 = arith.cmpi slt, %rem3A_149, %lt3A_152 : i32
          %lt3A_154 = arith.constant 0 : i32
          %lt3A_155 = arith.cmpi slt, %select_n3A_148, %lt3A_154 : i32
          %ne3A_156 = arith.xori %lt3A_153, %lt3A_155 : i1
          %and3A_157 = arith.andi %ne3A_156, %ne3A_151 : i1
          %add3A_158 = arith.addi %rem3A_149, %select_n3A_148 : i32
          %select_n3A_159 = arith.select %and3A_157, %add3A_158, %rem3A_149 : i32
          %dma_start3A_160 = arith.constant 0 : i32
          %dma_start3A_161 = tpu.memref_slice %arg2[%select_n3A_159, %dma_start3A_160] : memref<20x2048xi32, #tpu.memory_space<hbm>> -> memref<1x2048xi32, #tpu.memory_space<hbm>>
          %dma_start3A_162 = tpu.memref_squeeze %dma_start3A_161 : memref<1x2048xi32, #tpu.memory_space<hbm>> -> memref<2048xi32, #tpu.memory_space<hbm>>
          %dma_start3A_163 = arith.constant 0 : i32
          %dma_start3A_164 = tpu.memref_slice %arg2[%select_n3A_159, %dma_start3A_163] : memref<20x2048xi32, #tpu.memory_space<hbm>> -> memref<1x2048xi32, #tpu.memory_space<hbm>>
          %dma_start3A_165 = tpu.memref_squeeze %dma_start3A_164 : memref<1x2048xi32, #tpu.memory_space<hbm>> -> memref<2048xi32, #tpu.memory_space<hbm>>
          tpu.enqueue_dma source(%dma_start3A_165 : memref<2048xi32, #tpu.memory_space<hbm>>) target(%arg6 : memref<2048xi32, #tpu.memory_space<vmem>>) target_semaphore(%arg10 : memref<!tpu.dma_semaphore, #tpu.memory_space<semaphore_mem>>)
        } else {
        }
      } else {
      }
      %mul3A_74 = arith.constant 2 : i32
      %mul3A_75 = arith.muli %mul3A_74, %scan3A_65 : i32
      %add3A_76 = arith.constant 1 : i32
      %add3A_77 = arith.addi %mul3A_75, %add3A_76 : i32
      %add3A_78 = arith.addi %add3A_4, %add3A_77 : i32
      %lt3A_79 = arith.cmpi slt, %add3A_77, %add3A_7 : i32
      %convert_element_type3A_80 = arith.extui %lt3A_79 : i1 to i32
      %cond3A_81 = arith.constant 0 : i32
      %cond3A_82 = arith.cmpi ne, %convert_element_type3A_80, %cond3A_81 : i32
      scf.if %cond3A_82 {
        %jit3A_83 = arith.constant 20 : i32
        %div3A = arith.divsi %add3A_78, %jit3A_83 : i32
        %sign3A = arith.constant 0 : i32
        %sign3A_84 = arith.cmpi sgt, %add3A_78, %sign3A : i32
        %sign3A_85 = arith.extui %sign3A_84 : i1 to i32
        %sign3A_86 = arith.constant 0 : i32
        %sign3A_87 = arith.cmpi slt, %add3A_78, %sign3A_86 : i32
        %sign3A_88 = arith.extui %sign3A_87 : i1 to i32
        %sign3A_89 = arith.subi %sign3A_85, %sign3A_88 : i32
        %sign3A_90 = arith.constant 0 : i32
        %sign3A_91 = arith.cmpi sgt, %jit3A_83, %sign3A_90 : i32
        %sign3A_92 = arith.extui %sign3A_91 : i1 to i32
        %sign3A_93 = arith.constant 0 : i32
        %sign3A_94 = arith.cmpi slt, %jit3A_83, %sign3A_93 : i32
        %sign3A_95 = arith.extui %sign3A_94 : i1 to i32
        %sign3A_96 = arith.subi %sign3A_92, %sign3A_95 : i32
        %ne3A_97 = arith.cmpi ne, %sign3A_89, %sign3A_96 : i32
        %rem3A_98 = arith.remsi %add3A_78, %jit3A_83 : i32
        %ne3A_99 = arith.constant 0 : i32
        %ne3A_100 = arith.cmpi ne, %rem3A_98, %ne3A_99 : i32
        %and3A_101 = arith.andi %ne3A_97, %ne3A_100 : i1
        %sub3A = arith.constant 1 : i32
        %sub3A_102 = arith.subi %div3A, %sub3A : i32
        %select_n3A_103 = arith.select %and3A_101, %sub3A_102, %div3A : i32
        %mul3A_104 = arith.constant 20 : i32
        %mul3A_105 = arith.muli %select_n3A_103, %mul3A_104 : i32
        %sub3A_106 = arith.subi %add3A_78, %mul3A_105 : i32
        %eq3A_107 = arith.constant 0 : i32
        %eq3A_108 = arith.cmpi eq, %sub3A_106, %eq3A_107 : i32
        %eq3A_109 = arith.constant 0 : i32
        %eq3A_110 = arith.cmpi eq, %add3A_77, %eq3A_109 : i32
        %or3A = arith.ori %eq3A_108, %eq3A_110 : i1
        %convert_element_type3A_111 = arith.extui %or3A : i1 to i32
        %cond3A_112 = arith.constant 0 : i32
        %cond3A_113 = arith.cmpi ne, %convert_element_type3A_111, %cond3A_112 : i32
        scf.if %cond3A_113 {
          %mul3A_142 = arith.constant 8 : i32
          %mul3A_143 = arith.muli %select_n3A_103, %mul3A_142 : i32
          "tpu.region"() ({
            %run_scoped3A = tpu.sem_alloc : memref<!tpu.dma_semaphore, #tpu.memory_space<semaphore_mem>>
            %dma_start3A_144 = arith.constant 0 : i32
            %dma_start3A_145 = tpu.memref_slice %arg3[%mul3A_143, %dma_start3A_144] : memref<1000x1000xf32, #tpu.memory_space<hbm>> -> memref<8x1000xf32, #tpu.memory_space<hbm>>
            %dma_start3A_146 = arith.constant 0 : i32
            %dma_start3A_147 = tpu.memref_slice %arg3[%mul3A_143, %dma_start3A_146] : memref<1000x1000xf32, #tpu.memory_space<hbm>> -> memref<8x1000xf32, #tpu.memory_space<hbm>>
            tpu.enqueue_dma source(%dma_start3A_147 : memref<8x1000xf32, #tpu.memory_space<hbm>>) target(%arg5 : memref<8x1000xf32, #tpu.memory_space<vmem>>) target_semaphore(%run_scoped3A : memref<!tpu.dma_semaphore, #tpu.memory_space<semaphore_mem>>)
            %dma_wait3A_148 = arith.constant 0 : i32
            %dma_wait3A_149 = tpu.memref_slice %arg3[%mul3A_143, %dma_wait3A_148] : memref<1000x1000xf32, #tpu.memory_space<hbm>> -> memref<8x1000xf32, #tpu.memory_space<hbm>>
            %dma_wait3A_150 = arith.constant 0 : i32
            %dma_wait3A_151 = tpu.memref_slice %arg3[%mul3A_143, %dma_wait3A_150] : memref<1000x1000xf32, #tpu.memory_space<hbm>> -> memref<8x1000xf32, #tpu.memory_space<hbm>>
            tpu.wait_dma2 semaphore(%run_scoped3A : memref<!tpu.dma_semaphore, #tpu.memory_space<semaphore_mem>>) src(%dma_wait3A_151 : memref<8x1000xf32, #tpu.memory_space<hbm>>) dst(%arg5 : memref<8x1000xf32, #tpu.memory_space<vmem>>)
            tpu.yield
          }) : () -> ()
        } else {
        }
        %dma_wait3A_114 = arith.constant 0 : i32
        %dma_wait3A_115 = arith.constant 0 : i32
        %dma_wait3A_116 = tpu.memref_slice %arg2[%dma_wait3A_114, %dma_wait3A_115] : memref<20x2048xi32, #tpu.memory_space<hbm>> -> memref<1x2048xi32, #tpu.memory_space<hbm>>
        %dma_wait3A_117 = tpu.memref_squeeze %dma_wait3A_116 : memref<1x2048xi32, #tpu.memory_space<hbm>> -> memref<2048xi32, #tpu.memory_space<hbm>>
        %dma_wait3A_118 = arith.constant 0 : i32
        %dma_wait3A_119 = tpu.memref_slice %arg2[%dma_wait3A_114, %dma_wait3A_118] : memref<20x2048xi32, #tpu.memory_space<hbm>> -> memref<1x2048xi32, #tpu.memory_space<hbm>>
        %dma_wait3A_120 = tpu.memref_squeeze %dma_wait3A_119 : memref<1x2048xi32, #tpu.memory_space<hbm>> -> memref<2048xi32, #tpu.memory_space<hbm>>
        tpu.wait_dma2 semaphore(%arg11 : memref<!tpu.dma_semaphore, #tpu.memory_space<semaphore_mem>>) src(%dma_wait3A_120 : memref<2048xi32, #tpu.memory_space<hbm>>) dst(%arg7 : memref<2048xi32, #tpu.memory_space<vmem>>)
        %gt3A = arith.constant 0 : i32
        %gt3A_121 = arith.cmpi sgt, %scan3A_65, %gt3A : i32
        %convert_element_type3A_122 = arith.extui %gt3A_121 : i1 to i32
        %cond3A_123 = arith.constant 0 : i32
        %cond3A_124 = arith.cmpi ne, %convert_element_type3A_122, %cond3A_123 : i32
        scf.if %cond3A_124 {
          %dma_wait3A_142 = arith.constant 0 : i32
          %dma_wait3A_143 = arith.constant 0 : i32
          %dma_wait3A_144 = tpu.memref_slice %arg4[%dma_wait3A_142, %dma_wait3A_143] : memref<2500x32768xf32, #tpu.memory_space<hbm>> -> memref<1x32768xf32, #tpu.memory_space<hbm>>
          %dma_wait3A_145 = tpu.memref_squeeze %dma_wait3A_144 : memref<1x32768xf32, #tpu.memory_space<hbm>> -> memref<32768xf32, #tpu.memory_space<hbm>>
          %dma_wait3A_146 = arith.constant 0 : i32
          %dma_wait3A_147 = tpu.memref_slice %arg4[%dma_wait3A_142, %dma_wait3A_146] : memref<2500x32768xf32, #tpu.memory_space<hbm>> -> memref<1x32768xf32, #tpu.memory_space<hbm>>
          %dma_wait3A_148 = tpu.memref_squeeze %dma_wait3A_147 : memref<1x32768xf32, #tpu.memory_space<hbm>> -> memref<32768xf32, #tpu.memory_space<hbm>>
          tpu.wait_dma2 semaphore(%arg13 : memref<!tpu.dma_semaphore, #tpu.memory_space<semaphore_mem>>) src(%arg9 : memref<32768xf32, #tpu.memory_space<vmem>>) dst(%dma_wait3A_148 : memref<32768xf32, #tpu.memory_space<hbm>>)
        } else {
        }
        %parallel_loop3A = arith.constant 0 : i32
        %parallel_loop3A_125 = arith.constant 32 : i32
        %parallel_loop3A_126 = arith.constant 1 : i32
        scf.for %parallel_loop3A_142 = %parallel_loop3A to %parallel_loop3A_125 step %parallel_loop3A_126  : i32 {
          %parallel_loop3A_143 = arith.constant 1024 : i32
          %parallel_loop3A_144 = arith.muli %parallel_loop3A_142, %parallel_loop3A_143 : i32
          %parallel_loop3A_145 = arith.constant 64 : i32
          %parallel_loop3A_146 = arith.muli %parallel_loop3A_142, %parallel_loop3A_145 : i32
          %parallel_loop3A_147 = arith.constant 0 : i32
          %parallel_loop3A_148 = arith.addi %parallel_loop3A_146, %parallel_loop3A_147 : i32
          %parallel_loop3A_149 = arith.index_cast %parallel_loop3A_148 : i32 to index
          %parallel_loop3A_150 = tpu.vector_load %arg7[%parallel_loop3A_149] {strides = array<i32>} : memref<2048xi32, #tpu.memory_space<vmem>>, vector<16xi32>,
          %parallel_loop3A_151 = arith.constant 65535 : i32
          %parallel_loop3A_152 = vector.broadcast %parallel_loop3A_151 : i32 to vector<16xi32>
          %parallel_loop3A_153 = arith.andi %parallel_loop3A_150, %parallel_loop3A_152 : vector<16xi32>
          %parallel_loop3A_154 = arith.constant 16 : i32
          %parallel_loop3A_155 = vector.broadcast %parallel_loop3A_154 : i32 to vector<16xi32>
          %parallel_loop3A_156 = arith.shrui %parallel_loop3A_150, %parallel_loop3A_155 : vector<16xi32>
          %parallel_loop3A_157 = arith.constant 0 : i32
          %parallel_loop3A_158 = arith.constant 0 : i32
          %parallel_loop3A_159 = tpu.memref_slice %arg5[%parallel_loop3A_157, %parallel_loop3A_158] : memref<8x1000xf32, #tpu.memory_space<vmem>> -> memref<1x1000xf32, #tpu.memory_space<vmem>>
          %parallel_loop3A_160 = tpu.memref_squeeze %parallel_loop3A_159 : memref<1x1000xf32, #tpu.memory_space<vmem>> -> memref<1000xf32, #tpu.memory_space<vmem>>
          %parallel_loop3A_161 = tpu.vector_load_idx %parallel_loop3A_160[%parallel_loop3A_153] : memref<1000xf32, #tpu.memory_space<vmem>>[vector<16xi32>], vector<16xf32>,
          %parallel_loop3A_162 = arith.constant 1 : i32
          %parallel_loop3A_163 = arith.constant 0 : i32
          %parallel_loop3A_164 = tpu.memref_slice %arg5[%parallel_loop3A_162, %parallel_loop3A_163] : memref<8x1000xf32, #tpu.memory_space<vmem>> -> memref<1x1000xf32, #tpu.memory_space<vmem>>
          %parallel_loop3A_165 = tpu.memref_squeeze %parallel_loop3A_164 : memref<1x1000xf32, #tpu.memory_space<vmem>> -> memref<1000xf32, #tpu.memory_space<vmem>>
          %parallel_loop3A_166 = tpu.vector_load_idx %parallel_loop3A_165[%parallel_loop3A_153] : memref<1000xf32, #tpu.memory_space<vmem>>[vector<16xi32>], vector<16xf32>,
          %parallel_loop3A_167 = arith.constant 2 : i32
          %parallel_loop3A_168 = arith.constant 0 : i32
          %parallel_loop3A_169 = tpu.memref_slice %arg5[%parallel_loop3A_167, %parallel_loop3A_168] : memref<8x1000xf32, #tpu.memory_space<vmem>> -> memref<1x1000xf32, #tpu.memory_space<vmem>>
          %parallel_loop3A_170 = tpu.memref_squeeze %parallel_loop3A_169 : memref<1x1000xf32, #tpu.memory_space<vmem>> -> memref<1000xf32, #tpu.memory_space<vmem>>
          %parallel_loop3A_171 = tpu.vector_load_idx %parallel_loop3A_170[%parallel_loop3A_153] : memref<1000xf32, #tpu.memory_space<vmem>>[vector<16xi32>], vector<16xf32>,
          %parallel_loop3A_172 = arith.constant 3 : i32
          %parallel_loop3A_173 = arith.constant 0 : i32
          %parallel_loop3A_174 = tpu.memref_slice %arg5[%parallel_loop3A_172, %parallel_loop3A_173] : memref<8x1000xf32, #tpu.memory_space<vmem>> -> memref<1x1000xf32, #tpu.memory_space<vmem>>
          %parallel_loop3A_175 = tpu.memref_squeeze %parallel_loop3A_174 : memref<1x1000xf32, #tpu.memory_space<vmem>> -> memref<1000xf32, #tpu.memory_space<vmem>>
          %parallel_loop3A_176 = tpu.vector_load_idx %parallel_loop3A_175[%parallel_loop3A_153] : memref<1000xf32, #tpu.memory_space<vmem>>[vector<16xi32>], vector<16xf32>,
          %parallel_loop3A_177 = arith.constant 4 : i32
          %parallel_loop3A_178 = arith.constant 0 : i32
          %parallel_loop3A_179 = tpu.memref_slice %arg5[%parallel_loop3A_177, %parallel_loop3A_178] : memref<8x1000xf32, #tpu.memory_space<vmem>> -> memref<1x1000xf32, #tpu.memory_space<vmem>>
          %parallel_loop3A_180 = tpu.memref_squeeze %parallel_loop3A_179 : memref<1x1000xf32, #tpu.memory_space<vmem>> -> memref<1000xf32, #tpu.memory_space<vmem>>
          %parallel_loop3A_181 = tpu.vector_load_idx %parallel_loop3A_180[%parallel_loop3A_153] : memref<1000xf32, #tpu.memory_space<vmem>>[vector<16xi32>], vector<16xf32>,
          %parallel_loop3A_182 = arith.constant 5 : i32
          %parallel_loop3A_183 = arith.constant 0 : i32
          %parallel_loop3A_184 = tpu.memref_slice %arg5[%parallel_loop3A_182, %parallel_loop3A_183] : memref<8x1000xf32, #tpu.memory_space<vmem>> -> memref<1x1000xf32, #tpu.memory_space<vmem>>
          %parallel_loop3A_185 = tpu.memref_squeeze %parallel_loop3A_184 : memref<1x1000xf32, #tpu.memory_space<vmem>> -> memref<1000xf32, #tpu.memory_space<vmem>>
          %parallel_loop3A_186 = tpu.vector_load_idx %parallel_loop3A_185[%parallel_loop3A_153] : memref<1000xf32, #tpu.memory_space<vmem>>[vector<16xi32>], vector<16xf32>,
          %parallel_loop3A_187 = arith.constant 6 : i32
          %parallel_loop3A_188 = arith.constant 0 : i32
          %parallel_loop3A_189 = tpu.memref_slice %arg5[%parallel_loop3A_187, %parallel_loop3A_188] : memref<8x1000xf32, #tpu.memory_space<vmem>> -> memref<1x1000xf32, #tpu.memory_space<vmem>>
          %parallel_loop3A_190 = tpu.memref_squeeze %parallel_loop3A_189 : memref<1x1000xf32, #tpu.memory_space<vmem>> -> memref<1000xf32, #tpu.memory_space<vmem>>
          %parallel_loop3A_191 = tpu.vector_load_idx %parallel_loop3A_190[%parallel_loop3A_153] : memref<1000xf32, #tpu.memory_space<vmem>>[vector<16xi32>], vector<16xf32>,
          %parallel_loop3A_192 = arith.constant 7 : i32
          %parallel_loop3A_193 = arith.constant 0 : i32
          %parallel_loop3A_194 = tpu.memref_slice %arg5[%parallel_loop3A_192, %parallel_loop3A_193] : memref<8x1000xf32, #tpu.memory_space<vmem>> -> memref<1x1000xf32, #tpu.memory_space<vmem>>
          %parallel_loop3A_195 = tpu.memref_squeeze %parallel_loop3A_194 : memref<1x1000xf32, #tpu.memory_space<vmem>> -> memref<1000xf32, #tpu.memory_space<vmem>>
          %parallel_loop3A_196 = tpu.vector_load_idx %parallel_loop3A_195[%parallel_loop3A_153] : memref<1000xf32, #tpu.memory_space<vmem>>[vector<16xi32>], vector<16xf32>,
          %parallel_loop3A_197 = arith.constant 0 : i32
          %parallel_loop3A_198 = arith.addi %parallel_loop3A_144, %parallel_loop3A_197 : i32
          %parallel_loop3A_199 = arith.constant 0 : i32
          %parallel_loop3A_200 = arith.addi %parallel_loop3A_198, %parallel_loop3A_199 : i32
          %parallel_loop3A_201 = arith.index_cast %parallel_loop3A_200 : i32 to index
          %parallel_loop3A_202 = tpu.vector_load %arg9[%parallel_loop3A_201] {strides = array<i32>} : memref<32768xf32, #tpu.memory_space<vmem>>, vector<16xf32>,
          tpu.vector_store %arg9[%parallel_loop3A_201], %parallel_loop3A_161 {strides = array<i32>} : memref<32768xf32, #tpu.memory_space<vmem>>, vector<16xf32>,
          %parallel_loop3A_203 = arith.constant 128 : i32
          %parallel_loop3A_204 = arith.addi %parallel_loop3A_144, %parallel_loop3A_203 : i32
          %parallel_loop3A_205 = arith.constant 0 : i32
          %parallel_loop3A_206 = arith.addi %parallel_loop3A_204, %parallel_loop3A_205 : i32
          %parallel_loop3A_207 = arith.index_cast %parallel_loop3A_206 : i32 to index
          %parallel_loop3A_208 = tpu.vector_load %arg9[%parallel_loop3A_207] {strides = array<i32>} : memref<32768xf32, #tpu.memory_space<vmem>>, vector<16xf32>,
          tpu.vector_store %arg9[%parallel_loop3A_207], %parallel_loop3A_166 {strides = array<i32>} : memref<32768xf32, #tpu.memory_space<vmem>>, vector<16xf32>,
          %parallel_loop3A_209 = arith.constant 256 : i32
          %parallel_loop3A_210 = arith.addi %parallel_loop3A_144, %parallel_loop3A_209 : i32
          %parallel_loop3A_211 = arith.constant 0 : i32
          %parallel_loop3A_212 = arith.addi %parallel_loop3A_210, %parallel_loop3A_211 : i32
          %parallel_loop3A_213 = arith.index_cast %parallel_loop3A_212 : i32 to index
          %parallel_loop3A_214 = tpu.vector_load %arg9[%parallel_loop3A_213] {strides = array<i32>} : memref<32768xf32, #tpu.memory_space<vmem>>, vector<16xf32>,
          tpu.vector_store %arg9[%parallel_loop3A_213], %parallel_loop3A_171 {strides = array<i32>} : memref<32768xf32, #tpu.memory_space<vmem>>, vector<16xf32>,
          %parallel_loop3A_215 = arith.constant 384 : i32
          %parallel_loop3A_216 = arith.addi %parallel_loop3A_144, %parallel_loop3A_215 : i32
          %parallel_loop3A_217 = arith.constant 0 : i32
          %parallel_loop3A_218 = arith.addi %parallel_loop3A_216, %parallel_loop3A_217 : i32
          %parallel_loop3A_219 = arith.index_cast %parallel_loop3A_218 : i32 to index
          %parallel_loop3A_220 = tpu.vector_load %arg9[%parallel_loop3A_219] {strides = array<i32>} : memref<32768xf32, #tpu.memory_space<vmem>>, vector<16xf32>,
          tpu.vector_store %arg9[%parallel_loop3A_219], %parallel_loop3A_176 {strides = array<i32>} : memref<32768xf32, #tpu.memory_space<vmem>>, vector<16xf32>,
          %parallel_loop3A_221 = arith.constant 512 : i32
          %parallel_loop3A_222 = arith.addi %parallel_loop3A_144, %parallel_loop3A_221 : i32
          %parallel_loop3A_223 = arith.constant 0 : i32
          %parallel_loop3A_224 = arith.addi %parallel_loop3A_222, %parallel_loop3A_223 : i32
          %parallel_loop3A_225 = arith.index_cast %parallel_loop3A_224 : i32 to index
          %parallel_loop3A_226 = tpu.vector_load %arg9[%parallel_loop3A_225] {strides = array<i32>} : memref<32768xf32, #tpu.memory_space<vmem>>, vector<16xf32>,
          tpu.vector_store %arg9[%parallel_loop3A_225], %parallel_loop3A_181 {strides = array<i32>} : memref<32768xf32, #tpu.memory_space<vmem>>, vector<16xf32>,
          %parallel_loop3A_227 = arith.constant 640 : i32
          %parallel_loop3A_228 = arith.addi %parallel_loop3A_144, %parallel_loop3A_227 : i32
          %parallel_loop3A_229 = arith.constant 0 : i32
          %parallel_loop3A_230 = arith.addi %parallel_loop3A_228, %parallel_loop3A_229 : i32
          %parallel_loop3A_231 = arith.index_cast %parallel_loop3A_230 : i32 to index
          %parallel_loop3A_232 = tpu.vector_load %arg9[%parallel_loop3A_231] {strides = array<i32>} : memref<32768xf32, #tpu.memory_space<vmem>>, vector<16xf32>,
          tpu.vector_store %arg9[%parallel_loop3A_231], %parallel_loop3A_186 {strides = array<i32>} : memref<32768xf32, #tpu.memory_space<vmem>>, vector<16xf32>,
          %parallel_loop3A_233 = arith.constant 768 : i32
          %parallel_loop3A_234 = arith.addi %parallel_loop3A_144, %parallel_loop3A_233 : i32
          %parallel_loop3A_235 = arith.constant 0 : i32
          %parallel_loop3A_236 = arith.addi %parallel_loop3A_234, %parallel_loop3A_235 : i32
          %parallel_loop3A_237 = arith.index_cast %parallel_loop3A_236 : i32 to index
          %parallel_loop3A_238 = tpu.vector_load %arg9[%parallel_loop3A_237] {strides = array<i32>} : memref<32768xf32, #tpu.memory_space<vmem>>, vector<16xf32>,
          tpu.vector_store %arg9[%parallel_loop3A_237], %parallel_loop3A_191 {strides = array<i32>} : memref<32768xf32, #tpu.memory_space<vmem>>, vector<16xf32>,
          %parallel_loop3A_239 = arith.constant 896 : i32
          %parallel_loop3A_240 = arith.addi %parallel_loop3A_144, %parallel_loop3A_239 : i32
          %parallel_loop3A_241 = arith.constant 0 : i32
          %parallel_loop3A_242 = arith.addi %parallel_loop3A_240, %parallel_loop3A_241 : i32
          %parallel_loop3A_243 = arith.index_cast %parallel_loop3A_242 : i32 to index
          %parallel_loop3A_244 = tpu.vector_load %arg9[%parallel_loop3A_243] {strides = array<i32>} : memref<32768xf32, #tpu.memory_space<vmem>>, vector<16xf32>,
          tpu.vector_store %arg9[%parallel_loop3A_243], %parallel_loop3A_196 {strides = array<i32>} : memref<32768xf32, #tpu.memory_space<vmem>>, vector<16xf32>,
          %parallel_loop3A_245 = arith.constant 0 : i32
          %parallel_loop3A_246 = arith.constant 0 : i32
          %parallel_loop3A_247 = tpu.memref_slice %arg5[%parallel_loop3A_245, %parallel_loop3A_246] : memref<8x1000xf32, #tpu.memory_space<vmem>> -> memref<1x1000xf32, #tpu.memory_space<vmem>>
          %parallel_loop3A_248 = tpu.memref_squeeze %parallel_loop3A_247 : memref<1x1000xf32, #tpu.memory_space<vmem>> -> memref<1000xf32, #tpu.memory_space<vmem>>
          %parallel_loop3A_249 = tpu.vector_load_idx %parallel_loop3A_248[%parallel_loop3A_156] : memref<1000xf32, #tpu.memory_space<vmem>>[vector<16xi32>], vector<16xf32>,
          %parallel_loop3A_250 = arith.constant 1 : i32
          %parallel_loop3A_251 = arith.constant 0 : i32
          %parallel_loop3A_252 = tpu.memref_slice %arg5[%parallel_loop3A_250, %parallel_loop3A_251] : memref<8x1000xf32, #tpu.memory_space<vmem>> -> memref<1x1000xf32, #tpu.memory_space<vmem>>
          %parallel_loop3A_253 = tpu.memref_squeeze %parallel_loop3A_252 : memref<1x1000xf32, #tpu.memory_space<vmem>> -> memref<1000xf32, #tpu.memory_space<vmem>>
          %parallel_loop3A_254 = tpu.vector_load_idx %parallel_loop3A_253[%parallel_loop3A_156] : memref<1000xf32, #tpu.memory_space<vmem>>[vector<16xi32>], vector<16xf32>,
          %parallel_loop3A_255 = arith.constant 2 : i32
          %parallel_loop3A_256 = arith.constant 0 : i32
          %parallel_loop3A_257 = tpu.memref_slice %arg5[%parallel_loop3A_255, %parallel_loop3A_256] : memref<8x1000xf32, #tpu.memory_space<vmem>> -> memref<1x1000xf32, #tpu.memory_space<vmem>>
          %parallel_loop3A_258 = tpu.memref_squeeze %parallel_loop3A_257 : memref<1x1000xf32, #tpu.memory_space<vmem>> -> memref<1000xf32, #tpu.memory_space<vmem>>
          %parallel_loop3A_259 = tpu.vector_load_idx %parallel_loop3A_258[%parallel_loop3A_156] : memref<1000xf32, #tpu.memory_space<vmem>>[vector<16xi32>], vector<16xf32>,
          %parallel_loop3A_260 = arith.constant 3 : i32
          %parallel_loop3A_261 = arith.constant 0 : i32
          %parallel_loop3A_262 = tpu.memref_slice %arg5[%parallel_loop3A_260, %parallel_loop3A_261] : memref<8x1000xf32, #tpu.memory_space<vmem>> -> memref<1x1000xf32, #tpu.memory_space<vmem>>
          %parallel_loop3A_263 = tpu.memref_squeeze %parallel_loop3A_262 : memref<1x1000xf32, #tpu.memory_space<vmem>> -> memref<1000xf32, #tpu.memory_space<vmem>>
          %parallel_loop3A_264 = tpu.vector_load_idx %parallel_loop3A_263[%parallel_loop3A_156] : memref<1000xf32, #tpu.memory_space<vmem>>[vector<16xi32>], vector<16xf32>,
          %parallel_loop3A_265 = arith.constant 4 : i32
          %parallel_loop3A_266 = arith.constant 0 : i32
          %parallel_loop3A_267 = tpu.memref_slice %arg5[%parallel_loop3A_265, %parallel_loop3A_266] : memref<8x1000xf32, #tpu.memory_space<vmem>> -> memref<1x1000xf32, #tpu.memory_space<vmem>>
          %parallel_loop3A_268 = tpu.memref_squeeze %parallel_loop3A_267 : memref<1x1000xf32, #tpu.memory_space<vmem>> -> memref<1000xf32, #tpu.memory_space<vmem>>
          %parallel_loop3A_269 = tpu.vector_load_idx %parallel_loop3A_268[%parallel_loop3A_156] : memref<1000xf32, #tpu.memory_space<vmem>>[vector<16xi32>], vector<16xf32>,
          %parallel_loop3A_270 = arith.constant 5 : i32
          %parallel_loop3A_271 = arith.constant 0 : i32
          %parallel_loop3A_272 = tpu.memref_slice %arg5[%parallel_loop3A_270, %parallel_loop3A_271] : memref<8x1000xf32, #tpu.memory_space<vmem>> -> memref<1x1000xf32, #tpu.memory_space<vmem>>
          %parallel_loop3A_273 = tpu.memref_squeeze %parallel_loop3A_272 : memref<1x1000xf32, #tpu.memory_space<vmem>> -> memref<1000xf32, #tpu.memory_space<vmem>>
          %parallel_loop3A_274 = tpu.vector_load_idx %parallel_loop3A_273[%parallel_loop3A_156] : memref<1000xf32, #tpu.memory_space<vmem>>[vector<16xi32>], vector<16xf32>,
          %parallel_loop3A_275 = arith.constant 6 : i32
          %parallel_loop3A_276 = arith.constant 0 : i32
          %parallel_loop3A_277 = tpu.memref_slice %arg5[%parallel_loop3A_275, %parallel_loop3A_276] : memref<8x1000xf32, #tpu.memory_space<vmem>> -> memref<1x1000xf32, #tpu.memory_space<vmem>>
          %parallel_loop3A_278 = tpu.memref_squeeze %parallel_loop3A_277 : memref<1x1000xf32, #tpu.memory_space<vmem>> -> memref<1000xf32, #tpu.memory_space<vmem>>
          %parallel_loop3A_279 = tpu.vector_load_idx %parallel_loop3A_278[%parallel_loop3A_156] : memref<1000xf32, #tpu.memory_space<vmem>>[vector<16xi32>], vector<16xf32>,
          %parallel_loop3A_280 = arith.constant 7 : i32
          %parallel_loop3A_281 = arith.constant 0 : i32
          %parallel_loop3A_282 = tpu.memref_slice %arg5[%parallel_loop3A_280, %parallel_loop3A_281] : memref<8x1000xf32, #tpu.memory_space<vmem>> -> memref<1x1000xf32, #tpu.memory_space<vmem>>
          %parallel_loop3A_283 = tpu.memref_squeeze %parallel_loop3A_282 : memref<1x1000xf32, #tpu.memory_space<vmem>> -> memref<1000xf32, #tpu.memory_space<vmem>>
          %parallel_loop3A_284 = tpu.vector_load_idx %parallel_loop3A_283[%parallel_loop3A_156] : memref<1000xf32, #tpu.memory_space<vmem>>[vector<16xi32>], vector<16xf32>,
          %parallel_loop3A_285 = arith.constant 0 : i32
          %parallel_loop3A_286 = arith.addi %parallel_loop3A_144, %parallel_loop3A_285 : i32
          %parallel_loop3A_287 = arith.constant 16 : i32
          %parallel_loop3A_288 = arith.addi %parallel_loop3A_286, %parallel_loop3A_287 : i32
          %parallel_loop3A_289 = arith.index_cast %parallel_loop3A_288 : i32 to index
          %parallel_loop3A_290 = tpu.vector_load %arg9[%parallel_loop3A_289] {strides = array<i32>} : memref<32768xf32, #tpu.memory_space<vmem>>, vector<16xf32>,
          tpu.vector_store %arg9[%parallel_loop3A_289], %parallel_loop3A_249 {strides = array<i32>} : memref<32768xf32, #tpu.memory_space<vmem>>, vector<16xf32>,
          %parallel_loop3A_291 = arith.constant 128 : i32
          %parallel_loop3A_292 = arith.addi %parallel_loop3A_144, %parallel_loop3A_291 : i32
          %parallel_loop3A_293 = arith.constant 16 : i32
          %parallel_loop3A_294 = arith.addi %parallel_loop3A_292, %parallel_loop3A_293 : i32
          %parallel_loop3A_295 = arith.index_cast %parallel_loop3A_294 : i32 to index
          %parallel_loop3A_296 = tpu.vector_load %arg9[%parallel_loop3A_295] {strides = array<i32>} : memref<32768xf32, #tpu.memory_space<vmem>>, vector<16xf32>,
          tpu.vector_store %arg9[%parallel_loop3A_295], %parallel_loop3A_254 {strides = array<i32>} : memref<32768xf32, #tpu.memory_space<vmem>>, vector<16xf32>,
          %parallel_loop3A_297 = arith.constant 256 : i32
          %parallel_loop3A_298 = arith.addi %parallel_loop3A_144, %parallel_loop3A_297 : i32
          %parallel_loop3A_299 = arith.constant 16 : i32
          %parallel_loop3A_300 = arith.addi %parallel_loop3A_298, %parallel_loop3A_299 : i32
          %parallel_loop3A_301 = arith.index_cast %parallel_loop3A_300 : i32 to index
          %parallel_loop3A_302 = tpu.vector_load %arg9[%parallel_loop3A_301] {strides = array<i32>} : memref<32768xf32, #tpu.memory_space<vmem>>, vector<16xf32>,
          tpu.vector_store %arg9[%parallel_loop3A_301], %parallel_loop3A_259 {strides = array<i32>} : memref<32768xf32, #tpu.memory_space<vmem>>, vector<16xf32>,
          %parallel_loop3A_303 = arith.constant 384 : i32
          %parallel_loop3A_304 = arith.addi %parallel_loop3A_144, %parallel_loop3A_303 : i32
          %parallel_loop3A_305 = arith.constant 16 : i32
          %parallel_loop3A_306 = arith.addi %parallel_loop3A_304, %parallel_loop3A_305 : i32
          %parallel_loop3A_307 = arith.index_cast %parallel_loop3A_306 : i32 to index
          %parallel_loop3A_308 = tpu.vector_load %arg9[%parallel_loop3A_307] {strides = array<i32>} : memref<32768xf32, #tpu.memory_space<vmem>>, vector<16xf32>,
          tpu.vector_store %arg9[%parallel_loop3A_307], %parallel_loop3A_264 {strides = array<i32>} : memref<32768xf32, #tpu.memory_space<vmem>>, vector<16xf32>,
          %parallel_loop3A_309 = arith.constant 512 : i32
          %parallel_loop3A_310 = arith.addi %parallel_loop3A_144, %parallel_loop3A_309 : i32
          %parallel_loop3A_311 = arith.constant 16 : i32
          %parallel_loop3A_312 = arith.addi %parallel_loop3A_310, %parallel_loop3A_311 : i32
          %parallel_loop3A_313 = arith.index_cast %parallel_loop3A_312 : i32 to index
          %parallel_loop3A_314 = tpu.vector_load %arg9[%parallel_loop3A_313] {strides = array<i32>} : memref<32768xf32, #tpu.memory_space<vmem>>, vector<16xf32>,
          tpu.vector_store %arg9[%parallel_loop3A_313], %parallel_loop3A_269 {strides = array<i32>} : memref<32768xf32, #tpu.memory_space<vmem>>, vector<16xf32>,
          %parallel_loop3A_315 = arith.constant 640 : i32
          %parallel_loop3A_316 = arith.addi %parallel_loop3A_144, %parallel_loop3A_315 : i32
          %parallel_loop3A_317 = arith.constant 16 : i32
          %parallel_loop3A_318 = arith.addi %parallel_loop3A_316, %parallel_loop3A_317 : i32
          %parallel_loop3A_319 = arith.index_cast %parallel_loop3A_318 : i32 to index
          %parallel_loop3A_320 = tpu.vector_load %arg9[%parallel_loop3A_319] {strides = array<i32>} : memref<32768xf32, #tpu.memory_space<vmem>>, vector<16xf32>,
          tpu.vector_store %arg9[%parallel_loop3A_319], %parallel_loop3A_274 {strides = array<i32>} : memref<32768xf32, #tpu.memory_space<vmem>>, vector<16xf32>,
          %parallel_loop3A_321 = arith.constant 768 : i32
          %parallel_loop3A_322 = arith.addi %parallel_loop3A_144, %parallel_loop3A_321 : i32
          %parallel_loop3A_323 = arith.constant 16 : i32
          %parallel_loop3A_324 = arith.addi %parallel_loop3A_322, %parallel_loop3A_323 : i32
          %parallel_loop3A_325 = arith.index_cast %parallel_loop3A_324 : i32 to index
          %parallel_loop3A_326 = tpu.vector_load %arg9[%parallel_loop3A_325] {strides = array<i32>} : memref<32768xf32, #tpu.memory_space<vmem>>, vector<16xf32>,
          tpu.vector_store %arg9[%parallel_loop3A_325], %parallel_loop3A_279 {strides = array<i32>} : memref<32768xf32, #tpu.memory_space<vmem>>, vector<16xf32>,
          %parallel_loop3A_327 = arith.constant 896 : i32
          %parallel_loop3A_328 = arith.addi %parallel_loop3A_144, %parallel_loop3A_327 : i32
          %parallel_loop3A_329 = arith.constant 16 : i32
          %parallel_loop3A_330 = arith.addi %parallel_loop3A_328, %parallel_loop3A_329 : i32
          %parallel_loop3A_331 = arith.index_cast %parallel_loop3A_330 : i32 to index
          %parallel_loop3A_332 = tpu.vector_load %arg9[%parallel_loop3A_331] {strides = array<i32>} : memref<32768xf32, #tpu.memory_space<vmem>>, vector<16xf32>,
          tpu.vector_store %arg9[%parallel_loop3A_331], %parallel_loop3A_284 {strides = array<i32>} : memref<32768xf32, #tpu.memory_space<vmem>>, vector<16xf32>,
          %parallel_loop3A_333 = arith.constant 64 : i32
          %parallel_loop3A_334 = arith.muli %parallel_loop3A_142, %parallel_loop3A_333 : i32
          %parallel_loop3A_335 = arith.constant 16 : i32
          %parallel_loop3A_336 = arith.addi %parallel_loop3A_334, %parallel_loop3A_335 : i32
          %parallel_loop3A_337 = arith.index_cast %parallel_loop3A_336 : i32 to index
          %parallel_loop3A_338 = tpu.vector_load %arg7[%parallel_loop3A_337] {strides = array<i32>} : memref<2048xi32, #tpu.memory_space<vmem>>, vector<16xi32>,
          %parallel_loop3A_339 = arith.constant 65535 : i32
          %parallel_loop3A_340 = vector.broadcast %parallel_loop3A_339 : i32 to vector<16xi32>
          %parallel_loop3A_341 = arith.andi %parallel_loop3A_338, %parallel_loop3A_340 : vector<16xi32>
          %parallel_loop3A_342 = arith.constant 16 : i32
          %parallel_loop3A_343 = vector.broadcast %parallel_loop3A_342 : i32 to vector<16xi32>
          %parallel_loop3A_344 = arith.shrui %parallel_loop3A_338, %parallel_loop3A_343 : vector<16xi32>
          %parallel_loop3A_345 = arith.constant 0 : i32
          %parallel_loop3A_346 = arith.constant 0 : i32
          %parallel_loop3A_347 = tpu.memref_slice %arg5[%parallel_loop3A_345, %parallel_loop3A_346] : memref<8x1000xf32, #tpu.memory_space<vmem>> -> memref<1x1000xf32, #tpu.memory_space<vmem>>
          %parallel_loop3A_348 = tpu.memref_squeeze %parallel_loop3A_347 : memref<1x1000xf32, #tpu.memory_space<vmem>> -> memref<1000xf32, #tpu.memory_space<vmem>>
          %parallel_loop3A_349 = tpu.vector_load_idx %parallel_loop3A_348[%parallel_loop3A_341] : memref<1000xf32, #tpu.memory_space<vmem>>[vector<16xi32>], vector<16xf32>,
          %parallel_loop3A_350 = arith.constant 1 : i32
          %parallel_loop3A_351 = arith.constant 0 : i32
          %parallel_loop3A_352 = tpu.memref_slice %arg5[%parallel_loop3A_350, %parallel_loop3A_351] : memref<8x1000xf32, #tpu.memory_space<vmem>> -> memref<1x1000xf32, #tpu.memory_space<vmem>>
          %parallel_loop3A_353 = tpu.memref_squeeze %parallel_loop3A_352 : memref<1x1000xf32, #tpu.memory_space<vmem>> -> memref<1000xf32, #tpu.memory_space<vmem>>
          %parallel_loop3A_354 = tpu.vector_load_idx %parallel_loop3A_353[%parallel_loop3A_341] : memref<1000xf32, #tpu.memory_space<vmem>>[vector<16xi32>], vector<16xf32>,
          %parallel_loop3A_355 = arith.constant 2 : i32
          %parallel_loop3A_356 = arith.constant 0 : i32
          %parallel_loop3A_357 = tpu.memref_slice %arg5[%parallel_loop3A_355, %parallel_loop3A_356] : memref<8x1000xf32, #tpu.memory_space<vmem>> -> memref<1x1000xf32, #tpu.memory_space<vmem>>
          %parallel_loop3A_358 = tpu.memref_squeeze %parallel_loop3A_357 : memref<1x1000xf32, #tpu.memory_space<vmem>> -> memref<1000xf32, #tpu.memory_space<vmem>>
          %parallel_loop3A_359 = tpu.vector_load_idx %parallel_loop3A_358[%parallel_loop3A_341] : memref<1000xf32, #tpu.memory_space<vmem>>[vector<16xi32>], vector<16xf32>,
          %parallel_loop3A_360 = arith.constant 3 : i32
          %parallel_loop3A_361 = arith.constant 0 : i32
          %parallel_loop3A_362 = tpu.memref_slice %arg5[%parallel_loop3A_360, %parallel_loop3A_361] : memref<8x1000xf32, #tpu.memory_space<vmem>> -> memref<1x1000xf32, #tpu.memory_space<vmem>>
          %parallel_loop3A_363 = tpu.memref_squeeze %parallel_loop3A_362 : memref<1x1000xf32, #tpu.memory_space<vmem>> -> memref<1000xf32, #tpu.memory_space<vmem>>
          %parallel_loop3A_364 = tpu.vector_load_idx %parallel_loop3A_363[%parallel_loop3A_341] : memref<1000xf32, #tpu.memory_space<vmem>>[vector<16xi32>], vector<16xf32>,
          %parallel_loop3A_365 = arith.constant 4 : i32
          %parallel_loop3A_366 = arith.constant 0 : i32
          %parallel_loop3A_367 = tpu.memref_slice %arg5[%parallel_loop3A_365, %parallel_loop3A_366] : memref<8x1000xf32, #tpu.memory_space<vmem>> -> memref<1x1000xf32, #tpu.memory_space<vmem>>
          %parallel_loop3A_368 = tpu.memref_squeeze %parallel_loop3A_367 : memref<1x1000xf32, #tpu.memory_space<vmem>> -> memref<1000xf32, #tpu.memory_space<vmem>>
          %parallel_loop3A_369 = tpu.vector_load_idx %parallel_loop3A_368[%parallel_loop3A_341] : memref<1000xf32, #tpu.memory_space<vmem>>[vector<16xi32>], vector<16xf32>,
          %parallel_loop3A_370 = arith.constant 5 : i32
          %parallel_loop3A_371 = arith.constant 0 : i32
          %parallel_loop3A_372 = tpu.memref_slice %arg5[%parallel_loop3A_370, %parallel_loop3A_371] : memref<8x1000xf32, #tpu.memory_space<vmem>> -> memref<1x1000xf32, #tpu.memory_space<vmem>>
          %parallel_loop3A_373 = tpu.memref_squeeze %parallel_loop3A_372 : memref<1x1000xf32, #tpu.memory_space<vmem>> -> memref<1000xf32, #tpu.memory_space<vmem>>
          %parallel_loop3A_374 = tpu.vector_load_idx %parallel_loop3A_373[%parallel_loop3A_341] : memref<1000xf32, #tpu.memory_space<vmem>>[vector<16xi32>], vector<16xf32>,
          %parallel_loop3A_375 = arith.constant 6 : i32
          %parallel_loop3A_376 = arith.constant 0 : i32
          %parallel_loop3A_377 = tpu.memref_slice %arg5[%parallel_loop3A_375, %parallel_loop3A_376] : memref<8x1000xf32, #tpu.memory_space<vmem>> -> memref<1x1000xf32, #tpu.memory_space<vmem>>
          %parallel_loop3A_378 = tpu.memref_squeeze %parallel_loop3A_377 : memref<1x1000xf32, #tpu.memory_space<vmem>> -> memref<1000xf32, #tpu.memory_space<vmem>>
          %parallel_loop3A_379 = tpu.vector_load_idx %parallel_loop3A_378[%parallel_loop3A_341] : memref<1000xf32, #tpu.memory_space<vmem>>[vector<16xi32>], vector<16xf32>,
          %parallel_loop3A_380 = arith.constant 7 : i32
          %parallel_loop3A_381 = arith.constant 0 : i32
          %parallel_loop3A_382 = tpu.memref_slice %arg5[%parallel_loop3A_380, %parallel_loop3A_381] : memref<8x1000xf32, #tpu.memory_space<vmem>> -> memref<1x1000xf32, #tpu.memory_space<vmem>>
          %parallel_loop3A_383 = tpu.memref_squeeze %parallel_loop3A_382 : memref<1x1000xf32, #tpu.memory_space<vmem>> -> memref<1000xf32, #tpu.memory_space<vmem>>
          %parallel_loop3A_384 = tpu.vector_load_idx %parallel_loop3A_383[%parallel_loop3A_341] : memref<1000xf32, #tpu.memory_space<vmem>>[vector<16xi32>], vector<16xf32>,
          %parallel_loop3A_385 = arith.constant 0 : i32
          %parallel_loop3A_386 = arith.addi %parallel_loop3A_144, %parallel_loop3A_385 : i32
          %parallel_loop3A_387 = arith.constant 32 : i32
          %parallel_loop3A_388 = arith.addi %parallel_loop3A_386, %parallel_loop3A_387 : i32
          %parallel_loop3A_389 = arith.index_cast %parallel_loop3A_388 : i32 to index
          %parallel_loop3A_390 = tpu.vector_load %arg9[%parallel_loop3A_389] {strides = array<i32>} : memref<32768xf32, #tpu.memory_space<vmem>>, vector<16xf32>,
          tpu.vector_store %arg9[%parallel_loop3A_389], %parallel_loop3A_349 {strides = array<i32>} : memref<32768xf32, #tpu.memory_space<vmem>>, vector<16xf32>,
          %parallel_loop3A_391 = arith.constant 128 : i32
          %parallel_loop3A_392 = arith.addi %parallel_loop3A_144, %parallel_loop3A_391 : i32
          %parallel_loop3A_393 = arith.constant 32 : i32
          %parallel_loop3A_394 = arith.addi %parallel_loop3A_392, %parallel_loop3A_393 : i32
          %parallel_loop3A_395 = arith.index_cast %parallel_loop3A_394 : i32 to index
          %parallel_loop3A_396 = tpu.vector_load %arg9[%parallel_loop3A_395] {strides = array<i32>} : memref<32768xf32, #tpu.memory_space<vmem>>, vector<16xf32>,
          tpu.vector_store %arg9[%parallel_loop3A_395], %parallel_loop3A_354 {strides = array<i32>} : memref<32768xf32, #tpu.memory_space<vmem>>, vector<16xf32>,
          %parallel_loop3A_397 = arith.constant 256 : i32
          %parallel_loop3A_398 = arith.addi %parallel_loop3A_144, %parallel_loop3A_397 : i32
          %parallel_loop3A_399 = arith.constant 32 : i32
          %parallel_loop3A_400 = arith.addi %parallel_loop3A_398, %parallel_loop3A_399 : i32
          %parallel_loop3A_401 = arith.index_cast %parallel_loop3A_400 : i32 to index
          %parallel_loop3A_402 = tpu.vector_load %arg9[%parallel_loop3A_401] {strides = array<i32>} : memref<32768xf32, #tpu.memory_space<vmem>>, vector<16xf32>,
          tpu.vector_store %arg9[%parallel_loop3A_401], %parallel_loop3A_359 {strides = array<i32>} : memref<32768xf32, #tpu.memory_space<vmem>>, vector<16xf32>,
          %parallel_loop3A_403 = arith.constant 384 : i32
          %parallel_loop3A_404 = arith.addi %parallel_loop3A_144, %parallel_loop3A_403 : i32
          %parallel_loop3A_405 = arith.constant 32 : i32
          %parallel_loop3A_406 = arith.addi %parallel_loop3A_404, %parallel_loop3A_405 : i32
          %parallel_loop3A_407 = arith.index_cast %parallel_loop3A_406 : i32 to index
          %parallel_loop3A_408 = tpu.vector_load %arg9[%parallel_loop3A_407] {strides = array<i32>} : memref<32768xf32, #tpu.memory_space<vmem>>, vector<16xf32>,
          tpu.vector_store %arg9[%parallel_loop3A_407], %parallel_loop3A_364 {strides = array<i32>} : memref<32768xf32, #tpu.memory_space<vmem>>, vector<16xf32>,
          %parallel_loop3A_409 = arith.constant 512 : i32
          %parallel_loop3A_410 = arith.addi %parallel_loop3A_144, %parallel_loop3A_409 : i32
          %parallel_loop3A_411 = arith.constant 32 : i32
          %parallel_loop3A_412 = arith.addi %parallel_loop3A_410, %parallel_loop3A_411 : i32
          %parallel_loop3A_413 = arith.index_cast %parallel_loop3A_412 : i32 to index
          %parallel_loop3A_414 = tpu.vector_load %arg9[%parallel_loop3A_413] {strides = array<i32>} : memref<32768xf32, #tpu.memory_space<vmem>>, vector<16xf32>,
          tpu.vector_store %arg9[%parallel_loop3A_413], %parallel_loop3A_369 {strides = array<i32>} : memref<32768xf32, #tpu.memory_space<vmem>>, vector<16xf32>,
          %parallel_loop3A_415 = arith.constant 640 : i32
          %parallel_loop3A_416 = arith.addi %parallel_loop3A_144, %parallel_loop3A_415 : i32
          %parallel_loop3A_417 = arith.constant 32 : i32
          %parallel_loop3A_418 = arith.addi %parallel_loop3A_416, %parallel_loop3A_417 : i32
          %parallel_loop3A_419 = arith.index_cast %parallel_loop3A_418 : i32 to index
          %parallel_loop3A_420 = tpu.vector_load %arg9[%parallel_loop3A_419] {strides = array<i32>} : memref<32768xf32, #tpu.memory_space<vmem>>, vector<16xf32>,
          tpu.vector_store %arg9[%parallel_loop3A_419], %parallel_loop3A_374 {strides = array<i32>} : memref<32768xf32, #tpu.memory_space<vmem>>, vector<16xf32>,
          %parallel_loop3A_421 = arith.constant 768 : i32
          %parallel_loop3A_422 = arith.addi %parallel_loop3A_144, %parallel_loop3A_421 : i32
          %parallel_loop3A_423 = arith.constant 32 : i32
          %parallel_loop3A_424 = arith.addi %parallel_loop3A_422, %parallel_loop3A_423 : i32
          %parallel_loop3A_425 = arith.index_cast %parallel_loop3A_424 : i32 to index
          %parallel_loop3A_426 = tpu.vector_load %arg9[%parallel_loop3A_425] {strides = array<i32>} : memref<32768xf32, #tpu.memory_space<vmem>>, vector<16xf32>,
          tpu.vector_store %arg9[%parallel_loop3A_425], %parallel_loop3A_379 {strides = array<i32>} : memref<32768xf32, #tpu.memory_space<vmem>>, vector<16xf32>,
          %parallel_loop3A_427 = arith.constant 896 : i32
          %parallel_loop3A_428 = arith.addi %parallel_loop3A_144, %parallel_loop3A_427 : i32
          %parallel_loop3A_429 = arith.constant 32 : i32
          %parallel_loop3A_430 = arith.addi %parallel_loop3A_428, %parallel_loop3A_429 : i32
          %parallel_loop3A_431 = arith.index_cast %parallel_loop3A_430 : i32 to index
          %parallel_loop3A_432 = tpu.vector_load %arg9[%parallel_loop3A_431] {strides = array<i32>} : memref<32768xf32, #tpu.memory_space<vmem>>, vector<16xf32>,
          tpu.vector_store %arg9[%parallel_loop3A_431], %parallel_loop3A_384 {strides = array<i32>} : memref<32768xf32, #tpu.memory_space<vmem>>, vector<16xf32>,
          %parallel_loop3A_433 = arith.constant 0 : i32
          %parallel_loop3A_434 = arith.constant 0 : i32
          %parallel_loop3A_435 = tpu.memref_slice %arg5[%parallel_loop3A_433, %parallel_loop3A_434] : memref<8x1000xf32, #tpu.memory_space<vmem>> -> memref<1x1000xf32, #tpu.memory_space<vmem>>
          %parallel_loop3A_436 = tpu.memref_squeeze %parallel_loop3A_435 : memref<1x1000xf32, #tpu.memory_space<vmem>> -> memref<1000xf32, #tpu.memory_space<vmem>>
          %parallel_loop3A_437 = tpu.vector_load_idx %parallel_loop3A_436[%parallel_loop3A_344] : memref<1000xf32, #tpu.memory_space<vmem>>[vector<16xi32>], vector<16xf32>,
          %parallel_loop3A_438 = arith.constant 1 : i32
          %parallel_loop3A_439 = arith.constant 0 : i32
          %parallel_loop3A_440 = tpu.memref_slice %arg5[%parallel_loop3A_438, %parallel_loop3A_439] : memref<8x1000xf32, #tpu.memory_space<vmem>> -> memref<1x1000xf32, #tpu.memory_space<vmem>>
          %parallel_loop3A_441 = tpu.memref_squeeze %parallel_loop3A_440 : memref<1x1000xf32, #tpu.memory_space<vmem>> -> memref<1000xf32, #tpu.memory_space<vmem>>
          %parallel_loop3A_442 = tpu.vector_load_idx %parallel_loop3A_441[%parallel_loop3A_344] : memref<1000xf32, #tpu.memory_space<vmem>>[vector<16xi32>], vector<16xf32>,
          %parallel_loop3A_443 = arith.constant 2 : i32
          %parallel_loop3A_444 = arith.constant 0 : i32
          %parallel_loop3A_445 = tpu.memref_slice %arg5[%parallel_loop3A_443, %parallel_loop3A_444] : memref<8x1000xf32, #tpu.memory_space<vmem>> -> memref<1x1000xf32, #tpu.memory_space<vmem>>
          %parallel_loop3A_446 = tpu.memref_squeeze %parallel_loop3A_445 : memref<1x1000xf32, #tpu.memory_space<vmem>> -> memref<1000xf32, #tpu.memory_space<vmem>>
          %parallel_loop3A_447 = tpu.vector_load_idx %parallel_loop3A_446[%parallel_loop3A_344] : memref<1000xf32, #tpu.memory_space<vmem>>[vector<16xi32>], vector<16xf32>,
          %parallel_loop3A_448 = arith.constant 3 : i32
          %parallel_loop3A_449 = arith.constant 0 : i32
          %parallel_loop3A_450 = tpu.memref_slice %arg5[%parallel_loop3A_448, %parallel_loop3A_449] : memref<8x1000xf32, #tpu.memory_space<vmem>> -> memref<1x1000xf32, #tpu.memory_space<vmem>>
          %parallel_loop3A_451 = tpu.memref_squeeze %parallel_loop3A_450 : memref<1x1000xf32, #tpu.memory_space<vmem>> -> memref<1000xf32, #tpu.memory_space<vmem>>
          %parallel_loop3A_452 = tpu.vector_load_idx %parallel_loop3A_451[%parallel_loop3A_344] : memref<1000xf32, #tpu.memory_space<vmem>>[vector<16xi32>], vector<16xf32>,
          %parallel_loop3A_453 = arith.constant 4 : i32
          %parallel_loop3A_454 = arith.constant 0 : i32
          %parallel_loop3A_455 = tpu.memref_slice %arg5[%parallel_loop3A_453, %parallel_loop3A_454] : memref<8x1000xf32, #tpu.memory_space<vmem>> -> memref<1x1000xf32, #tpu.memory_space<vmem>>
          %parallel_loop3A_456 = tpu.memref_squeeze %parallel_loop3A_455 : memref<1x1000xf32, #tpu.memory_space<vmem>> -> memref<1000xf32, #tpu.memory_space<vmem>>
          %parallel_loop3A_457 = tpu.vector_load_idx %parallel_loop3A_456[%parallel_loop3A_344] : memref<1000xf32, #tpu.memory_space<vmem>>[vector<16xi32>], vector<16xf32>,
          %parallel_loop3A_458 = arith.constant 5 : i32
          %parallel_loop3A_459 = arith.constant 0 : i32
          %parallel_loop3A_460 = tpu.memref_slice %arg5[%parallel_loop3A_458, %parallel_loop3A_459] : memref<8x1000xf32, #tpu.memory_space<vmem>> -> memref<1x1000xf32, #tpu.memory_space<vmem>>
          %parallel_loop3A_461 = tpu.memref_squeeze %parallel_loop3A_460 : memref<1x1000xf32, #tpu.memory_space<vmem>> -> memref<1000xf32, #tpu.memory_space<vmem>>
          %parallel_loop3A_462 = tpu.vector_load_idx %parallel_loop3A_461[%parallel_loop3A_344] : memref<1000xf32, #tpu.memory_space<vmem>>[vector<16xi32>], vector<16xf32>,
          %parallel_loop3A_463 = arith.constant 6 : i32
          %parallel_loop3A_464 = arith.constant 0 : i32
          %parallel_loop3A_465 = tpu.memref_slice %arg5[%parallel_loop3A_463, %parallel_loop3A_464] : memref<8x1000xf32, #tpu.memory_space<vmem>> -> memref<1x1000xf32, #tpu.memory_space<vmem>>
          %parallel_loop3A_466 = tpu.memref_squeeze %parallel_loop3A_465 : memref<1x1000xf32, #tpu.memory_space<vmem>> -> memref<1000xf32, #tpu.memory_space<vmem>>
          %parallel_loop3A_467 = tpu.vector_load_idx %parallel_loop3A_466[%parallel_loop3A_344] : memref<1000xf32, #tpu.memory_space<vmem>>[vector<16xi32>], vector<16xf32>,
          %parallel_loop3A_468 = arith.constant 7 : i32
          %parallel_loop3A_469 = arith.constant 0 : i32
          %parallel_loop3A_470 = tpu.memref_slice %arg5[%parallel_loop3A_468, %parallel_loop3A_469] : memref<8x1000xf32, #tpu.memory_space<vmem>> -> memref<1x1000xf32, #tpu.memory_space<vmem>>
          %parallel_loop3A_471 = tpu.memref_squeeze %parallel_loop3A_470 : memref<1x1000xf32, #tpu.memory_space<vmem>> -> memref<1000xf32, #tpu.memory_space<vmem>>
          %parallel_loop3A_472 = tpu.vector_load_idx %parallel_loop3A_471[%parallel_loop3A_344] : memref<1000xf32, #tpu.memory_space<vmem>>[vector<16xi32>], vector<16xf32>,
          %parallel_loop3A_473 = arith.constant 0 : i32
          %parallel_loop3A_474 = arith.addi %parallel_loop3A_144, %parallel_loop3A_473 : i32
          %parallel_loop3A_475 = arith.constant 48 : i32
          %parallel_loop3A_476 = arith.addi %parallel_loop3A_474, %parallel_loop3A_475 : i32
          %parallel_loop3A_477 = arith.index_cast %parallel_loop3A_476 : i32 to index
          %parallel_loop3A_478 = tpu.vector_load %arg9[%parallel_loop3A_477] {strides = array<i32>} : memref<32768xf32, #tpu.memory_space<vmem>>, vector<16xf32>,
          tpu.vector_store %arg9[%parallel_loop3A_477], %parallel_loop3A_437 {strides = array<i32>} : memref<32768xf32, #tpu.memory_space<vmem>>, vector<16xf32>,
          %parallel_loop3A_479 = arith.constant 128 : i32
          %parallel_loop3A_480 = arith.addi %parallel_loop3A_144, %parallel_loop3A_479 : i32
          %parallel_loop3A_481 = arith.constant 48 : i32
          %parallel_loop3A_482 = arith.addi %parallel_loop3A_480, %parallel_loop3A_481 : i32
          %parallel_loop3A_483 = arith.index_cast %parallel_loop3A_482 : i32 to index
          %parallel_loop3A_484 = tpu.vector_load %arg9[%parallel_loop3A_483] {strides = array<i32>} : memref<32768xf32, #tpu.memory_space<vmem>>, vector<16xf32>,
          tpu.vector_store %arg9[%parallel_loop3A_483], %parallel_loop3A_442 {strides = array<i32>} : memref<32768xf32, #tpu.memory_space<vmem>>, vector<16xf32>,
          %parallel_loop3A_485 = arith.constant 256 : i32
          %parallel_loop3A_486 = arith.addi %parallel_loop3A_144, %parallel_loop3A_485 : i32
          %parallel_loop3A_487 = arith.constant 48 : i32
          %parallel_loop3A_488 = arith.addi %parallel_loop3A_486, %parallel_loop3A_487 : i32
          %parallel_loop3A_489 = arith.index_cast %parallel_loop3A_488 : i32 to index
          %parallel_loop3A_490 = tpu.vector_load %arg9[%parallel_loop3A_489] {strides = array<i32>} : memref<32768xf32, #tpu.memory_space<vmem>>, vector<16xf32>,
          tpu.vector_store %arg9[%parallel_loop3A_489], %parallel_loop3A_447 {strides = array<i32>} : memref<32768xf32, #tpu.memory_space<vmem>>, vector<16xf32>,
          %parallel_loop3A_491 = arith.constant 384 : i32
          %parallel_loop3A_492 = arith.addi %parallel_loop3A_144, %parallel_loop3A_491 : i32
          %parallel_loop3A_493 = arith.constant 48 : i32
          %parallel_loop3A_494 = arith.addi %parallel_loop3A_492, %parallel_loop3A_493 : i32
          %parallel_loop3A_495 = arith.index_cast %parallel_loop3A_494 : i32 to index
          %parallel_loop3A_496 = tpu.vector_load %arg9[%parallel_loop3A_495] {strides = array<i32>} : memref<32768xf32, #tpu.memory_space<vmem>>, vector<16xf32>,
          tpu.vector_store %arg9[%parallel_loop3A_495], %parallel_loop3A_452 {strides = array<i32>} : memref<32768xf32, #tpu.memory_space<vmem>>, vector<16xf32>,
          %parallel_loop3A_497 = arith.constant 512 : i32
          %parallel_loop3A_498 = arith.addi %parallel_loop3A_144, %parallel_loop3A_497 : i32
          %parallel_loop3A_499 = arith.constant 48 : i32
          %parallel_loop3A_500 = arith.addi %parallel_loop3A_498, %parallel_loop3A_499 : i32
          %parallel_loop3A_501 = arith.index_cast %parallel_loop3A_500 : i32 to index
          %parallel_loop3A_502 = tpu.vector_load %arg9[%parallel_loop3A_501] {strides = array<i32>} : memref<32768xf32, #tpu.memory_space<vmem>>, vector<16xf32>,
          tpu.vector_store %arg9[%parallel_loop3A_501], %parallel_loop3A_457 {strides = array<i32>} : memref<32768xf32, #tpu.memory_space<vmem>>, vector<16xf32>,
          %parallel_loop3A_503 = arith.constant 640 : i32
          %parallel_loop3A_504 = arith.addi %parallel_loop3A_144, %parallel_loop3A_503 : i32
          %parallel_loop3A_505 = arith.constant 48 : i32
          %parallel_loop3A_506 = arith.addi %parallel_loop3A_504, %parallel_loop3A_505 : i32
          %parallel_loop3A_507 = arith.index_cast %parallel_loop3A_506 : i32 to index
          %parallel_loop3A_508 = tpu.vector_load %arg9[%parallel_loop3A_507] {strides = array<i32>} : memref<32768xf32, #tpu.memory_space<vmem>>, vector<16xf32>,
          tpu.vector_store %arg9[%parallel_loop3A_507], %parallel_loop3A_462 {strides = array<i32>} : memref<32768xf32, #tpu.memory_space<vmem>>, vector<16xf32>,
          %parallel_loop3A_509 = arith.constant 768 : i32
          %parallel_loop3A_510 = arith.addi %parallel_loop3A_144, %parallel_loop3A_509 : i32
          %parallel_loop3A_511 = arith.constant 48 : i32
          %parallel_loop3A_512 = arith.addi %parallel_loop3A_510, %parallel_loop3A_511 : i32
          %parallel_loop3A_513 = arith.index_cast %parallel_loop3A_512 : i32 to index
          %parallel_loop3A_514 = tpu.vector_load %arg9[%parallel_loop3A_513] {strides = array<i32>} : memref<32768xf32, #tpu.memory_space<vmem>>, vector<16xf32>,
          tpu.vector_store %arg9[%parallel_loop3A_513], %parallel_loop3A_467 {strides = array<i32>} : memref<32768xf32, #tpu.memory_space<vmem>>, vector<16xf32>,
          %parallel_loop3A_515 = arith.constant 896 : i32
          %parallel_loop3A_516 = arith.addi %parallel_loop3A_144, %parallel_loop3A_515 : i32
          %parallel_loop3A_517 = arith.constant 48 : i32
          %parallel_loop3A_518 = arith.addi %parallel_loop3A_516, %parallel_loop3A_517 : i32
          %parallel_loop3A_519 = arith.index_cast %parallel_loop3A_518 : i32 to index
          %parallel_loop3A_520 = tpu.vector_load %arg9[%parallel_loop3A_519] {strides = array<i32>} : memref<32768xf32, #tpu.memory_space<vmem>>, vector<16xf32>,
          tpu.vector_store %arg9[%parallel_loop3A_519], %parallel_loop3A_472 {strides = array<i32>} : memref<32768xf32, #tpu.memory_space<vmem>>, vector<16xf32>,
          %parallel_loop3A_521 = arith.constant 64 : i32
          %parallel_loop3A_522 = arith.muli %parallel_loop3A_142, %parallel_loop3A_521 : i32
          %parallel_loop3A_523 = arith.constant 32 : i32
          %parallel_loop3A_524 = arith.addi %parallel_loop3A_522, %parallel_loop3A_523 : i32
          %parallel_loop3A_525 = arith.index_cast %parallel_loop3A_524 : i32 to index
          %parallel_loop3A_526 = tpu.vector_load %arg7[%parallel_loop3A_525] {strides = array<i32>} : memref<2048xi32, #tpu.memory_space<vmem>>, vector<16xi32>,
          %parallel_loop3A_527 = arith.constant 65535 : i32
          %parallel_loop3A_528 = vector.broadcast %parallel_loop3A_527 : i32 to vector<16xi32>
          %parallel_loop3A_529 = arith.andi %parallel_loop3A_526, %parallel_loop3A_528 : vector<16xi32>
          %parallel_loop3A_530 = arith.constant 16 : i32
          %parallel_loop3A_531 = vector.broadcast %parallel_loop3A_530 : i32 to vector<16xi32>
          %parallel_loop3A_532 = arith.shrui %parallel_loop3A_526, %parallel_loop3A_531 : vector<16xi32>
          %parallel_loop3A_533 = arith.constant 0 : i32
          %parallel_loop3A_534 = arith.constant 0 : i32
          %parallel_loop3A_535 = tpu.memref_slice %arg5[%parallel_loop3A_533, %parallel_loop3A_534] : memref<8x1000xf32, #tpu.memory_space<vmem>> -> memref<1x1000xf32, #tpu.memory_space<vmem>>
          %parallel_loop3A_536 = tpu.memref_squeeze %parallel_loop3A_535 : memref<1x1000xf32, #tpu.memory_space<vmem>> -> memref<1000xf32, #tpu.memory_space<vmem>>
          %parallel_loop3A_537 = tpu.vector_load_idx %parallel_loop3A_536[%parallel_loop3A_529] : memref<1000xf32, #tpu.memory_space<vmem>>[vector<16xi32>], vector<16xf32>,
          %parallel_loop3A_538 = arith.constant 1 : i32
          %parallel_loop3A_539 = arith.constant 0 : i32
          %parallel_loop3A_540 = tpu.memref_slice %arg5[%parallel_loop3A_538, %parallel_loop3A_539] : memref<8x1000xf32, #tpu.memory_space<vmem>> -> memref<1x1000xf32, #tpu.memory_space<vmem>>
          %parallel_loop3A_541 = tpu.memref_squeeze %parallel_loop3A_540 : memref<1x1000xf32, #tpu.memory_space<vmem>> -> memref<1000xf32, #tpu.memory_space<vmem>>
          %parallel_loop3A_542 = tpu.vector_load_idx %parallel_loop3A_541[%parallel_loop3A_529] : memref<1000xf32, #tpu.memory_space<vmem>>[vector<16xi32>], vector<16xf32>,
          %parallel_loop3A_543 = arith.constant 2 : i32
          %parallel_loop3A_544 = arith.constant 0 : i32
          %parallel_loop3A_545 = tpu.memref_slice %arg5[%parallel_loop3A_543, %parallel_loop3A_544] : memref<8x1000xf32, #tpu.memory_space<vmem>> -> memref<1x1000xf32, #tpu.memory_space<vmem>>
          %parallel_loop3A_546 = tpu.memref_squeeze %parallel_loop3A_545 : memref<1x1000xf32, #tpu.memory_space<vmem>> -> memref<1000xf32, #tpu.memory_space<vmem>>
          %parallel_loop3A_547 = tpu.vector_load_idx %parallel_loop3A_546[%parallel_loop3A_529] : memref<1000xf32, #tpu.memory_space<vmem>>[vector<16xi32>], vector<16xf32>,
          %parallel_loop3A_548 = arith.constant 3 : i32
          %parallel_loop3A_549 = arith.constant 0 : i32
          %parallel_loop3A_550 = tpu.memref_slice %arg5[%parallel_loop3A_548, %parallel_loop3A_549] : memref<8x1000xf32, #tpu.memory_space<vmem>> -> memref<1x1000xf32, #tpu.memory_space<vmem>>
          %parallel_loop3A_551 = tpu.memref_squeeze %parallel_loop3A_550 : memref<1x1000xf32, #tpu.memory_space<vmem>> -> memref<1000xf32, #tpu.memory_space<vmem>>
          %parallel_loop3A_552 = tpu.vector_load_idx %parallel_loop3A_551[%parallel_loop3A_529] : memref<1000xf32, #tpu.memory_space<vmem>>[vector<16xi32>], vector<16xf32>,
          %parallel_loop3A_553 = arith.constant 4 : i32
          %parallel_loop3A_554 = arith.constant 0 : i32
          %parallel_loop3A_555 = tpu.memref_slice %arg5[%parallel_loop3A_553, %parallel_loop3A_554] : memref<8x1000xf32, #tpu.memory_space<vmem>> -> memref<1x1000xf32, #tpu.memory_space<vmem>>
          %parallel_loop3A_556 = tpu.memref_squeeze %parallel_loop3A_555 : memref<1x1000xf32, #tpu.memory_space<vmem>> -> memref<1000xf32, #tpu.memory_space<vmem>>
          %parallel_loop3A_557 = tpu.vector_load_idx %parallel_loop3A_556[%parallel_loop3A_529] : memref<1000xf32, #tpu.memory_space<vmem>>[vector<16xi32>], vector<16xf32>,
          %parallel_loop3A_558 = arith.constant 5 : i32
          %parallel_loop3A_559 = arith.constant 0 : i32
          %parallel_loop3A_560 = tpu.memref_slice %arg5[%parallel_loop3A_558, %parallel_loop3A_559] : memref<8x1000xf32, #tpu.memory_space<vmem>> -> memref<1x1000xf32, #tpu.memory_space<vmem>>
          %parallel_loop3A_561 = tpu.memref_squeeze %parallel_loop3A_560 : memref<1x1000xf32, #tpu.memory_space<vmem>> -> memref<1000xf32, #tpu.memory_space<vmem>>
          %parallel_loop3A_562 = tpu.vector_load_idx %parallel_loop3A_561[%parallel_loop3A_529] : memref<1000xf32, #tpu.memory_space<vmem>>[vector<16xi32>], vector<16xf32>,
          %parallel_loop3A_563 = arith.constant 6 : i32
          %parallel_loop3A_564 = arith.constant 0 : i32
          %parallel_loop3A_565 = tpu.memref_slice %arg5[%parallel_loop3A_563, %parallel_loop3A_564] : memref<8x1000xf32, #tpu.memory_space<vmem>> -> memref<1x1000xf32, #tpu.memory_space<vmem>>
          %parallel_loop3A_566 = tpu.memref_squeeze %parallel_loop3A_565 : memref<1x1000xf32, #tpu.memory_space<vmem>> -> memref<1000xf32, #tpu.memory_space<vmem>>
          %parallel_loop3A_567 = tpu.vector_load_idx %parallel_loop3A_566[%parallel_loop3A_529] : memref<1000xf32, #tpu.memory_space<vmem>>[vector<16xi32>], vector<16xf32>,
          %parallel_loop3A_568 = arith.constant 7 : i32
          %parallel_loop3A_569 = arith.constant 0 : i32
          %parallel_loop3A_570 = tpu.memref_slice %arg5[%parallel_loop3A_568, %parallel_loop3A_569] : memref<8x1000xf32, #tpu.memory_space<vmem>> -> memref<1x1000xf32, #tpu.memory_space<vmem>>
          %parallel_loop3A_571 = tpu.memref_squeeze %parallel_loop3A_570 : memref<1x1000xf32, #tpu.memory_space<vmem>> -> memref<1000xf32, #tpu.memory_space<vmem>>
          %parallel_loop3A_572 = tpu.vector_load_idx %parallel_loop3A_571[%parallel_loop3A_529] : memref<1000xf32, #tpu.memory_space<vmem>>[vector<16xi32>], vector<16xf32>,
          %parallel_loop3A_573 = arith.constant 0 : i32
          %parallel_loop3A_574 = arith.addi %parallel_loop3A_144, %parallel_loop3A_573 : i32
          %parallel_loop3A_575 = arith.constant 64 : i32
          %parallel_loop3A_576 = arith.addi %parallel_loop3A_574, %parallel_loop3A_575 : i32
          %parallel_loop3A_577 = arith.index_cast %parallel_loop3A_576 : i32 to index
          %parallel_loop3A_578 = tpu.vector_load %arg9[%parallel_loop3A_577] {strides = array<i32>} : memref<32768xf32, #tpu.memory_space<vmem>>, vector<16xf32>,
          tpu.vector_store %arg9[%parallel_loop3A_577], %parallel_loop3A_537 {strides = array<i32>} : memref<32768xf32, #tpu.memory_space<vmem>>, vector<16xf32>,
          %parallel_loop3A_579 = arith.constant 128 : i32
          %parallel_loop3A_580 = arith.addi %parallel_loop3A_144, %parallel_loop3A_579 : i32
          %parallel_loop3A_581 = arith.constant 64 : i32
          %parallel_loop3A_582 = arith.addi %parallel_loop3A_580, %parallel_loop3A_581 : i32
          %parallel_loop3A_583 = arith.index_cast %parallel_loop3A_582 : i32 to index
          %parallel_loop3A_584 = tpu.vector_load %arg9[%parallel_loop3A_583] {strides = array<i32>} : memref<32768xf32, #tpu.memory_space<vmem>>, vector<16xf32>,
          tpu.vector_store %arg9[%parallel_loop3A_583], %parallel_loop3A_542 {strides = array<i32>} : memref<32768xf32, #tpu.memory_space<vmem>>, vector<16xf32>,
          %parallel_loop3A_585 = arith.constant 256 : i32
          %parallel_loop3A_586 = arith.addi %parallel_loop3A_144, %parallel_loop3A_585 : i32
          %parallel_loop3A_587 = arith.constant 64 : i32
          %parallel_loop3A_588 = arith.addi %parallel_loop3A_586, %parallel_loop3A_587 : i32
          %parallel_loop3A_589 = arith.index_cast %parallel_loop3A_588 : i32 to index
          %parallel_loop3A_590 = tpu.vector_load %arg9[%parallel_loop3A_589] {strides = array<i32>} : memref<32768xf32, #tpu.memory_space<vmem>>, vector<16xf32>,
          tpu.vector_store %arg9[%parallel_loop3A_589], %parallel_loop3A_547 {strides = array<i32>} : memref<32768xf32, #tpu.memory_space<vmem>>, vector<16xf32>,
          %parallel_loop3A_591 = arith.constant 384 : i32
          %parallel_loop3A_592 = arith.addi %parallel_loop3A_144, %parallel_loop3A_591 : i32
          %parallel_loop3A_593 = arith.constant 64 : i32
          %parallel_loop3A_594 = arith.addi %parallel_loop3A_592, %parallel_loop3A_593 : i32
          %parallel_loop3A_595 = arith.index_cast %parallel_loop3A_594 : i32 to index
          %parallel_loop3A_596 = tpu.vector_load %arg9[%parallel_loop3A_595] {strides = array<i32>} : memref<32768xf32, #tpu.memory_space<vmem>>, vector<16xf32>,
          tpu.vector_store %arg9[%parallel_loop3A_595], %parallel_loop3A_552 {strides = array<i32>} : memref<32768xf32, #tpu.memory_space<vmem>>, vector<16xf32>,
          %parallel_loop3A_597 = arith.constant 512 : i32
          %parallel_loop3A_598 = arith.addi %parallel_loop3A_144, %parallel_loop3A_597 : i32
          %parallel_loop3A_599 = arith.constant 64 : i32
          %parallel_loop3A_600 = arith.addi %parallel_loop3A_598, %parallel_loop3A_599 : i32
          %parallel_loop3A_601 = arith.index_cast %parallel_loop3A_600 : i32 to index
          %parallel_loop3A_602 = tpu.vector_load %arg9[%parallel_loop3A_601] {strides = array<i32>} : memref<32768xf32, #tpu.memory_space<vmem>>, vector<16xf32>,
          tpu.vector_store %arg9[%parallel_loop3A_601], %parallel_loop3A_557 {strides = array<i32>} : memref<32768xf32, #tpu.memory_space<vmem>>, vector<16xf32>,
          %parallel_loop3A_603 = arith.constant 640 : i32
          %parallel_loop3A_604 = arith.addi %parallel_loop3A_144, %parallel_loop3A_603 : i32
          %parallel_loop3A_605 = arith.constant 64 : i32
          %parallel_loop3A_606 = arith.addi %parallel_loop3A_604, %parallel_loop3A_605 : i32
          %parallel_loop3A_607 = arith.index_cast %parallel_loop3A_606 : i32 to index
          %parallel_loop3A_608 = tpu.vector_load %arg9[%parallel_loop3A_607] {strides = array<i32>} : memref<32768xf32, #tpu.memory_space<vmem>>, vector<16xf32>,
          tpu.vector_store %arg9[%parallel_loop3A_607], %parallel_loop3A_562 {strides = array<i32>} : memref<32768xf32, #tpu.memory_space<vmem>>, vector<16xf32>,
          %parallel_loop3A_609 = arith.constant 768 : i32
          %parallel_loop3A_610 = arith.addi %parallel_loop3A_144, %parallel_loop3A_609 : i32
          %parallel_loop3A_611 = arith.constant 64 : i32
          %parallel_loop3A_612 = arith.addi %parallel_loop3A_610, %parallel_loop3A_611 : i32
          %parallel_loop3A_613 = arith.index_cast %parallel_loop3A_612 : i32 to index
          %parallel_loop3A_614 = tpu.vector_load %arg9[%parallel_loop3A_613] {strides = array<i32>} : memref<32768xf32, #tpu.memory_space<vmem>>, vector<16xf32>,
          tpu.vector_store %arg9[%parallel_loop3A_613], %parallel_loop3A_567 {strides = array<i32>} : memref<32768xf32, #tpu.memory_space<vmem>>, vector<16xf32>,
          %parallel_loop3A_615 = arith.constant 896 : i32
          %parallel_loop3A_616 = arith.addi %parallel_loop3A_144, %parallel_loop3A_615 : i32
          %parallel_loop3A_617 = arith.constant 64 : i32
          %parallel_loop3A_618 = arith.addi %parallel_loop3A_616, %parallel_loop3A_617 : i32
          %parallel_loop3A_619 = arith.index_cast %parallel_loop3A_618 : i32 to index
          %parallel_loop3A_620 = tpu.vector_load %arg9[%parallel_loop3A_619] {strides = array<i32>} : memref<32768xf32, #tpu.memory_space<vmem>>, vector<16xf32>,
          tpu.vector_store %arg9[%parallel_loop3A_619], %parallel_loop3A_572 {strides = array<i32>} : memref<32768xf32, #tpu.memory_space<vmem>>, vector<16xf32>,
          %parallel_loop3A_621 = arith.constant 0 : i32
          %parallel_loop3A_622 = arith.constant 0 : i32
          %parallel_loop3A_623 = tpu.memref_slice %arg5[%parallel_loop3A_621, %parallel_loop3A_622] : memref<8x1000xf32, #tpu.memory_space<vmem>> -> memref<1x1000xf32, #tpu.memory_space<vmem>>
          %parallel_loop3A_624 = tpu.memref_squeeze %parallel_loop3A_623 : memref<1x1000xf32, #tpu.memory_space<vmem>> -> memref<1000xf32, #tpu.memory_space<vmem>>
          %parallel_loop3A_625 = tpu.vector_load_idx %parallel_loop3A_624[%parallel_loop3A_532] : memref<1000xf32, #tpu.memory_space<vmem>>[vector<16xi32>], vector<16xf32>,
          %parallel_loop3A_626 = arith.constant 1 : i32
          %parallel_loop3A_627 = arith.constant 0 : i32
          %parallel_loop3A_628 = tpu.memref_slice %arg5[%parallel_loop3A_626, %parallel_loop3A_627] : memref<8x1000xf32, #tpu.memory_space<vmem>> -> memref<1x1000xf32, #tpu.memory_space<vmem>>
          %parallel_loop3A_629 = tpu.memref_squeeze %parallel_loop3A_628 : memref<1x1000xf32, #tpu.memory_space<vmem>> -> memref<1000xf32, #tpu.memory_space<vmem>>
          %parallel_loop3A_630 = tpu.vector_load_idx %parallel_loop3A_629[%parallel_loop3A_532] : memref<1000xf32, #tpu.memory_space<vmem>>[vector<16xi32>], vector<16xf32>,
          %parallel_loop3A_631 = arith.constant 2 : i32
          %parallel_loop3A_632 = arith.constant 0 : i32
          %parallel_loop3A_633 = tpu.memref_slice %arg5[%parallel_loop3A_631, %parallel_loop3A_632] : memref<8x1000xf32, #tpu.memory_space<vmem>> -> memref<1x1000xf32, #tpu.memory_space<vmem>>
          %parallel_loop3A_634 = tpu.memref_squeeze %parallel_loop3A_633 : memref<1x1000xf32, #tpu.memory_space<vmem>> -> memref<1000xf32, #tpu.memory_space<vmem>>
          %parallel_loop3A_635 = tpu.vector_load_idx %parallel_loop3A_634[%parallel_loop3A_532] : memref<1000xf32, #tpu.memory_space<vmem>>[vector<16xi32>], vector<16xf32>,
          %parallel_loop3A_636 = arith.constant 3 : i32
          %parallel_loop3A_637 = arith.constant 0 : i32
          %parallel_loop3A_638 = tpu.memref_slice %arg5[%parallel_loop3A_636, %parallel_loop3A_637] : memref<8x1000xf32, #tpu.memory_space<vmem>> -> memref<1x1000xf32, #tpu.memory_space<vmem>>
          %parallel_loop3A_639 = tpu.memref_squeeze %parallel_loop3A_638 : memref<1x1000xf32, #tpu.memory_space<vmem>> -> memref<1000xf32, #tpu.memory_space<vmem>>
          %parallel_loop3A_640 = tpu.vector_load_idx %parallel_loop3A_639[%parallel_loop3A_532] : memref<1000xf32, #tpu.memory_space<vmem>>[vector<16xi32>], vector<16xf32>,
          %parallel_loop3A_641 = arith.constant 4 : i32
          %parallel_loop3A_642 = arith.constant 0 : i32
          %parallel_loop3A_643 = tpu.memref_slice %arg5[%parallel_loop3A_641, %parallel_loop3A_642] : memref<8x1000xf32, #tpu.memory_space<vmem>> -> memref<1x1000xf32, #tpu.memory_space<vmem>>
          %parallel_loop3A_644 = tpu.memref_squeeze %parallel_loop3A_643 : memref<1x1000xf32, #tpu.memory_space<vmem>> -> memref<1000xf32, #tpu.memory_space<vmem>>
          %parallel_loop3A_645 = tpu.vector_load_idx %parallel_loop3A_644[%parallel_loop3A_532] : memref<1000xf32, #tpu.memory_space<vmem>>[vector<16xi32>], vector<16xf32>,
          %parallel_loop3A_646 = arith.constant 5 : i32
          %parallel_loop3A_647 = arith.constant 0 : i32
          %parallel_loop3A_648 = tpu.memref_slice %arg5[%parallel_loop3A_646, %parallel_loop3A_647] : memref<8x1000xf32, #tpu.memory_space<vmem>> -> memref<1x1000xf32, #tpu.memory_space<vmem>>
          %parallel_loop3A_649 = tpu.memref_squeeze %parallel_loop3A_648 : memref<1x1000xf32, #tpu.memory_space<vmem>> -> memref<1000xf32, #tpu.memory_space<vmem>>
          %parallel_loop3A_650 = tpu.vector_load_idx %parallel_loop3A_649[%parallel_loop3A_532] : memref<1000xf32, #tpu.memory_space<vmem>>[vector<16xi32>], vector<16xf32>,
          %parallel_loop3A_651 = arith.constant 6 : i32
          %parallel_loop3A_652 = arith.constant 0 : i32
          %parallel_loop3A_653 = tpu.memref_slice %arg5[%parallel_loop3A_651, %parallel_loop3A_652] : memref<8x1000xf32, #tpu.memory_space<vmem>> -> memref<1x1000xf32, #tpu.memory_space<vmem>>
          %parallel_loop3A_654 = tpu.memref_squeeze %parallel_loop3A_653 : memref<1x1000xf32, #tpu.memory_space<vmem>> -> memref<1000xf32, #tpu.memory_space<vmem>>
          %parallel_loop3A_655 = tpu.vector_load_idx %parallel_loop3A_654[%parallel_loop3A_532] : memref<1000xf32, #tpu.memory_space<vmem>>[vector<16xi32>], vector<16xf32>,
          %parallel_loop3A_656 = arith.constant 7 : i32
          %parallel_loop3A_657 = arith.constant 0 : i32
          %parallel_loop3A_658 = tpu.memref_slice %arg5[%parallel_loop3A_656, %parallel_loop3A_657] : memref<8x1000xf32, #tpu.memory_space<vmem>> -> memref<1x1000xf32, #tpu.memory_space<vmem>>
          %parallel_loop3A_659 = tpu.memref_squeeze %parallel_loop3A_658 : memref<1x1000xf32, #tpu.memory_space<vmem>> -> memref<1000xf32, #tpu.memory_space<vmem>>
          %parallel_loop3A_660 = tpu.vector_load_idx %parallel_loop3A_659[%parallel_loop3A_532] : memref<1000xf32, #tpu.memory_space<vmem>>[vector<16xi32>], vector<16xf32>,
          %parallel_loop3A_661 = arith.constant 0 : i32
          %parallel_loop3A_662 = arith.addi %parallel_loop3A_144, %parallel_loop3A_661 : i32
          %parallel_loop3A_663 = arith.constant 80 : i32
          %parallel_loop3A_664 = arith.addi %parallel_loop3A_662, %parallel_loop3A_663 : i32
          %parallel_loop3A_665 = arith.index_cast %parallel_loop3A_664 : i32 to index
          %parallel_loop3A_666 = tpu.vector_load %arg9[%parallel_loop3A_665] {strides = array<i32>} : memref<32768xf32, #tpu.memory_space<vmem>>, vector<16xf32>,
          tpu.vector_store %arg9[%parallel_loop3A_665], %parallel_loop3A_625 {strides = array<i32>} : memref<32768xf32, #tpu.memory_space<vmem>>, vector<16xf32>,
          %parallel_loop3A_667 = arith.constant 128 : i32
          %parallel_loop3A_668 = arith.addi %parallel_loop3A_144, %parallel_loop3A_667 : i32
          %parallel_loop3A_669 = arith.constant 80 : i32
          %parallel_loop3A_670 = arith.addi %parallel_loop3A_668, %parallel_loop3A_669 : i32
          %parallel_loop3A_671 = arith.index_cast %parallel_loop3A_670 : i32 to index
          %parallel_loop3A_672 = tpu.vector_load %arg9[%parallel_loop3A_671] {strides = array<i32>} : memref<32768xf32, #tpu.memory_space<vmem>>, vector<16xf32>,
          tpu.vector_store %arg9[%parallel_loop3A_671], %parallel_loop3A_630 {strides = array<i32>} : memref<32768xf32, #tpu.memory_space<vmem>>, vector<16xf32>,
          %parallel_loop3A_673 = arith.constant 256 : i32
          %parallel_loop3A_674 = arith.addi %parallel_loop3A_144, %parallel_loop3A_673 : i32
          %parallel_loop3A_675 = arith.constant 80 : i32
          %parallel_loop3A_676 = arith.addi %parallel_loop3A_674, %parallel_loop3A_675 : i32
          %parallel_loop3A_677 = arith.index_cast %parallel_loop3A_676 : i32 to index
          %parallel_loop3A_678 = tpu.vector_load %arg9[%parallel_loop3A_677] {strides = array<i32>} : memref<32768xf32, #tpu.memory_space<vmem>>, vector<16xf32>,
          tpu.vector_store %arg9[%parallel_loop3A_677], %parallel_loop3A_635 {strides = array<i32>} : memref<32768xf32, #tpu.memory_space<vmem>>, vector<16xf32>,
          %parallel_loop3A_679 = arith.constant 384 : i32
          %parallel_loop3A_680 = arith.addi %parallel_loop3A_144, %parallel_loop3A_679 : i32
          %parallel_loop3A_681 = arith.constant 80 : i32
          %parallel_loop3A_682 = arith.addi %parallel_loop3A_680, %parallel_loop3A_681 : i32
          %parallel_loop3A_683 = arith.index_cast %parallel_loop3A_682 : i32 to index
          %parallel_loop3A_684 = tpu.vector_load %arg9[%parallel_loop3A_683] {strides = array<i32>} : memref<32768xf32, #tpu.memory_space<vmem>>, vector<16xf32>,
          tpu.vector_store %arg9[%parallel_loop3A_683], %parallel_loop3A_640 {strides = array<i32>} : memref<32768xf32, #tpu.memory_space<vmem>>, vector<16xf32>,
          %parallel_loop3A_685 = arith.constant 512 : i32
          %parallel_loop3A_686 = arith.addi %parallel_loop3A_144, %parallel_loop3A_685 : i32
          %parallel_loop3A_687 = arith.constant 80 : i32
          %parallel_loop3A_688 = arith.addi %parallel_loop3A_686, %parallel_loop3A_687 : i32
          %parallel_loop3A_689 = arith.index_cast %parallel_loop3A_688 : i32 to index
          %parallel_loop3A_690 = tpu.vector_load %arg9[%parallel_loop3A_689] {strides = array<i32>} : memref<32768xf32, #tpu.memory_space<vmem>>, vector<16xf32>,
          tpu.vector_store %arg9[%parallel_loop3A_689], %parallel_loop3A_645 {strides = array<i32>} : memref<32768xf32, #tpu.memory_space<vmem>>, vector<16xf32>,
          %parallel_loop3A_691 = arith.constant 640 : i32
          %parallel_loop3A_692 = arith.addi %parallel_loop3A_144, %parallel_loop3A_691 : i32
          %parallel_loop3A_693 = arith.constant 80 : i32
          %parallel_loop3A_694 = arith.addi %parallel_loop3A_692, %parallel_loop3A_693 : i32
          %parallel_loop3A_695 = arith.index_cast %parallel_loop3A_694 : i32 to index
          %parallel_loop3A_696 = tpu.vector_load %arg9[%parallel_loop3A_695] {strides = array<i32>} : memref<32768xf32, #tpu.memory_space<vmem>>, vector<16xf32>,
          tpu.vector_store %arg9[%parallel_loop3A_695], %parallel_loop3A_650 {strides = array<i32>} : memref<32768xf32, #tpu.memory_space<vmem>>, vector<16xf32>,
          %parallel_loop3A_697 = arith.constant 768 : i32
          %parallel_loop3A_698 = arith.addi %parallel_loop3A_144, %parallel_loop3A_697 : i32
          %parallel_loop3A_699 = arith.constant 80 : i32
          %parallel_loop3A_700 = arith.addi %parallel_loop3A_698, %parallel_loop3A_699 : i32
          %parallel_loop3A_701 = arith.index_cast %parallel_loop3A_700 : i32 to index
          %parallel_loop3A_702 = tpu.vector_load %arg9[%parallel_loop3A_701] {strides = array<i32>} : memref<32768xf32, #tpu.memory_space<vmem>>, vector<16xf32>,
          tpu.vector_store %arg9[%parallel_loop3A_701], %parallel_loop3A_655 {strides = array<i32>} : memref<32768xf32, #tpu.memory_space<vmem>>, vector<16xf32>,
          %parallel_loop3A_703 = arith.constant 896 : i32
          %parallel_loop3A_704 = arith.addi %parallel_loop3A_144, %parallel_loop3A_703 : i32
          %parallel_loop3A_705 = arith.constant 80 : i32
          %parallel_loop3A_706 = arith.addi %parallel_loop3A_704, %parallel_loop3A_705 : i32
          %parallel_loop3A_707 = arith.index_cast %parallel_loop3A_706 : i32 to index
          %parallel_loop3A_708 = tpu.vector_load %arg9[%parallel_loop3A_707] {strides = array<i32>} : memref<32768xf32, #tpu.memory_space<vmem>>, vector<16xf32>,
          tpu.vector_store %arg9[%parallel_loop3A_707], %parallel_loop3A_660 {strides = array<i32>} : memref<32768xf32, #tpu.memory_space<vmem>>, vector<16xf32>,
          %parallel_loop3A_709 = arith.constant 64 : i32
          %parallel_loop3A_710 = arith.muli %parallel_loop3A_142, %parallel_loop3A_709 : i32
          %parallel_loop3A_711 = arith.constant 48 : i32
          %parallel_loop3A_712 = arith.addi %parallel_loop3A_710, %parallel_loop3A_711 : i32
          %parallel_loop3A_713 = arith.index_cast %parallel_loop3A_712 : i32 to index
          %parallel_loop3A_714 = tpu.vector_load %arg7[%parallel_loop3A_713] {strides = array<i32>} : memref<2048xi32, #tpu.memory_space<vmem>>, vector<16xi32>,
          %parallel_loop3A_715 = arith.constant 65535 : i32
          %parallel_loop3A_716 = vector.broadcast %parallel_loop3A_715 : i32 to vector<16xi32>
          %parallel_loop3A_717 = arith.andi %parallel_loop3A_714, %parallel_loop3A_716 : vector<16xi32>
          %parallel_loop3A_718 = arith.constant 16 : i32
          %parallel_loop3A_719 = vector.broadcast %parallel_loop3A_718 : i32 to vector<16xi32>
          %parallel_loop3A_720 = arith.shrui %parallel_loop3A_714, %parallel_loop3A_719 : vector<16xi32>
          %parallel_loop3A_721 = arith.constant 0 : i32
          %parallel_loop3A_722 = arith.constant 0 : i32
          %parallel_loop3A_723 = tpu.memref_slice %arg5[%parallel_loop3A_721, %parallel_loop3A_722] : memref<8x1000xf32, #tpu.memory_space<vmem>> -> memref<1x1000xf32, #tpu.memory_space<vmem>>
          %parallel_loop3A_724 = tpu.memref_squeeze %parallel_loop3A_723 : memref<1x1000xf32, #tpu.memory_space<vmem>> -> memref<1000xf32, #tpu.memory_space<vmem>>
          %parallel_loop3A_725 = tpu.vector_load_idx %parallel_loop3A_724[%parallel_loop3A_717] : memref<1000xf32, #tpu.memory_space<vmem>>[vector<16xi32>], vector<16xf32>,
          %parallel_loop3A_726 = arith.constant 1 : i32
          %parallel_loop3A_727 = arith.constant 0 : i32
          %parallel_loop3A_728 = tpu.memref_slice %arg5[%parallel_loop3A_726, %parallel_loop3A_727] : memref<8x1000xf32, #tpu.memory_space<vmem>> -> memref<1x1000xf32, #tpu.memory_space<vmem>>
          %parallel_loop3A_729 = tpu.memref_squeeze %parallel_loop3A_728 : memref<1x1000xf32, #tpu.memory_space<vmem>> -> memref<1000xf32, #tpu.memory_space<vmem>>
          %parallel_loop3A_730 = tpu.vector_load_idx %parallel_loop3A_729[%parallel_loop3A_717] : memref<1000xf32, #tpu.memory_space<vmem>>[vector<16xi32>], vector<16xf32>,
          %parallel_loop3A_731 = arith.constant 2 : i32
          %parallel_loop3A_732 = arith.constant 0 : i32
          %parallel_loop3A_733 = tpu.memref_slice %arg5[%parallel_loop3A_731, %parallel_loop3A_732] : memref<8x1000xf32, #tpu.memory_space<vmem>> -> memref<1x1000xf32, #tpu.memory_space<vmem>>
          %parallel_loop3A_734 = tpu.memref_squeeze %parallel_loop3A_733 : memref<1x1000xf32, #tpu.memory_space<vmem>> -> memref<1000xf32, #tpu.memory_space<vmem>>
          %parallel_loop3A_735 = tpu.vector_load_idx %parallel_loop3A_734[%parallel_loop3A_717] : memref<1000xf32, #tpu.memory_space<vmem>>[vector<16xi32>], vector<16xf32>,
          %parallel_loop3A_736 = arith.constant 3 : i32
          %parallel_loop3A_737 = arith.constant 0 : i32
          %parallel_loop3A_738 = tpu.memref_slice %arg5[%parallel_loop3A_736, %parallel_loop3A_737] : memref<8x1000xf32, #tpu.memory_space<vmem>> -> memref<1x1000xf32, #tpu.memory_space<vmem>>
          %parallel_loop3A_739 = tpu.memref_squeeze %parallel_loop3A_738 : memref<1x1000xf32, #tpu.memory_space<vmem>> -> memref<1000xf32, #tpu.memory_space<vmem>>
          %parallel_loop3A_740 = tpu.vector_load_idx %parallel_loop3A_739[%parallel_loop3A_717] : memref<1000xf32, #tpu.memory_space<vmem>>[vector<16xi32>], vector<16xf32>,
          %parallel_loop3A_741 = arith.constant 4 : i32
          %parallel_loop3A_742 = arith.constant 0 : i32
          %parallel_loop3A_743 = tpu.memref_slice %arg5[%parallel_loop3A_741, %parallel_loop3A_742] : memref<8x1000xf32, #tpu.memory_space<vmem>> -> memref<1x1000xf32, #tpu.memory_space<vmem>>
          %parallel_loop3A_744 = tpu.memref_squeeze %parallel_loop3A_743 : memref<1x1000xf32, #tpu.memory_space<vmem>> -> memref<1000xf32, #tpu.memory_space<vmem>>
          %parallel_loop3A_745 = tpu.vector_load_idx %parallel_loop3A_744[%parallel_loop3A_717] : memref<1000xf32, #tpu.memory_space<vmem>>[vector<16xi32>], vector<16xf32>,
          %parallel_loop3A_746 = arith.constant 5 : i32
          %parallel_loop3A_747 = arith.constant 0 : i32
          %parallel_loop3A_748 = tpu.memref_slice %arg5[%parallel_loop3A_746, %parallel_loop3A_747] : memref<8x1000xf32, #tpu.memory_space<vmem>> -> memref<1x1000xf32, #tpu.memory_space<vmem>>
          %parallel_loop3A_749 = tpu.memref_squeeze %parallel_loop3A_748 : memref<1x1000xf32, #tpu.memory_space<vmem>> -> memref<1000xf32, #tpu.memory_space<vmem>>
          %parallel_loop3A_750 = tpu.vector_load_idx %parallel_loop3A_749[%parallel_loop3A_717] : memref<1000xf32, #tpu.memory_space<vmem>>[vector<16xi32>], vector<16xf32>,
          %parallel_loop3A_751 = arith.constant 6 : i32
          %parallel_loop3A_752 = arith.constant 0 : i32
          %parallel_loop3A_753 = tpu.memref_slice %arg5[%parallel_loop3A_751, %parallel_loop3A_752] : memref<8x1000xf32, #tpu.memory_space<vmem>> -> memref<1x1000xf32, #tpu.memory_space<vmem>>
          %parallel_loop3A_754 = tpu.memref_squeeze %parallel_loop3A_753 : memref<1x1000xf32, #tpu.memory_space<vmem>> -> memref<1000xf32, #tpu.memory_space<vmem>>
          %parallel_loop3A_755 = tpu.vector_load_idx %parallel_loop3A_754[%parallel_loop3A_717] : memref<1000xf32, #tpu.memory_space<vmem>>[vector<16xi32>], vector<16xf32>,
          %parallel_loop3A_756 = arith.constant 7 : i32
          %parallel_loop3A_757 = arith.constant 0 : i32
          %parallel_loop3A_758 = tpu.memref_slice %arg5[%parallel_loop3A_756, %parallel_loop3A_757] : memref<8x1000xf32, #tpu.memory_space<vmem>> -> memref<1x1000xf32, #tpu.memory_space<vmem>>
          %parallel_loop3A_759 = tpu.memref_squeeze %parallel_loop3A_758 : memref<1x1000xf32, #tpu.memory_space<vmem>> -> memref<1000xf32, #tpu.memory_space<vmem>>
          %parallel_loop3A_760 = tpu.vector_load_idx %parallel_loop3A_759[%parallel_loop3A_717] : memref<1000xf32, #tpu.memory_space<vmem>>[vector<16xi32>], vector<16xf32>,
          %parallel_loop3A_761 = arith.constant 0 : i32
          %parallel_loop3A_762 = arith.addi %parallel_loop3A_144, %parallel_loop3A_761 : i32
          %parallel_loop3A_763 = arith.constant 96 : i32
          %parallel_loop3A_764 = arith.addi %parallel_loop3A_762, %parallel_loop3A_763 : i32
          %parallel_loop3A_765 = arith.index_cast %parallel_loop3A_764 : i32 to index
          %parallel_loop3A_766 = tpu.vector_load %arg9[%parallel_loop3A_765] {strides = array<i32>} : memref<32768xf32, #tpu.memory_space<vmem>>, vector<16xf32>,
          tpu.vector_store %arg9[%parallel_loop3A_765], %parallel_loop3A_725 {strides = array<i32>} : memref<32768xf32, #tpu.memory_space<vmem>>, vector<16xf32>,
          %parallel_loop3A_767 = arith.constant 128 : i32
          %parallel_loop3A_768 = arith.addi %parallel_loop3A_144, %parallel_loop3A_767 : i32
          %parallel_loop3A_769 = arith.constant 96 : i32
          %parallel_loop3A_770 = arith.addi %parallel_loop3A_768, %parallel_loop3A_769 : i32
          %parallel_loop3A_771 = arith.index_cast %parallel_loop3A_770 : i32 to index
          %parallel_loop3A_772 = tpu.vector_load %arg9[%parallel_loop3A_771] {strides = array<i32>} : memref<32768xf32, #tpu.memory_space<vmem>>, vector<16xf32>,
          tpu.vector_store %arg9[%parallel_loop3A_771], %parallel_loop3A_730 {strides = array<i32>} : memref<32768xf32, #tpu.memory_space<vmem>>, vector<16xf32>,
          %parallel_loop3A_773 = arith.constant 256 : i32
          %parallel_loop3A_774 = arith.addi %parallel_loop3A_144, %parallel_loop3A_773 : i32
          %parallel_loop3A_775 = arith.constant 96 : i32
          %parallel_loop3A_776 = arith.addi %parallel_loop3A_774, %parallel_loop3A_775 : i32
          %parallel_loop3A_777 = arith.index_cast %parallel_loop3A_776 : i32 to index
          %parallel_loop3A_778 = tpu.vector_load %arg9[%parallel_loop3A_777] {strides = array<i32>} : memref<32768xf32, #tpu.memory_space<vmem>>, vector<16xf32>,
          tpu.vector_store %arg9[%parallel_loop3A_777], %parallel_loop3A_735 {strides = array<i32>} : memref<32768xf32, #tpu.memory_space<vmem>>, vector<16xf32>,
          %parallel_loop3A_779 = arith.constant 384 : i32
          %parallel_loop3A_780 = arith.addi %parallel_loop3A_144, %parallel_loop3A_779 : i32
          %parallel_loop3A_781 = arith.constant 96 : i32
          %parallel_loop3A_782 = arith.addi %parallel_loop3A_780, %parallel_loop3A_781 : i32
          %parallel_loop3A_783 = arith.index_cast %parallel_loop3A_782 : i32 to index
          %parallel_loop3A_784 = tpu.vector_load %arg9[%parallel_loop3A_783] {strides = array<i32>} : memref<32768xf32, #tpu.memory_space<vmem>>, vector<16xf32>,
          tpu.vector_store %arg9[%parallel_loop3A_783], %parallel_loop3A_740 {strides = array<i32>} : memref<32768xf32, #tpu.memory_space<vmem>>, vector<16xf32>,
          %parallel_loop3A_785 = arith.constant 512 : i32
          %parallel_loop3A_786 = arith.addi %parallel_loop3A_144, %parallel_loop3A_785 : i32
          %parallel_loop3A_787 = arith.constant 96 : i32
          %parallel_loop3A_788 = arith.addi %parallel_loop3A_786, %parallel_loop3A_787 : i32
          %parallel_loop3A_789 = arith.index_cast %parallel_loop3A_788 : i32 to index
          %parallel_loop3A_790 = tpu.vector_load %arg9[%parallel_loop3A_789] {strides = array<i32>} : memref<32768xf32, #tpu.memory_space<vmem>>, vector<16xf32>,
          tpu.vector_store %arg9[%parallel_loop3A_789], %parallel_loop3A_745 {strides = array<i32>} : memref<32768xf32, #tpu.memory_space<vmem>>, vector<16xf32>,
          %parallel_loop3A_791 = arith.constant 640 : i32
          %parallel_loop3A_792 = arith.addi %parallel_loop3A_144, %parallel_loop3A_791 : i32
          %parallel_loop3A_793 = arith.constant 96 : i32
          %parallel_loop3A_794 = arith.addi %parallel_loop3A_792, %parallel_loop3A_793 : i32
          %parallel_loop3A_795 = arith.index_cast %parallel_loop3A_794 : i32 to index
          %parallel_loop3A_796 = tpu.vector_load %arg9[%parallel_loop3A_795] {strides = array<i32>} : memref<32768xf32, #tpu.memory_space<vmem>>, vector<16xf32>,
          tpu.vector_store %arg9[%parallel_loop3A_795], %parallel_loop3A_750 {strides = array<i32>} : memref<32768xf32, #tpu.memory_space<vmem>>, vector<16xf32>,
          %parallel_loop3A_797 = arith.constant 768 : i32
          %parallel_loop3A_798 = arith.addi %parallel_loop3A_144, %parallel_loop3A_797 : i32
          %parallel_loop3A_799 = arith.constant 96 : i32
          %parallel_loop3A_800 = arith.addi %parallel_loop3A_798, %parallel_loop3A_799 : i32
          %parallel_loop3A_801 = arith.index_cast %parallel_loop3A_800 : i32 to index
          %parallel_loop3A_802 = tpu.vector_load %arg9[%parallel_loop3A_801] {strides = array<i32>} : memref<32768xf32, #tpu.memory_space<vmem>>, vector<16xf32>,
          tpu.vector_store %arg9[%parallel_loop3A_801], %parallel_loop3A_755 {strides = array<i32>} : memref<32768xf32, #tpu.memory_space<vmem>>, vector<16xf32>,
          %parallel_loop3A_803 = arith.constant 896 : i32
          %parallel_loop3A_804 = arith.addi %parallel_loop3A_144, %parallel_loop3A_803 : i32
          %parallel_loop3A_805 = arith.constant 96 : i32
          %parallel_loop3A_806 = arith.addi %parallel_loop3A_804, %parallel_loop3A_805 : i32
          %parallel_loop3A_807 = arith.index_cast %parallel_loop3A_806 : i32 to index
          %parallel_loop3A_808 = tpu.vector_load %arg9[%parallel_loop3A_807] {strides = array<i32>} : memref<32768xf32, #tpu.memory_space<vmem>>, vector<16xf32>,
          tpu.vector_store %arg9[%parallel_loop3A_807], %parallel_loop3A_760 {strides = array<i32>} : memref<32768xf32, #tpu.memory_space<vmem>>, vector<16xf32>,
          %parallel_loop3A_809 = arith.constant 0 : i32
          %parallel_loop3A_810 = arith.constant 0 : i32
          %parallel_loop3A_811 = tpu.memref_slice %arg5[%parallel_loop3A_809, %parallel_loop3A_810] : memref<8x1000xf32, #tpu.memory_space<vmem>> -> memref<1x1000xf32, #tpu.memory_space<vmem>>
          %parallel_loop3A_812 = tpu.memref_squeeze %parallel_loop3A_811 : memref<1x1000xf32, #tpu.memory_space<vmem>> -> memref<1000xf32, #tpu.memory_space<vmem>>
          %parallel_loop3A_813 = tpu.vector_load_idx %parallel_loop3A_812[%parallel_loop3A_720] : memref<1000xf32, #tpu.memory_space<vmem>>[vector<16xi32>], vector<16xf32>,
          %parallel_loop3A_814 = arith.constant 1 : i32
          %parallel_loop3A_815 = arith.constant 0 : i32
          %parallel_loop3A_816 = tpu.memref_slice %arg5[%parallel_loop3A_814, %parallel_loop3A_815] : memref<8x1000xf32, #tpu.memory_space<vmem>> -> memref<1x1000xf32, #tpu.memory_space<vmem>>
          %parallel_loop3A_817 = tpu.memref_squeeze %parallel_loop3A_816 : memref<1x1000xf32, #tpu.memory_space<vmem>> -> memref<1000xf32, #tpu.memory_space<vmem>>
          %parallel_loop3A_818 = tpu.vector_load_idx %parallel_loop3A_817[%parallel_loop3A_720] : memref<1000xf32, #tpu.memory_space<vmem>>[vector<16xi32>], vector<16xf32>,
          %parallel_loop3A_819 = arith.constant 2 : i32
          %parallel_loop3A_820 = arith.constant 0 : i32
          %parallel_loop3A_821 = tpu.memref_slice %arg5[%parallel_loop3A_819, %parallel_loop3A_820] : memref<8x1000xf32, #tpu.memory_space<vmem>> -> memref<1x1000xf32, #tpu.memory_space<vmem>>
          %parallel_loop3A_822 = tpu.memref_squeeze %parallel_loop3A_821 : memref<1x1000xf32, #tpu.memory_space<vmem>> -> memref<1000xf32, #tpu.memory_space<vmem>>
          %parallel_loop3A_823 = tpu.vector_load_idx %parallel_loop3A_822[%parallel_loop3A_720] : memref<1000xf32, #tpu.memory_space<vmem>>[vector<16xi32>], vector<16xf32>,
          %parallel_loop3A_824 = arith.constant 3 : i32
          %parallel_loop3A_825 = arith.constant 0 : i32
          %parallel_loop3A_826 = tpu.memref_slice %arg5[%parallel_loop3A_824, %parallel_loop3A_825] : memref<8x1000xf32, #tpu.memory_space<vmem>> -> memref<1x1000xf32, #tpu.memory_space<vmem>>
          %parallel_loop3A_827 = tpu.memref_squeeze %parallel_loop3A_826 : memref<1x1000xf32, #tpu.memory_space<vmem>> -> memref<1000xf32, #tpu.memory_space<vmem>>
          %parallel_loop3A_828 = tpu.vector_load_idx %parallel_loop3A_827[%parallel_loop3A_720] : memref<1000xf32, #tpu.memory_space<vmem>>[vector<16xi32>], vector<16xf32>,
          %parallel_loop3A_829 = arith.constant 4 : i32
          %parallel_loop3A_830 = arith.constant 0 : i32
          %parallel_loop3A_831 = tpu.memref_slice %arg5[%parallel_loop3A_829, %parallel_loop3A_830] : memref<8x1000xf32, #tpu.memory_space<vmem>> -> memref<1x1000xf32, #tpu.memory_space<vmem>>
          %parallel_loop3A_832 = tpu.memref_squeeze %parallel_loop3A_831 : memref<1x1000xf32, #tpu.memory_space<vmem>> -> memref<1000xf32, #tpu.memory_space<vmem>>
          %parallel_loop3A_833 = tpu.vector_load_idx %parallel_loop3A_832[%parallel_loop3A_720] : memref<1000xf32, #tpu.memory_space<vmem>>[vector<16xi32>], vector<16xf32>,
          %parallel_loop3A_834 = arith.constant 5 : i32
          %parallel_loop3A_835 = arith.constant 0 : i32
          %parallel_loop3A_836 = tpu.memref_slice %arg5[%parallel_loop3A_834, %parallel_loop3A_835] : memref<8x1000xf32, #tpu.memory_space<vmem>> -> memref<1x1000xf32, #tpu.memory_space<vmem>>
          %parallel_loop3A_837 = tpu.memref_squeeze %parallel_loop3A_836 : memref<1x1000xf32, #tpu.memory_space<vmem>> -> memref<1000xf32, #tpu.memory_space<vmem>>
          %parallel_loop3A_838 = tpu.vector_load_idx %parallel_loop3A_837[%parallel_loop3A_720] : memref<1000xf32, #tpu.memory_space<vmem>>[vector<16xi32>], vector<16xf32>,
          %parallel_loop3A_839 = arith.constant 6 : i32
          %parallel_loop3A_840 = arith.constant 0 : i32
          %parallel_loop3A_841 = tpu.memref_slice %arg5[%parallel_loop3A_839, %parallel_loop3A_840] : memref<8x1000xf32, #tpu.memory_space<vmem>> -> memref<1x1000xf32, #tpu.memory_space<vmem>>
          %parallel_loop3A_842 = tpu.memref_squeeze %parallel_loop3A_841 : memref<1x1000xf32, #tpu.memory_space<vmem>> -> memref<1000xf32, #tpu.memory_space<vmem>>
          %parallel_loop3A_843 = tpu.vector_load_idx %parallel_loop3A_842[%parallel_loop3A_720] : memref<1000xf32, #tpu.memory_space<vmem>>[vector<16xi32>], vector<16xf32>,
          %parallel_loop3A_844 = arith.constant 7 : i32
          %parallel_loop3A_845 = arith.constant 0 : i32
          %parallel_loop3A_846 = tpu.memref_slice %arg5[%parallel_loop3A_844, %parallel_loop3A_845] : memref<8x1000xf32, #tpu.memory_space<vmem>> -> memref<1x1000xf32, #tpu.memory_space<vmem>>
          %parallel_loop3A_847 = tpu.memref_squeeze %parallel_loop3A_846 : memref<1x1000xf32, #tpu.memory_space<vmem>> -> memref<1000xf32, #tpu.memory_space<vmem>>
          %parallel_loop3A_848 = tpu.vector_load_idx %parallel_loop3A_847[%parallel_loop3A_720] : memref<1000xf32, #tpu.memory_space<vmem>>[vector<16xi32>], vector<16xf32>,
          %parallel_loop3A_849 = arith.constant 0 : i32
          %parallel_loop3A_850 = arith.addi %parallel_loop3A_144, %parallel_loop3A_849 : i32
          %parallel_loop3A_851 = arith.constant 112 : i32
          %parallel_loop3A_852 = arith.addi %parallel_loop3A_850, %parallel_loop3A_851 : i32
          %parallel_loop3A_853 = arith.index_cast %parallel_loop3A_852 : i32 to index
          %parallel_loop3A_854 = tpu.vector_load %arg9[%parallel_loop3A_853] {strides = array<i32>} : memref<32768xf32, #tpu.memory_space<vmem>>, vector<16xf32>,
          tpu.vector_store %arg9[%parallel_loop3A_853], %parallel_loop3A_813 {strides = array<i32>} : memref<32768xf32, #tpu.memory_space<vmem>>, vector<16xf32>,
          %parallel_loop3A_855 = arith.constant 128 : i32
          %parallel_loop3A_856 = arith.addi %parallel_loop3A_144, %parallel_loop3A_855 : i32
          %parallel_loop3A_857 = arith.constant 112 : i32
          %parallel_loop3A_858 = arith.addi %parallel_loop3A_856, %parallel_loop3A_857 : i32
          %parallel_loop3A_859 = arith.index_cast %parallel_loop3A_858 : i32 to index
          %parallel_loop3A_860 = tpu.vector_load %arg9[%parallel_loop3A_859] {strides = array<i32>} : memref<32768xf32, #tpu.memory_space<vmem>>, vector<16xf32>,
          tpu.vector_store %arg9[%parallel_loop3A_859], %parallel_loop3A_818 {strides = array<i32>} : memref<32768xf32, #tpu.memory_space<vmem>>, vector<16xf32>,
          %parallel_loop3A_861 = arith.constant 256 : i32
          %parallel_loop3A_862 = arith.addi %parallel_loop3A_144, %parallel_loop3A_861 : i32
          %parallel_loop3A_863 = arith.constant 112 : i32
          %parallel_loop3A_864 = arith.addi %parallel_loop3A_862, %parallel_loop3A_863 : i32
          %parallel_loop3A_865 = arith.index_cast %parallel_loop3A_864 : i32 to index
          %parallel_loop3A_866 = tpu.vector_load %arg9[%parallel_loop3A_865] {strides = array<i32>} : memref<32768xf32, #tpu.memory_space<vmem>>, vector<16xf32>,
          tpu.vector_store %arg9[%parallel_loop3A_865], %parallel_loop3A_823 {strides = array<i32>} : memref<32768xf32, #tpu.memory_space<vmem>>, vector<16xf32>,
          %parallel_loop3A_867 = arith.constant 384 : i32
          %parallel_loop3A_868 = arith.addi %parallel_loop3A_144, %parallel_loop3A_867 : i32
          %parallel_loop3A_869 = arith.constant 112 : i32
          %parallel_loop3A_870 = arith.addi %parallel_loop3A_868, %parallel_loop3A_869 : i32
          %parallel_loop3A_871 = arith.index_cast %parallel_loop3A_870 : i32 to index
          %parallel_loop3A_872 = tpu.vector_load %arg9[%parallel_loop3A_871] {strides = array<i32>} : memref<32768xf32, #tpu.memory_space<vmem>>, vector<16xf32>,
          tpu.vector_store %arg9[%parallel_loop3A_871], %parallel_loop3A_828 {strides = array<i32>} : memref<32768xf32, #tpu.memory_space<vmem>>, vector<16xf32>,
          %parallel_loop3A_873 = arith.constant 512 : i32
          %parallel_loop3A_874 = arith.addi %parallel_loop3A_144, %parallel_loop3A_873 : i32
          %parallel_loop3A_875 = arith.constant 112 : i32
          %parallel_loop3A_876 = arith.addi %parallel_loop3A_874, %parallel_loop3A_875 : i32
          %parallel_loop3A_877 = arith.index_cast %parallel_loop3A_876 : i32 to index
          %parallel_loop3A_878 = tpu.vector_load %arg9[%parallel_loop3A_877] {strides = array<i32>} : memref<32768xf32, #tpu.memory_space<vmem>>, vector<16xf32>,
          tpu.vector_store %arg9[%parallel_loop3A_877], %parallel_loop3A_833 {strides = array<i32>} : memref<32768xf32, #tpu.memory_space<vmem>>, vector<16xf32>,
          %parallel_loop3A_879 = arith.constant 640 : i32
          %parallel_loop3A_880 = arith.addi %parallel_loop3A_144, %parallel_loop3A_879 : i32
          %parallel_loop3A_881 = arith.constant 112 : i32
          %parallel_loop3A_882 = arith.addi %parallel_loop3A_880, %parallel_loop3A_881 : i32
          %parallel_loop3A_883 = arith.index_cast %parallel_loop3A_882 : i32 to index
          %parallel_loop3A_884 = tpu.vector_load %arg9[%parallel_loop3A_883] {strides = array<i32>} : memref<32768xf32, #tpu.memory_space<vmem>>, vector<16xf32>,
          tpu.vector_store %arg9[%parallel_loop3A_883], %parallel_loop3A_838 {strides = array<i32>} : memref<32768xf32, #tpu.memory_space<vmem>>, vector<16xf32>,
          %parallel_loop3A_885 = arith.constant 768 : i32
          %parallel_loop3A_886 = arith.addi %parallel_loop3A_144, %parallel_loop3A_885 : i32
          %parallel_loop3A_887 = arith.constant 112 : i32
          %parallel_loop3A_888 = arith.addi %parallel_loop3A_886, %parallel_loop3A_887 : i32
          %parallel_loop3A_889 = arith.index_cast %parallel_loop3A_888 : i32 to index
          %parallel_loop3A_890 = tpu.vector_load %arg9[%parallel_loop3A_889] {strides = array<i32>} : memref<32768xf32, #tpu.memory_space<vmem>>, vector<16xf32>,
          tpu.vector_store %arg9[%parallel_loop3A_889], %parallel_loop3A_843 {strides = array<i32>} : memref<32768xf32, #tpu.memory_space<vmem>>, vector<16xf32>,
          %parallel_loop3A_891 = arith.constant 896 : i32
          %parallel_loop3A_892 = arith.addi %parallel_loop3A_144, %parallel_loop3A_891 : i32
          %parallel_loop3A_893 = arith.constant 112 : i32
          %parallel_loop3A_894 = arith.addi %parallel_loop3A_892, %parallel_loop3A_893 : i32
          %parallel_loop3A_895 = arith.index_cast %parallel_loop3A_894 : i32 to index
          %parallel_loop3A_896 = tpu.vector_load %arg9[%parallel_loop3A_895] {strides = array<i32>} : memref<32768xf32, #tpu.memory_space<vmem>>, vector<16xf32>,
          tpu.vector_store %arg9[%parallel_loop3A_895], %parallel_loop3A_848 {strides = array<i32>} : memref<32768xf32, #tpu.memory_space<vmem>>, vector<16xf32>,
        } {sc.loop_unroll_factor = 4 : i64, sc.parallel_access}
        %mul3A_127 = arith.constant 125 : i32
        %mul3A_128 = arith.muli %sub3A_106, %mul3A_127 : i32
        %add3A_129 = arith.addi %mul3A_128, %select_n3A_103 : i32
        %dma_start3A_130 = arith.constant 0 : i32
        %dma_start3A_131 = tpu.memref_slice %arg4[%add3A_129, %dma_start3A_130] : memref<2500x32768xf32, #tpu.memory_space<hbm>> -> memref<1x32768xf32, #tpu.memory_space<hbm>>
        %dma_start3A_132 = tpu.memref_squeeze %dma_start3A_131 : memref<1x32768xf32, #tpu.memory_space<hbm>> -> memref<32768xf32, #tpu.memory_space<hbm>>
        %dma_start3A_133 = arith.constant 0 : i32
        %dma_start3A_134 = tpu.memref_slice %arg4[%add3A_129, %dma_start3A_133] : memref<2500x32768xf32, #tpu.memory_space<hbm>> -> memref<1x32768xf32, #tpu.memory_space<hbm>>
        %dma_start3A_135 = tpu.memref_squeeze %dma_start3A_134 : memref<1x32768xf32, #tpu.memory_space<hbm>> -> memref<32768xf32, #tpu.memory_space<hbm>>
        tpu.enqueue_dma source(%arg9 : memref<32768xf32, #tpu.memory_space<vmem>>) target(%dma_start3A_135 : memref<32768xf32, #tpu.memory_space<hbm>>) target_semaphore(%arg13 : memref<!tpu.dma_semaphore, #tpu.memory_space<semaphore_mem>>)
        %add3A_136 = arith.constant 2 : i32
        %add3A_137 = arith.addi %add3A_77, %add3A_136 : i32
        %lt3A_138 = arith.cmpi slt, %add3A_137, %add3A_7 : i32
        %convert_element_type3A_139 = arith.extui %lt3A_138 : i1 to i32
        %cond3A_140 = arith.constant 0 : i32
        %cond3A_141 = arith.cmpi ne, %convert_element_type3A_139, %cond3A_140 : i32
        scf.if %cond3A_141 {
          %add3A_142 = arith.constant 2 : i32
          %add3A_143 = arith.addi %add3A_78, %add3A_142 : i32
          %jit3A_144 = arith.constant 20 : i32
          %eq3A_145 = arith.constant 0 : i32
          %eq3A_146 = arith.cmpi eq, %jit3A_144, %eq3A_145 : i32
          %jit3A_147 = arith.constant 1 : i32
          %select_n3A_148 = arith.select %eq3A_146, %jit3A_147, %jit3A_144 : i32
          %rem3A_149 = arith.remsi %add3A_143, %select_n3A_148 : i32
          %ne3A_150 = arith.constant 0 : i32
          %ne3A_151 = arith.cmpi ne, %rem3A_149, %ne3A_150 : i32
          %lt3A_152 = arith.constant 0 : i32
          %lt3A_153 = arith.cmpi slt, %rem3A_149, %lt3A_152 : i32
          %lt3A_154 = arith.constant 0 : i32
          %lt3A_155 = arith.cmpi slt, %select_n3A_148, %lt3A_154 : i32
          %ne3A_156 = arith.xori %lt3A_153, %lt3A_155 : i1
          %and3A_157 = arith.andi %ne3A_156, %ne3A_151 : i1
          %add3A_158 = arith.addi %rem3A_149, %select_n3A_148 : i32
          %select_n3A_159 = arith.select %and3A_157, %add3A_158, %rem3A_149 : i32
          %dma_start3A_160 = arith.constant 0 : i32
          %dma_start3A_161 = tpu.memref_slice %arg2[%select_n3A_159, %dma_start3A_160] : memref<20x2048xi32, #tpu.memory_space<hbm>> -> memref<1x2048xi32, #tpu.memory_space<hbm>>
          %dma_start3A_162 = tpu.memref_squeeze %dma_start3A_161 : memref<1x2048xi32, #tpu.memory_space<hbm>> -> memref<2048xi32, #tpu.memory_space<hbm>>
          %dma_start3A_163 = arith.constant 0 : i32
          %dma_start3A_164 = tpu.memref_slice %arg2[%select_n3A_159, %dma_start3A_163] : memref<20x2048xi32, #tpu.memory_space<hbm>> -> memref<1x2048xi32, #tpu.memory_space<hbm>>
          %dma_start3A_165 = tpu.memref_squeeze %dma_start3A_164 : memref<1x2048xi32, #tpu.memory_space<hbm>> -> memref<2048xi32, #tpu.memory_space<hbm>>
          tpu.enqueue_dma source(%dma_start3A_165 : memref<2048xi32, #tpu.memory_space<hbm>>) target(%arg7 : memref<2048xi32, #tpu.memory_space<vmem>>) target_semaphore(%arg11 : memref<!tpu.dma_semaphore, #tpu.memory_space<semaphore_mem>>)
        } else {
        }
      } else {
      }
    }
    %scan3A_51 = arith.constant 40 : i32
    %dma_wait3A = arith.constant 0 : i32
    %dma_wait3A_52 = arith.constant 0 : i32
    %dma_wait3A_53 = tpu.memref_slice %arg4[%dma_wait3A, %dma_wait3A_52] : memref<2500x32768xf32, #tpu.memory_space<hbm>> -> memref<1x32768xf32, #tpu.memory_space<hbm>>
    %dma_wait3A_54 = tpu.memref_squeeze %dma_wait3A_53 : memref<1x32768xf32, #tpu.memory_space<hbm>> -> memref<32768xf32, #tpu.memory_space<hbm>>
    %dma_wait3A_55 = arith.constant 0 : i32
    %dma_wait3A_56 = tpu.memref_slice %arg4[%dma_wait3A, %dma_wait3A_55] : memref<2500x32768xf32, #tpu.memory_space<hbm>> -> memref<1x32768xf32, #tpu.memory_space<hbm>>
    %dma_wait3A_57 = tpu.memref_squeeze %dma_wait3A_56 : memref<1x32768xf32, #tpu.memory_space<hbm>> -> memref<32768xf32, #tpu.memory_space<hbm>>
    tpu.wait_dma2 semaphore(%arg12 : memref<!tpu.dma_semaphore, #tpu.memory_space<semaphore_mem>>) src(%arg8 : memref<32768xf32, #tpu.memory_space<vmem>>) dst(%dma_wait3A_57 : memref<32768xf32, #tpu.memory_space<hbm>>)
    %dma_wait3A_58 = arith.constant 0 : i32
    %dma_wait3A_59 = arith.constant 0 : i32
    %dma_wait3A_60 = tpu.memref_slice %arg4[%dma_wait3A_58, %dma_wait3A_59] : memref<2500x32768xf32, #tpu.memory_space<hbm>> -> memref<1x32768xf32, #tpu.memory_space<hbm>>
    %dma_wait3A_61 = tpu.memref_squeeze %dma_wait3A_60 : memref<1x32768xf32, #tpu.memory_space<hbm>> -> memref<32768xf32, #tpu.memory_space<hbm>>
    %dma_wait3A_62 = arith.constant 0 : i32
    %dma_wait3A_63 = tpu.memref_slice %arg4[%dma_wait3A_58, %dma_wait3A_62] : memref<2500x32768xf32, #tpu.memory_space<hbm>> -> memref<1x32768xf32, #tpu.memory_space<hbm>>
    %dma_wait3A_64 = tpu.memref_squeeze %dma_wait3A_63 : memref<1x32768xf32, #tpu.memory_space<hbm>> -> memref<32768xf32, #tpu.memory_space<hbm>>
    tpu.wait_dma2 semaphore(%arg13 : memref<!tpu.dma_semaphore, #tpu.memory_space<semaphore_mem>>) src(%arg9 : memref<32768xf32, #tpu.memory_space<vmem>>) dst(%dma_wait3A_64 : memref<32768xf32, #tpu.memory_space<hbm>>)
    return
  }
}

</mosaic_0001>

<sc_bundles>
// kernel: kernel.3.cloned.1.call-start
scs
__scs_entry_jumppad:
0x0: {  	(pc) =	sbr.rel $0x88, $3  }
0x1: {  	(tag) =	ssettag $0x0;
	lr =	simm.s32 $0x1  }
0x2: {  	[smem:$0x3F9F] =	sst lr;
	_ =	strace $0xD0000000  }
0x3: {  	_ = 	snop  }
0x4: {  	_ = 	snop  }
0x5: {  	_ = 	snop  }
0x6: {  	_ = 	snop  }
0x7: {  	_ = 	snop  }
__scs_overlays_trampoline_lowered:
0x8: {  	[smem:$0x3FAE] =	sst s0  }
0x9: {  	[smem:$0x3FAF] =	sst s1  }
0xa: {  	[smem:$0x3FB0] =	sst s2  }
0xb: {  	[smem:$0x3FB1] =	sst s3  }
0xc: {  	[smem:$0x3FB2] =	sst s4  }
0xd: {  	[smem:$0x3FB3] =	sst s5  }
0xe: {  	[smem:$0x3FB4] =	sst s6  }
0xf: {  	[smem:$0x3FB5] =	sst s7  }
0x10: {  	[smem:$0x3FB6] =	sst s8  }
0x11: {  	[smem:$0x3FB7] =	sst s9;
	s0 =	simm.s32 @!p0 $0x0  }
0x12: {  	s1 =	sld [smem:$0x3F9D];
	s0 =	simm.s32 @p0 $0x1  }
0x13: {  	[smem:$0x3FB8] =	sst s0;
	s0 =	simm.s32 @!p1 $0x0  }
0x14: {  	s2 =	sld [smem:$0x3F9C];
	s0 =	simm.s32 @p1 $0x1  }
0x15: {  	[smem:$0x3FB9] =	sst s0;
	s0 =	simm.s32 @!p2 $0x0  }
0x16: {  	s3 =	sld [smem:$0x3FDB];
	s0 =	simm.s32 @p2 $0x1  }
0x17: {  	s4 =	simm.s32 $0x1BF5;
	[smem:$0x3FBB] =	sst s0  }
0x18: {  	s0 =	sld [smem:$0x3F9E];
	_ =	swait.ge [sflag:s4], $0x0  }
0x19: {  	s7 =	sld [smem:$0x3F9F]  }
0x1a: {  	s8 =	sadd.s32 $0xFFFFE003, lr  }
0x1b: {  	s9 =	sadd.s32 $0xFFFFFEF7, lr;
	s5 =	simm.s32 $0xFFFFFFFF;
	p2 =	slt.u32 s8, $0xFFFFF086  }
0x1c: {  	p1 =	slt.u32 s9, $0xF7A;
	s5 =	simm.s32 @!p2 $0x0  }
0x1d: {  	s5 =	simm.s32 @p1 $0x1;
	p0 =	seq.s32 s7, s2  }
0x1e: {  	s7 =	smul.u32 @!p0 $0xF7A, s2;
	p2 =	seq.s32 @!p0 s5, $0x0  }
0x1f: {  	s9 =	smul.u32 $0xF7A, s1;
	s8 =	simm.s32 @!p0 $0x1BF5;
	p2 =	por !p2, p0  }
0x20: {  	[sflag:s8] =	ssyncset.s32 @!p0 $0xFFFFF086;
	s6 =	sadd.s32 @!p0 s3, s7;
	s7 =	simm.s32 @!p0 $0x108  }
0x21: {  	s3 =	sadd.s32 s3, s9;
	s6 =	sadd.s32 @!p0 $0x88, s6;
	s7 =	simm.s32 @p2 $0x1082  }
0x22: {  	[simem:s7], [sflag:s8] =	dma.local @!p0 [hbm:s6], $0xF7A  }
0x23: {  	s9 =	sor.u32 $0xD0000000, s2;
	s6 =	simm.s32 $0x108;
	_ =	swait.ge @!p0 [sflag:s8], $0x0  }
0x24: {  	s3 =	sadd.s32 $0x88, s3;
	s6 =	simm.s32 @!p1 $0x1082;
	[sflag:s4] =	ssyncset.s32 $0xFFFFF086  }
0x25: {  	[simem:s6], [sflag:s4] =	dma.local [hbm:s3], $0xF7A  }
0x26: {  	[smem:$0x3F9F] =	sst s1;
	(tag) =	ssettag s2;
	_ =	strace s9  }
0x27: {  	s1 =	sld [smem:$0x3FAF]  }
0x28: {  	s2 =	sld [smem:$0x3FB0]  }
0x29: {  	s4 =	sld [smem:$0x3FB2]  }
0x2a: {  	p0 =	seq.s32 s5, $0x0;
	s5 =	sld [smem:$0x3FB3]  }
0x2b: {  	s6 =	sld [smem:$0x3FB4]  }
0x2c: {  	s7 =	sld [smem:$0x3FB5]  }
0x2d: {  	s3 =	simm.s32 $0x108;
	s8 =	sld [smem:$0x3FB6]  }
0x2e: {  	s3 =	simm.s32 @!p0 $0x1082;
	s9 =	sld [smem:$0x3FB7]  }
0x2f: {  	lr =	sadd.s32 s0, s3;
	s0 =	sld [smem:$0x3FAE]  }
0x30: {  	s3 =	sld [smem:$0x3FB1]  }
0x31: {  	[smem:$0x3FBA] =	sst s10  }
0x32: {  	s10 =	sld [smem:$0x3FB8];
	_ =	sdelay $0x3  }
0x33: {  	p0 =	seq.s32 s10, $0x1;
	s10 =	sld [smem:$0x3FBA];
	_ =	sdelay $0x3  }
0x34: {  	[smem:$0x3FBA] =	sst s10  }
0x35: {  	s10 =	sld [smem:$0x3FB9];
	_ =	sdelay $0x3  }
0x36: {  	p1 =	seq.s32 s10, $0x1;
	s10 =	sld [smem:$0x3FBA];
	_ =	sdelay $0x3  }
0x37: {  	[smem:$0x3FBA] =	sst s10  }
0x38: {  	s10 =	sld [smem:$0x3FBB]  }
0x39: {  	_ = 	snop;
	(pc) =	sbr.ind lr, $3  }
0x3a: {  	_ = 	snop  }
0x3b: {  	_ = 	snop  }
0x3c: {  	p2 =	seq.s32 s10, $0x1;
	s10 =	sld [smem:$0x3FBA]  }
0x3d: {  	_ =	shalt  }
0x3e: {  	_ =	shalt  }
0x3f: {  	_ =	shalt  }
0x40: {  	_ =	shalt  }
0x41: {  	_ =	shalt  }
0x42: {  	_ =	shalt  }
0x43: {  	_ =	shalt  }
0x44: {  	_ =	shalt  }
0x45: {  	_ =	shalt  }
0x46: {  	_ =	shalt  }
0x47: {  	_ =	shalt  }
0x48: {  	_ =	shalt  }
0x49: {  	_ =	shalt  }
0x4a: {  	_ =	shalt  }
0x4b: {  	_ =	shalt  }
0x4c: {  	_ =	shalt  }
0x4d: {  	_ =	shalt  }
0x4e: {  	_ =	shalt  }
0x4f: {  	_ =	shalt  }
0x50: {  	_ =	shalt  }
0x51: {  	_ =	shalt  }
0x52: {  	_ =	shalt  }
0x53: {  	_ =	shalt  }
0x54: {  	_ =	shalt  }
0x55: {  	_ =	shalt  }
0x56: {  	_ =	shalt  }
0x57: {  	_ =	shalt  }
0x58: {  	_ =	shalt  }
0x59: {  	_ =	shalt  }
0x5a: {  	_ =	shalt  }
0x5b: {  	_ =	shalt  }
0x5c: {  	_ =	shalt  }
0x5d: {  	_ =	shalt  }
0x5e: {  	_ =	shalt  }
0x5f: {  	_ =	shalt  }
0x60: {  	_ =	shalt  }
0x61: {  	_ =	shalt  }
0x62: {  	_ =	shalt  }
0x63: {  	_ =	shalt  }
0x64: {  	_ =	shalt  }
0x65: {  	_ =	shalt  }
0x66: {  	_ =	shalt  }
0x67: {  	_ =	shalt  }
0x68: {  	_ =	shalt  }
0x69: {  	_ =	shalt  }
0x6a: {  	_ =	shalt  }
0x6b: {  	_ =	shalt  }
0x6c: {  	_ =	shalt  }
0x6d: {  	_ =	shalt  }
0x6e: {  	_ =	shalt  }
0x6f: {  	_ =	shalt  }
0x70: {  	_ =	shalt  }
0x71: {  	_ =	shalt  }
0x72: {  	_ =	shalt  }
0x73: {  	_ =	shalt  }
0x74: {  	_ =	shalt  }
0x75: {  	_ =	shalt  }
0x76: {  	_ =	shalt  }
0x77: {  	_ =	shalt  }
0x78: {  	_ =	shalt  }
0x79: {  	_ =	shalt  }
0x7a: {  	_ =	shalt  }
0x7b: {  	_ =	shalt  }
0x7c: {  	_ =	shalt  }
0x7d: {  	_ =	shalt  }
0x7e: {  	_ =	shalt  }
0x7f: {  	_ =	shalt  }
0x80: {  	_ =	shalt  }
0x81: {  	_ =	shalt  }
0x82: {  	_ =	shalt  }
0x83: {  	_ =	shalt  }
0x84: {  	_ =	shalt  }
0x85: {  	_ =	shalt  }
0x86: {  	_ =	shalt  }
0x87: {  	_ =	shalt  }
.Lfunc_end0:
.L_simem_size_0:
called_computation_lowered:
.L_overlay_start_0:
0x88: {  	s2 =	sld [smem:$0x3FD9]  }
0x89: {  	s3 =	sld [smem:$0x3FFE];
	_ =	sdelay $0x1  }
0x8a: {  	s1 =	srdreg.scid  }
0x8b: {  	s0 =	sand.u32 $0x1, s1  }
0x8c: {  	s17 =	sshll.u32 s0, $0xA;
	s2 =	sadd.s32 s3, s2  }
0x8d: {  	s2 =	sadd.s32 s2, s17  }
0x8e: {  	[smem:$0x3FC6] =	sst s2  }
0x8f: {  	_ = 	snop  }
0x90: {  	s2 =	sld [smem:$0x3FD0];
	(tm) =	ssettm $0x1  }
0x91: {  	s18 =	sld [smem:$0x3FFB];
	_ =	sdelay $0x3  }
0x92: {  	_ =	strace s18  }
0x93: {  	s3 =	sld [smem:$0x3FFC];
	_ =	sdelay $0x3  }
0x94: {  	_ =	strace s3  }
0x95: {  	s3 =	sld [smem:$0x3FFD];
	_ =	sdelay $0x3  }
0x96: {  	_ =	strace s3  }
0x97: {  	_ =	strace $0x8FFFFFFF  }
0x98: {  	s19 =	sld [smem:$0x3FDB];
	_ =	sdelay $0x1  }
0x99: {  	s4 =	simm.s32 $_scs_section_size  }
0x9a: {  	s5 =	simm.s32 $_size__tile_overlayer_lowered;
	s6 =	simm.s32 $_tile_overlayer_lowered  }
0x9b: {  	s22 =	simm.s32 $0x1BFF;
	s21 =	sshll.u32 s6, $0x1;
	s3 =	sadd.s32 s4, s19  }
0x9c: {  	s7 =	simm.s32 $0x0;
	s20 =	sshll.u32 s5, $0x1;
	s5 =	sadd.s32 s21, s3  }
0x9d: {  	[timem:s7], [sflag:s22] =	dma.local [hbm:s5], s20  }
0x9e: {  	_ =	swait.ge [sflag:s22], s20  }
0x9f: {  	s4 =	ssub.s32 $0x0, s20;
	[sflag:s22] =	ssyncset.done $0x0  }
0xa0: {  	[sflag:s22] =	ssyncadd.s32 s4;
	_ =	sdelay $0x1  }
0xa1: {  	s23 =	simm.s32 $0x1B8B  }
0xa2: {  	_ =	swait.ge [sflag:s23], $0x1  }
0xa3: {  	[sflag:s23] =	ssyncset.done $0x0  }
0xa4: {  	s25 =	simm.s32 $0x1B8E;
	s24 =	sld [smem:$0x3FFE];
	[sflag:s23] =	ssyncadd.s32 $0xFFFFFFFF  }
0xa5: {  	s26 =	simm.s32 $execute0_lowered;
	[smem:$0x3FD2] =	sst s25  }
0xa6: {  	s5 =	sshll.u32 s26, $0x1;
	_ =	strace $0x80000046;
	[dreg:$0x1] =	wrdreg $0xFFFFFFFF  }
0xa7: {  	s28 =	simm.s32 $_size_execute0_lowered;
	s3 =	sadd.s32 s3, s5;
	[dreg:$0x0] =	wrdreg $0x0  }
0xa8: {  	s5 =	sshll.u32 s28, $0x1;
	[dreg:$0x2] =	wrdreg s3  }
0xa9: {  	[dreg:$0x3] =	wrdreg s5  }
0xaa: {  	[dreg:$0x4] =	wrdreg $0xC0  }
0xab: {  	_ =	task [dreg:s7], $0x5FFFF  }
0xac: {  	[dreg:$0x1] =	wrdreg $0xFFFFFFFF  }
0xad: {  	[dreg:$0x0] =	wrdreg $0x60  }
0xae: {  	[dreg:$0x2] =	wrdreg s24  }
0xaf: {  	[dreg:$0x3] =	wrdreg s2  }
0xb0: {  	[dreg:$0x4] =	wrdreg $0x9  }
0xb1: {  	_ =	task.clear_ibuf [dreg:s7], $0x5FFFF;
	_ =	strace $0x90000046  }
0xb2: {  	s29 =	simm.s32 $0x9;
	_ =	strace $0x80000048  }
0xb3: {  	_ =	swait.ge [sflag:s29], $0x1  }
0xb4: {  	[sflag:s29] =	ssyncadd.s32 $0xFFFFFFFF  }
0xb5: {  	_ =	strace $0x90000048  }
0xb6: {  	_ =	sfence  }
0xb7: {  	s30 =	sld [smem:$0x0];
	_ =	sdelay $0x2  }
0xb8: {  	s31 =	sshll.u32 s1, $0xD;
	s1 =	sshrl.u32 s1, $0x2  }
0xb9: {  	s3 =	sand.u32 $0x4000, s31;
	s1 =	sadd.s32 s1, s30  }
0xba: {  	s0 =	sor.u32 s3, s0;
	s1 =	sshll.u32 s1, $0x11  }
0xbb: {  	s0 =	sor.u32 s1, s0  }
0xbc: {  	s0 =	sadd.s32 $0x8F2B, s0  }
0xbd: {  	[sflag:s0] =	ssyncadd.remote.s32 $0x1  }
0xbe: {  	_ =	sfence.sel $0xFFFF  }
0xbf: {  	[dreg:$0x0] =	wrdreg $0xFFFFFFFF;
	(pc) =	sbr.abs _section_cstart, $3  }
0xc0: {  	[dreg:$0x1] =	wrdreg $0xFFFFFFFF  }
0xc1: {  	_ =	task.clear_ibuf [dreg:s7], $0x2FFFF;
	_ =	strace $0x9FFFFFFF  }
0xc2: {  	(tm) =	ssettm $0x7FFFFFFF  }
0xc3: {  	_ =	shalt  }
tec
execute0_lowered:
.L_overlay_start_1:
0x0: {  	(tag) =	ssettag $0x1  }
0x1: {  	s0 =	srdreg.scid;
	s2 =	stileid.u32  }
0x2: {  	s6 =	rddreg [dreg:$0x0];
	s0 =	sand.u32 $0x1, s0;
	s1 =	sshll.u32 s2, $0x1  }
0x3: {  	s11 =	rddreg [dreg:$0x1];
	s4 =	simm.s32 $0x0;
	s1 =	sor.u32 s0, s1  }
0x4: {  	s16 =	simm.s32 $0x1;
	s17 =	simm.s32 $0x3E8;
	s3 =	smul.u32 $0x4E, s1  }
0x5: {  	s18 =	simm.s32 $0x7D0;
	s19 =	simm.s32 $0xBB8;
	s1 =	smin.u32 s1, $0x4  }
0x6: {  	s20 =	simm.s32 $0xFA0;
	s21 =	simm.s32 $0x1388;
	s3 =	sadd.s32 s1, s3  }
0x7: {  	s22 =	simm.s32 $0x1770;
	s23 =	simm.s32 $0x1B58;
	s1 =	smul.u32 $0xCCD, s3  }
0x8: {  	s25 =	simm.s32 $0x3;
	[smem:$0x7FF] =	sst s4;
	s7 =	sadd.s32 $0x1, s3  }
0x9: {  	s0 =	ssub.s32 $0x2, s0;
	s5 =	smul.u32 $0xCCCD, s7;
	s1 =	sshrl.u32 s1, $0x10  }
0xa: {  	p0 =	slt.u32 s2, $0x2;
	s9 =	sshrl.u32 s0, $0x1;
	s1 =	smul.u32 $0x14, s1  }
0xb: {  	_ =	strace $0x80000047;
	s0 =	ssub.s32 s0, s9;
	s8 =	sshrl.u32 s5, $0x14  }
0xc: {  	s0 =	smax.u32 s0, $0x1;
	s8 =	smul.u32 $0x14, s8;
	s1 =	ssub.s32 s3, s1  }
0xd: {  	[dreg:$0x7] =	wrdreg s0;
	s5 =	sadd.s32 $0x200, s6;
	s1 =	sshll.u32 s1, $0x8  }
0xe: {  	s8 =	ssub.s32 s7, s8;
	s7 =	simm.s32 $0x4F;
	s1 =	sand.u32 $0xFF00, s1  }
.Ltmp0:
0xf: {  	s7 =	simm.s32 @!p0 $0x4E;
	s1 =	sadd.s32 s1, s5;
	(pc) =	sbr.rel .LBB2_1-.Ltmp0, $4  }
0x10: {  	s8 =	sshll.u32 s8, $0x8;
	s30 =	sadd.s32 $0xFFFFFFFE, s7;
	[dreg:$0x3] =	wrdreg s1  }
0x11: {  	s29 =	sand.u32 $0xFF00, s8;
	s31 =	sadd.s32 $0xFFFFFFFD, s7;
	[dreg:$0x5] =	wrdreg s30  }
0x12: {  	s26 =	simm.s32 $0x2;
	s1 =	sadd.s32 s29, s5;
	[dreg:$0x6] =	wrdreg s31  }
0x13: {  	s2 =	simm.s32 $0x0;
	s6 =	sadd.s32 $0x1600, s6;
	[dreg:$0x4] =	wrdreg s1  }
.LBB2_15:
0x14: {  	_ =	swait.ge [sflag:s25], $0x8000  }
0x15: {  	[sflag:s25] =	ssyncset.done $0x0  }
0x16: {  	s1 =	simm.s32 $0x4;
	[sflag:s25] =	ssyncadd.s32 $0xFFFF8000  }
0x17: {  	_ =	swait.ge [sflag:s1], $0x8000  }
0x18: {  	s2 =	rddreg [dreg:$0x8]  }
0x19: {  	s0 =	rddreg [dreg:$0x7];
	s2 =	sadd.s32 $0x1, s2  }
0x1a: {  	p0 =	sne.s32 s2, s0  }
.Ltmp1:
0x1b: {  	_ = 	snop;
	(pc) =	sbr.rel @!p0 .LBB2_16-.Ltmp1, $3  }
0x1c: {  	_ =	sdelay $0x1  }
0x1d: {  	[sflag:s1] =	ssyncset.done $0x0  }
0x1e: {  	[sflag:s1] =	ssyncadd.s32 $0xFFFF8000  }
.LBB2_1:
.Ltmp2:
0x1f: {  	[dreg:$0x8] =	wrdreg s2;
	(pc) =	sbr.rel .LBB2_2-.Ltmp2, $4  }
0x20: {  	s0 =	rddreg [dreg:$0x3];
	s1 =	simm.s32 $0x1F40  }
0x21: {  	[tilespmem:s1], [sflag:$0x1] =	stream.linear.gather [hbm4b:s0+s4], $0x800, $0x38;
	[tilespmem:$0x12F40] =	vst v63  }
0x22: {  	s29 =	rddreg [dreg:$0x4];
	s30 =	simm.s32 $0x2740;
	s31 =	simm.s32 $0x0  }
0x23: {  	[tilespmem:s30], [sflag:$0x2] =	stream.linear.gather [hbm4b:s29+s4], $0x800, $0x38;
	[tilespmem:$0x12F40] =	vst v63  }
.LBB2_14:
0x24: {  	s31 =	sadd.s32 $0x1, s31  }
0x25: {  	p0 =	sne.s32 s31, $0x28  }
.Ltmp3:
0x26: {  	_ = 	snop;
	(pc) =	sbr.rel @!p0 .LBB2_15-.Ltmp3, $1  }
0x27: {  	_ =	sdelay $0x3  }
.LBB2_2:
0x28: {  	s1 =	sshll.u32 s31, $0x1  }
0x29: {  	p0 =	sge.u32 s1, s7  }
.Ltmp4:
0x2a: {  	_ = 	snop;
	(pc) =	sbr.rel @p0 .LBB2_10-.Ltmp4, $1  }
0x2b: {  	_ =	sdelay $0x3  }
0x2c: {  	s0 =	sadd.s32 s3, s1  }
0x2d: {  	s8 =	smulhi.u32 $0x66666667, s0;
	_ =	sdelay $0x1  }
0x2e: {  	s13 =	sshrl.u32 s8, $0x3  }
0x2f: {  	s8 =	smul.u32 $0xFFFFFFEC, s13;
	_ =	sdelay $0x1  }
0x30: {  	p0 =	seq.s32 s31, $0x0;
	s14 =	sadd.s32 s0, s8  }
0x31: {  	p1 =	seq.s32 @!p0 s14, $0x0  }
0x32: {  	p1 =	por p0, p1  }
.Ltmp5:
0x33: {  	_ = 	snop;
	(pc) =	sbr.rel @p1 .LBB2_5-.Ltmp5, $1  }
0x34: {  	_ =	sdelay $0x3  }
.Ltmp6:
0x35: {  	(pc) =	sbr.rel .LBB2_6-.Ltmp6, $4  }
0x36: {  	_ = 	snop  }
0x37: {  	_ =	swait.ge [sflag:s16], $0x800  }
0x38: {  	[sflag:s16] =	ssyncset.done $0x0  }
0x39: {  	[sflag:s16] =	ssyncadd.s32 $0xFFFFF800  }
.LBB2_5:
0x3a: {  	s8 =	smul.u32 $0x3E8, s13;
	_ =	sdelay $0x1  }
0x3b: {  	s2 =	simm.s32 $0x5;
	s8 =	sadd.s32 s6, s8  }
0x3c: {  	[tilespmem:s4], [sflag:$0x5] =	stream.linear.gather [hbm4b:s8+s4], $0x1F40, $0x38;
	[tilespmem:$0x12F40] =	vst v63  }
0x3d: {  	_ =	swait.ge [sflag:s2], $0x1F40  }
.Ltmp7:
0x3e: {  	[sflag:s2] =	ssyncset.done $0x0;
	(pc) =	sbr.rel @p0 .LBB2_7-.Ltmp7, $4  }
0x3f: {  	[sflag:s2] =	ssyncadd.s32 $0xFFFFE0C0  }
0x40: {  	_ =	swait.ge [sflag:s16], $0x800  }
0x41: {  	[sflag:s16] =	ssyncset.done $0x0  }
0x42: {  	[sflag:s16] =	ssyncadd.s32 $0xFFFFF800  }
.LBB2_6:
0x43: {  	_ =	swait.ge [sflag:s25], $0x8000  }
0x44: {  	[sflag:s25] =	ssyncset.done $0x0  }
0x45: {  	[sflag:s25] =	ssyncadd.s32 $0xFFFF8000  }
.LBB2_7:
0x46: {  	s8 =	simm.s32 $0x0  }
.LBB2_8:
0x47: {  	s9 =	sshll.u32 s8, $0x6  }
0x48: {  	s15 =	sand.u32 $0x3FFFFFC0, s9  }
0x49: {  	v0 =	vld [tilespmem:s15+$0x1F40];
	_ =	sdelay $0x4  }
0x4a: {  	v1 =	vand.u32 $0xFFFF, v0;
	_ =	sdelay $0x4  }
0x4b: {  	v2 =	vld.idx.msk [tilespmem:v1+s4+$0x0], $0xffff  }
0x4c: {  	v3 =	vld.idx.msk [tilespmem:v1+s17+$0x0], $0xffff  }
0x4d: {  	v4 =	vld.idx.msk [tilespmem:v1+s18+$0x0], $0xffff  }
0x4e: {  	v5 =	vld.idx.msk [tilespmem:v1+s19+$0x0], $0xffff  }
0x4f: {  	v6 =	vld.idx.msk [tilespmem:v1+s20+$0x0], $0xffff  }
0x50: {  	s24 =	sshll.u32 s8, $0xA;
	v7 =	vld.idx.msk [tilespmem:v1+s21+$0x0], $0xffff  }
0x51: {  	s9 =	sand.u32 $0x3FFFFC00, s24;
	v8 =	vld.idx.msk [tilespmem:v1+s22+$0x0], $0xffff  }
0x52: {  	v1 =	vld.idx.msk [tilespmem:v1+s23+$0x0], $0xffff;
	[tilespmem:s9+$0x2F40] =	vst v2  }
0x53: {  	[tilespmem:s9+$0x2FC0] =	vst v3  }
0x54: {  	[tilespmem:s9+$0x3040] =	vst v4  }
0x55: {  	v0 =	vshrl.u32 v0, $0x10;
	[tilespmem:s9+$0x30C0] =	vst v5  }
0x56: {  	[tilespmem:s9+$0x3140] =	vst v6  }
0x57: {  	[tilespmem:s9+$0x31C0] =	vst v7  }
0x58: {  	[tilespmem:s9+$0x3240] =	vst v8  }
0x59: {  	[tilespmem:s9+$0x32C0] =	vst v1  }
0x5a: {  	v1 =	vld.idx.msk [tilespmem:v0+s4+$0x0], $0xffff  }
0x5b: {  	v2 =	vld.idx.msk [tilespmem:v0+s17+$0x0], $0xffff  }
0x5c: {  	v3 =	vld.idx.msk [tilespmem:v0+s18+$0x0], $0xffff  }
0x5d: {  	v4 =	vld.idx.msk [tilespmem:v0+s19+$0x0], $0xffff  }
0x5e: {  	v5 =	vld.idx.msk [tilespmem:v0+s20+$0x0], $0xffff  }
0x5f: {  	v6 =	vld.idx.msk [tilespmem:v0+s21+$0x0], $0xffff  }
0x60: {  	v7 =	vld.idx.msk [tilespmem:v0+s22+$0x0], $0xffff  }
0x61: {  	v0 =	vld.idx.msk [tilespmem:v0+s23+$0x0], $0xffff;
	[tilespmem:s9+$0x2F50] =	vst v1  }
0x62: {  	[tilespmem:s9+$0x2FD0] =	vst v2  }
0x63: {  	[tilespmem:s9+$0x3050] =	vst v3  }
0x64: {  	[tilespmem:s9+$0x30D0] =	vst v4  }
0x65: {  	[tilespmem:s9+$0x3150] =	vst v5  }
0x66: {  	[tilespmem:s9+$0x31D0] =	vst v6  }
0x67: {  	[tilespmem:s9+$0x3250] =	vst v7  }
0x68: {  	[tilespmem:s9+$0x32D0] =	vst v0  }
0x69: {  	v0 =	vld [tilespmem:s15+$0x1F50];
	_ =	sdelay $0x4  }
0x6a: {  	s12 =	sor.u32 $0x1, s8;
	v30 =	vand.u32 $0xFFFF, v0  }
0x6b: {  	s24 =	sshll.u32 s12, $0x6  }
0x6c: {  	s29 =	sand.u32 $0x3FFFFFC0, s24  }
0x6d: {  	v31 =	vld [tilespmem:s29+$0x1F40];
	_ =	sdelay $0x1  }
0x6e: {  	v32 =	vld.idx.msk [tilespmem:v30+s4+$0x0], $0xffff  }
0x6f: {  	v4 =	vld.idx.msk [tilespmem:v30+s17+$0x0], $0xffff  }
0x70: {  	v5 =	vld.idx.msk [tilespmem:v30+s18+$0x0], $0xffff  }
0x71: {  	v33 =	vand.u32 $0xFFFF, v31;
	v6 =	vld.idx.msk [tilespmem:v30+s19+$0x0], $0xffff  }
0x72: {  	v34 =	vld.idx.msk [tilespmem:v30+s20+$0x0], $0xffff  }
0x73: {  	v9 =	vld.idx.msk [tilespmem:v30+s21+$0x0], $0xffff  }
0x74: {  	v10 =	vld.idx.msk [tilespmem:v30+s22+$0x0], $0xffff  }
0x75: {  	v1 =	vld.idx.msk [tilespmem:v30+s23+$0x0], $0xffff  }
0x76: {  	v35 =	vld.idx.msk [tilespmem:v33+s4+$0x0], $0xffff;
	[tilespmem:s9+$0x2F60] =	vst v32  }
0x77: {  	v36 =	vld.idx.msk [tilespmem:v33+s17+$0x0], $0xffff;
	[tilespmem:s9+$0x2FE0] =	vst v4  }
0x78: {  	v37 =	vld.idx.msk [tilespmem:v33+s18+$0x0], $0xffff;
	[tilespmem:s9+$0x3060] =	vst v5  }
0x79: {  	v38 =	vld.idx.msk [tilespmem:v33+s19+$0x0], $0xffff;
	[tilespmem:s9+$0x30E0] =	vst v6  }
0x7a: {  	v0 =	vshrl.u32 v0, $0x10;
	v39 =	vld.idx.msk [tilespmem:v33+s20+$0x0], $0xffff;
	[tilespmem:s9+$0x3160] =	vst v34  }
0x7b: {  	s30 =	sor.u32 $0x2, s8;
	v40 =	vld.idx.msk [tilespmem:v33+s21+$0x0], $0xffff;
	[tilespmem:s9+$0x31E0] =	vst v9  }
0x7c: {  	s12 =	sshll.u32 s12, $0xA;
	s28 =	sshll.u32 s30, $0x6;
	v41 =	vld.idx.msk [tilespmem:v33+s22+$0x0], $0xffff;
	[tilespmem:s9+$0x3260] =	vst v10  }
0x7d: {  	s12 =	sand.u32 $0x3FFFFC00, s12;
	s24 =	sand.u32 $0x3FFFFFC0, s28;
	v42 =	vld.idx.msk [tilespmem:v33+s23+$0x0], $0xffff;
	[tilespmem:s9+$0x32E0] =	vst v1  }
0x7e: {  	[tilespmem:s12+$0x2FC0] =	vst v36;
	v36 =	vld [tilespmem:s24+$0x1F40]  }
0x7f: {  	[tilespmem:s12+$0x2F40] =	vst v35;
	v43 =	vld.idx.msk [tilespmem:v0+s4+$0x0], $0xffff  }
0x80: {  	[tilespmem:s12+$0x3040] =	vst v37;
	v44 =	vld.idx.msk [tilespmem:v0+s17+$0x0], $0xffff  }
0x81: {  	[tilespmem:s12+$0x30C0] =	vst v38;
	v45 =	vld.idx.msk [tilespmem:v0+s18+$0x0], $0xffff  }
0x82: {  	v2 =	vshrl.u32 v31, $0x10;
	[tilespmem:s12+$0x3140] =	vst v39;
	v46 =	vld.idx.msk [tilespmem:v0+s19+$0x0], $0xffff  }
0x83: {  	[tilespmem:s12+$0x31C0] =	vst v40;
	v47 =	vld.idx.msk [tilespmem:v0+s20+$0x0], $0xffff  }
0x84: {  	[tilespmem:s12+$0x3240] =	vst v41;
	v48 =	vld.idx.msk [tilespmem:v0+s21+$0x0], $0xffff  }
0x85: {  	[tilespmem:s12+$0x32C0] =	vst v42;
	v49 =	vld.idx.msk [tilespmem:v0+s22+$0x0], $0xffff  }
0x86: {  	v0 =	vld.idx.msk [tilespmem:v0+s23+$0x0], $0xffff;
	[tilespmem:s9+$0x2F70] =	vst v43  }
0x87: {  	v1 =	vld.idx.msk [tilespmem:v2+s4+$0x0], $0xffff;
	[tilespmem:s9+$0x2FF0] =	vst v44  }
0x88: {  	v50 =	vld.idx.msk [tilespmem:v2+s17+$0x0], $0xffff;
	[tilespmem:s9+$0x3070] =	vst v45  }
0x89: {  	v51 =	vld.idx.msk [tilespmem:v2+s18+$0x0], $0xffff;
	[tilespmem:s9+$0x30F0] =	vst v46  }
0x8a: {  	v52 =	vld.idx.msk [tilespmem:v2+s19+$0x0], $0xffff;
	[tilespmem:s9+$0x3170] =	vst v47  }
0x8b: {  	v53 =	vld.idx.msk [tilespmem:v2+s20+$0x0], $0xffff;
	[tilespmem:s9+$0x31F0] =	vst v48  }
0x8c: {  	v54 =	vld.idx.msk [tilespmem:v2+s21+$0x0], $0xffff;
	[tilespmem:s9+$0x3270] =	vst v49  }
0x8d: {  	v55 =	vld.idx.msk [tilespmem:v2+s22+$0x0], $0xffff;
	[tilespmem:s9+$0x32F0] =	vst v0  }
0x8e: {  	v56 =	vld.idx.msk [tilespmem:v2+s23+$0x0], $0xffff;
	[tilespmem:s12+$0x2F50] =	vst v1  }
0x8f: {  	[tilespmem:s12+$0x2FD0] =	vst v50  }
0x90: {  	[tilespmem:s12+$0x3050] =	vst v51  }
0x91: {  	s2 =	sor.u32 $0x3, s8;
	[tilespmem:s12+$0x30D0] =	vst v52  }
0x92: {  	s28 =	sshll.u32 s2, $0x6;
	v37 =	vand.u32 $0xFFFF, v36;
	[tilespmem:s12+$0x3150] =	vst v53  }
0x93: {  	s28 =	sand.u32 $0x3FFFFFC0, s28;
	[tilespmem:s12+$0x31D0] =	vst v54  }
0x94: {  	v38 =	vld [tilespmem:s28+$0x1F40];
	[tilespmem:s12+$0x3250] =	vst v55  }
0x95: {  	[tilespmem:s12+$0x32D0] =	vst v56;
	v57 =	vld [tilespmem:s15+$0x1F60]  }
0x96: {  	v0 =	vld [tilespmem:s29+$0x1F50]  }
0x97: {  	v39 =	vld.idx.msk [tilespmem:v37+s4+$0x0], $0xffff  }
0x98: {  	v40 =	vld.idx.msk [tilespmem:v37+s17+$0x0], $0xffff  }
0x99: {  	v43 =	vand.u32 $0xFFFF, v38;
	v41 =	vld.idx.msk [tilespmem:v37+s18+$0x0], $0xffff  }
0x9a: {  	v42 =	vld.idx.msk [tilespmem:v37+s19+$0x0], $0xffff  }
0x9b: {  	v44 =	vld.idx.msk [tilespmem:v37+s20+$0x0], $0xffff  }
0x9c: {  	v11 =	vld.idx.msk [tilespmem:v37+s21+$0x0], $0xffff  }
0x9d: {  	v3 =	vld.idx.msk [tilespmem:v37+s23+$0x0], $0xffff  }
0x9e: {  	v45 =	vld.idx.msk [tilespmem:v43+s4+$0x0], $0xffff  }
0x9f: {  	v46 =	vld.idx.msk [tilespmem:v43+s17+$0x0], $0xffff  }
0xa0: {  	v47 =	vld.idx.msk [tilespmem:v43+s18+$0x0], $0xffff  }
0xa1: {  	v48 =	vld.idx.msk [tilespmem:v43+s19+$0x0], $0xffff;
	v58 =	vand.u32 $0xFFFF, v57  }
0xa2: {  	v49 =	vld.idx.msk [tilespmem:v43+s20+$0x0], $0xffff  }
0xa3: {  	v50 =	vld.idx.msk [tilespmem:v43+s21+$0x0], $0xffff  }
0xa4: {  	v51 =	vld.idx.msk [tilespmem:v43+s22+$0x0], $0xffff  }
0xa5: {  	v52 =	vld.idx.msk [tilespmem:v43+s23+$0x0], $0xffff  }
0xa6: {  	v59 =	vld.idx.msk [tilespmem:v58+s4+$0x0], $0xffff  }
0xa7: {  	s2 =	sshll.u32 s2, $0xA;
	v60 =	vld.idx.msk [tilespmem:v58+s17+$0x0], $0xffff  }
0xa8: {  	s10 =	sand.u32 $0x3FFFFC00, s2;
	v61 =	vld.idx.msk [tilespmem:v58+s18+$0x0], $0xffff  }
0xa9: {  	v63 =	vand.u32 $0xFFFF, v0;
	[tilespmem:s10+$0x2F40] =	vst v45;
	v62 =	vld.idx.msk [tilespmem:v58+s19+$0x0], $0xffff  }
0xaa: {  	[tilespmem:s10+$0x2FC0] =	vst v46;
	v12 =	vld.idx.msk [tilespmem:v58+s20+$0x0], $0xffff  }
0xab: {  	[tilespmem:s10+$0x3040] =	vst v47;
	v9 =	vld.idx.msk [tilespmem:v58+s21+$0x0], $0xffff  }
0xac: {  	[tilespmem:s10+$0x30C0] =	vst v48;
	v13 =	vld.idx.msk [tilespmem:v58+s22+$0x0], $0xffff  }
0xad: {  	[tilespmem:s10+$0x3140] =	vst v49;
	v1 =	vld.idx.msk [tilespmem:v58+s23+$0x0], $0xffff  }
0xae: {  	[tilespmem:s10+$0x31C0] =	vst v50;
	v14 =	vld.idx.msk [tilespmem:v63+s4+$0x0], $0xffff  }
0xaf: {  	[tilespmem:s10+$0x3240] =	vst v51;
	v15 =	vld.idx.msk [tilespmem:v63+s17+$0x0], $0xffff  }
0xb0: {  	[tilespmem:s10+$0x32C0] =	vst v52;
	v16 =	vld.idx.msk [tilespmem:v63+s18+$0x0], $0xffff  }
0xb1: {  	v17 =	vld.idx.msk [tilespmem:v63+s19+$0x0], $0xffff;
	[tilespmem:s9+$0x2F80] =	vst v59  }
0xb2: {  	v4 =	vshrl.u32 v38, $0x10;
	v18 =	vld.idx.msk [tilespmem:v63+s20+$0x0], $0xffff;
	[tilespmem:s9+$0x3000] =	vst v60  }
0xb3: {  	v19 =	vld.idx.msk [tilespmem:v63+s21+$0x0], $0xffff;
	[tilespmem:s9+$0x3080] =	vst v61  }
0xb4: {  	v20 =	vld.idx.msk [tilespmem:v63+s22+$0x0], $0xffff;
	[tilespmem:s9+$0x3100] =	vst v62  }
0xb5: {  	s30 =	sshll.u32 s30, $0xA;
	v21 =	vld.idx.msk [tilespmem:v63+s23+$0x0], $0xffff;
	[tilespmem:s9+$0x3180] =	vst v12  }
0xb6: {  	s30 =	sand.u32 $0x3FFFFC00, s30;
	[tilespmem:s9+$0x3200] =	vst v9;
	v12 =	vld.idx.msk [tilespmem:v37+s22+$0x0], $0xffff  }
0xb7: {  	[tilespmem:s30+$0x32C0] =	vst v3;
	v3 =	vld.idx.msk [tilespmem:v4+s4+$0x0], $0xffff  }
0xb8: {  	[tilespmem:s9+$0x3280] =	vst v13;
	v60 =	vld.idx.msk [tilespmem:v4+s17+$0x0], $0xffff  }
0xb9: {  	[tilespmem:s9+$0x3300] =	vst v1;
	v61 =	vld.idx.msk [tilespmem:v4+s18+$0x0], $0xffff  }
0xba: {  	v2 =	vshrl.u32 v57, $0x10;
	[tilespmem:s12+$0x2F60] =	vst v14;
	v62 =	vld.idx.msk [tilespmem:v4+s19+$0x0], $0xffff  }
0xbb: {  	[tilespmem:s12+$0x2FE0] =	vst v15;
	v15 =	vld.idx.msk [tilespmem:v4+s20+$0x0], $0xffff  }
0xbc: {  	[tilespmem:s12+$0x3060] =	vst v16;
	v16 =	vld.idx.msk [tilespmem:v4+s21+$0x0], $0xffff  }
0xbd: {  	[tilespmem:s12+$0x30E0] =	vst v17;
	v17 =	vld.idx.msk [tilespmem:v4+s22+$0x0], $0xffff  }
0xbe: {  	[tilespmem:s12+$0x3160] =	vst v18;
	v18 =	vld.idx.msk [tilespmem:v4+s23+$0x0], $0xffff  }
0xbf: {  	[tilespmem:s12+$0x31E0] =	vst v19;
	v22 =	vld.idx.msk [tilespmem:v2+s4+$0x0], $0xffff  }
0xc0: {  	[tilespmem:s12+$0x3260] =	vst v20;
	v23 =	vld.idx.msk [tilespmem:v2+s17+$0x0], $0xffff  }
0xc1: {  	[tilespmem:s12+$0x32E0] =	vst v21;
	v24 =	vld.idx.msk [tilespmem:v2+s18+$0x0], $0xffff  }
0xc2: {  	v0 =	vshrl.u32 v0, $0x10;
	[tilespmem:s30+$0x2F40] =	vst v39;
	v25 =	vld.idx.msk [tilespmem:v2+s19+$0x0], $0xffff  }
0xc3: {  	[tilespmem:s30+$0x2FC0] =	vst v40;
	v26 =	vld.idx.msk [tilespmem:v2+s20+$0x0], $0xffff  }
0xc4: {  	[tilespmem:s30+$0x3040] =	vst v41;
	v27 =	vld.idx.msk [tilespmem:v2+s21+$0x0], $0xffff  }
0xc5: {  	[tilespmem:s30+$0x30C0] =	vst v42;
	v28 =	vld.idx.msk [tilespmem:v2+s22+$0x0], $0xffff  }
0xc6: {  	[tilespmem:s30+$0x3140] =	vst v44;
	v2 =	vld.idx.msk [tilespmem:v2+s23+$0x0], $0xffff  }
0xc7: {  	[tilespmem:s30+$0x31C0] =	vst v11;
	v1 =	vld.idx.msk [tilespmem:v0+s4+$0x0], $0xffff  }
0xc8: {  	v29 =	vld.idx.msk [tilespmem:v0+s17+$0x0], $0xffff;
	[tilespmem:s30+$0x3240] =	vst v12  }
0xc9: {  	v30 =	vld.idx.msk [tilespmem:v0+s18+$0x0], $0xffff;
	[tilespmem:s10+$0x2F50] =	vst v3  }
0xca: {  	v31 =	vld.idx.msk [tilespmem:v0+s19+$0x0], $0xffff;
	[tilespmem:s10+$0x2FD0] =	vst v60  }
0xcb: {  	v32 =	vld.idx.msk [tilespmem:v0+s20+$0x0], $0xffff;
	[tilespmem:s10+$0x3050] =	vst v61  }
0xcc: {  	v33 =	vld.idx.msk [tilespmem:v0+s21+$0x0], $0xffff;
	[tilespmem:s10+$0x30D0] =	vst v62  }
0xcd: {  	v34 =	vld.idx.msk [tilespmem:v0+s22+$0x0], $0xffff;
	[tilespmem:s9+$0x3310] =	vst v2  }
0xce: {  	v35 =	vld.idx.msk [tilespmem:v0+s23+$0x0], $0xffff;
	[tilespmem:s12+$0x2F70] =	vst v1  }
0xcf: {  	[tilespmem:s12+$0x2FF0] =	vst v29  }
0xd0: {  	[tilespmem:s12+$0x3070] =	vst v30  }
0xd1: {  	[tilespmem:s12+$0x30F0] =	vst v31  }
0xd2: {  	[tilespmem:s12+$0x3170] =	vst v32  }
0xd3: {  	[tilespmem:s12+$0x31F0] =	vst v33;
	v2 =	vshrl.u32 v36, $0x10  }
0xd4: {  	[tilespmem:s12+$0x3270] =	vst v34  }
0xd5: {  	[tilespmem:s12+$0x32F0] =	vst v35  }
0xd6: {  	[tilespmem:s10+$0x3150] =	vst v15;
	v1 =	vld [tilespmem:s29+$0x1F60]  }
0xd7: {  	[tilespmem:s10+$0x31D0] =	vst v16  }
0xd8: {  	[tilespmem:s10+$0x3250] =	vst v17;
	v53 =	vld.idx.msk [tilespmem:v2+s4+$0x0], $0xffff  }
0xd9: {  	[tilespmem:s10+$0x32D0] =	vst v18;
	v54 =	vld.idx.msk [tilespmem:v2+s17+$0x0], $0xffff  }
0xda: {  	[tilespmem:s9+$0x2F90] =	vst v22;
	v55 =	vld.idx.msk [tilespmem:v2+s18+$0x0], $0xffff  }
0xdb: {  	[tilespmem:s9+$0x3010] =	vst v23;
	v56 =	vld.idx.msk [tilespmem:v2+s19+$0x0], $0xffff;
	v63 =	vand.u32 $0xFFFF, v1  }
0xdc: {  	[tilespmem:s9+$0x3090] =	vst v24;
	v57 =	vld.idx.msk [tilespmem:v2+s20+$0x0], $0xffff  }
0xdd: {  	[tilespmem:s9+$0x3190] =	vst v26;
	v58 =	vld.idx.msk [tilespmem:v2+s21+$0x0], $0xffff  }
0xde: {  	[tilespmem:s9+$0x3210] =	vst v27;
	v59 =	vld.idx.msk [tilespmem:v2+s22+$0x0], $0xffff  }
0xdf: {  	v2 =	vld.idx.msk [tilespmem:v2+s23+$0x0], $0xffff;
	[tilespmem:s30+$0x2F50] =	vst v53  }
0xe0: {  	[tilespmem:s30+$0x2FD0] =	vst v54;
	v20 =	vld.idx.msk [tilespmem:v63+s4+$0x0], $0xffff  }
0xe1: {  	[tilespmem:s30+$0x3050] =	vst v55;
	v21 =	vld.idx.msk [tilespmem:v63+s17+$0x0], $0xffff  }
0xe2: {  	[tilespmem:s30+$0x30D0] =	vst v56;
	v22 =	vld.idx.msk [tilespmem:v63+s18+$0x0], $0xffff  }
0xe3: {  	[tilespmem:s30+$0x3150] =	vst v57;
	v23 =	vld.idx.msk [tilespmem:v63+s19+$0x0], $0xffff  }
0xe4: {  	[tilespmem:s30+$0x31D0] =	vst v58;
	v24 =	vld.idx.msk [tilespmem:v63+s20+$0x0], $0xffff  }
0xe5: {  	[tilespmem:s30+$0x3250] =	vst v59;
	v26 =	vld.idx.msk [tilespmem:v63+s21+$0x0], $0xffff  }
0xe6: {  	[tilespmem:s30+$0x32D0] =	vst v2;
	v27 =	vld.idx.msk [tilespmem:v63+s22+$0x0], $0xffff  }
0xe7: {  	v9 =	vld.idx.msk [tilespmem:v63+s23+$0x0], $0xffff;
	[tilespmem:s12+$0x2F80] =	vst v20  }
0xe8: {  	[tilespmem:s12+$0x3000] =	vst v21  }
0xe9: {  	[tilespmem:s12+$0x3080] =	vst v22  }
0xea: {  	v1 =	vshrl.u32 v1, $0x10;
	[tilespmem:s12+$0x3100] =	vst v23  }
0xeb: {  	[tilespmem:s12+$0x3180] =	vst v24  }
0xec: {  	[tilespmem:s12+$0x3200] =	vst v26  }
0xed: {  	v2 =	vld [tilespmem:s28+$0x1F50];
	[tilespmem:s12+$0x3280] =	vst v27  }
0xee: {  	v19 =	vld [tilespmem:s24+$0x1F50];
	[tilespmem:s12+$0x3300] =	vst v9  }
0xef: {  	v57 =	vld.idx.msk [tilespmem:v1+s4+$0x0], $0xffff  }
0xf0: {  	v58 =	vld.idx.msk [tilespmem:v1+s17+$0x0], $0xffff  }
0xf1: {  	v59 =	vld.idx.msk [tilespmem:v1+s18+$0x0], $0xffff  }
0xf2: {  	v13 =	vand.u32 $0xFFFF, v2;
	v60 =	vld.idx.msk [tilespmem:v1+s19+$0x0], $0xffff  }
0xf3: {  	v61 =	vld.idx.msk [tilespmem:v1+s20+$0x0], $0xffff  }
0xf4: {  	v63 =	vld.idx.msk [tilespmem:v1+s21+$0x0], $0xffff  }
0xf5: {  	[tilespmem:s9+$0x3110] =	vst v25;
	v16 =	vld.idx.msk [tilespmem:v1+s22+$0x0], $0xffff  }
0xf6: {  	[tilespmem:s9+$0x3290] =	vst v28;
	v1 =	vld.idx.msk [tilespmem:v1+s23+$0x0], $0xffff  }
0xf7: {  	v36 =	vld.idx.msk [tilespmem:v13+s4+$0x0], $0xffff;
	[tilespmem:s12+$0x2F90] =	vst v57  }
0xf8: {  	v37 =	vld.idx.msk [tilespmem:v13+s17+$0x0], $0xffff;
	[tilespmem:s12+$0x3010] =	vst v58  }
0xf9: {  	v38 =	vld.idx.msk [tilespmem:v13+s18+$0x0], $0xffff;
	[tilespmem:s12+$0x3090] =	vst v59  }
0xfa: {  	v25 =	vand.u32 $0xFFFF, v19;
	v39 =	vld.idx.msk [tilespmem:v13+s19+$0x0], $0xffff;
	[tilespmem:s12+$0x3110] =	vst v60  }
0xfb: {  	v40 =	vld.idx.msk [tilespmem:v13+s20+$0x0], $0xffff;
	[tilespmem:s12+$0x3190] =	vst v61  }
0xfc: {  	v41 =	vld.idx.msk [tilespmem:v13+s21+$0x0], $0xffff;
	[tilespmem:s12+$0x3210] =	vst v63  }
0xfd: {  	v42 =	vld.idx.msk [tilespmem:v13+s22+$0x0], $0xffff;
	[tilespmem:s12+$0x3290] =	vst v16  }
0xfe: {  	v43 =	vld.idx.msk [tilespmem:v13+s23+$0x0], $0xffff;
	[tilespmem:s10+$0x2F60] =	vst v36  }
0xff: {  	v28 =	vld.idx.msk [tilespmem:v25+s4+$0x0], $0xffff;
	[tilespmem:s10+$0x2FE0] =	vst v37  }
0x100: {  	v29 =	vld.idx.msk [tilespmem:v25+s17+$0x0], $0xffff;
	[tilespmem:s10+$0x3060] =	vst v38  }
0x101: {  	v30 =	vld.idx.msk [tilespmem:v25+s18+$0x0], $0xffff;
	[tilespmem:s10+$0x30E0] =	vst v39  }
0x102: {  	v2 =	vshrl.u32 v2, $0x10;
	v31 =	vld.idx.msk [tilespmem:v25+s19+$0x0], $0xffff;
	[tilespmem:s10+$0x3160] =	vst v40  }
0x103: {  	v32 =	vld.idx.msk [tilespmem:v25+s20+$0x0], $0xffff;
	[tilespmem:s10+$0x31E0] =	vst v41  }
0x104: {  	v33 =	vld.idx.msk [tilespmem:v25+s21+$0x0], $0xffff;
	[tilespmem:s10+$0x3260] =	vst v42  }
0x105: {  	v34 =	vld.idx.msk [tilespmem:v25+s22+$0x0], $0xffff;
	[tilespmem:s10+$0x32E0] =	vst v43  }
0x106: {  	v35 =	vld.idx.msk [tilespmem:v25+s23+$0x0], $0xffff;
	[tilespmem:s30+$0x2F60] =	vst v28  }
0x107: {  	[tilespmem:s30+$0x2FE0] =	vst v29;
	v9 =	vld.idx.msk [tilespmem:v2+s4+$0x0], $0xffff  }
0x108: {  	[tilespmem:s30+$0x3060] =	vst v30;
	v51 =	vld.idx.msk [tilespmem:v2+s17+$0x0], $0xffff  }
0x109: {  	[tilespmem:s30+$0x30E0] =	vst v31;
	v52 =	vld.idx.msk [tilespmem:v2+s18+$0x0], $0xffff  }
0x10a: {  	v4 =	vshrl.u32 v19, $0x10;
	[tilespmem:s30+$0x3160] =	vst v32;
	v53 =	vld.idx.msk [tilespmem:v2+s19+$0x0], $0xffff  }
0x10b: {  	[tilespmem:s30+$0x31E0] =	vst v33;
	v54 =	vld.idx.msk [tilespmem:v2+s20+$0x0], $0xffff  }
0x10c: {  	[tilespmem:s30+$0x3260] =	vst v34;
	v55 =	vld.idx.msk [tilespmem:v2+s21+$0x0], $0xffff  }
0x10d: {  	[tilespmem:s30+$0x32E0] =	vst v35;
	v56 =	vld.idx.msk [tilespmem:v2+s22+$0x0], $0xffff  }
0x10e: {  	v2 =	vld.idx.msk [tilespmem:v2+s23+$0x0], $0xffff;
	[tilespmem:s10+$0x2F70] =	vst v9  }
0x10f: {  	v44 =	vld.idx.msk [tilespmem:v4+s4+$0x0], $0xffff;
	[tilespmem:s10+$0x2FF0] =	vst v51  }
0x110: {  	v45 =	vld.idx.msk [tilespmem:v4+s17+$0x0], $0xffff;
	[tilespmem:s10+$0x3070] =	vst v52  }
0x111: {  	v46 =	vld.idx.msk [tilespmem:v4+s18+$0x0], $0xffff;
	[tilespmem:s10+$0x30F0] =	vst v53  }
0x112: {  	v47 =	vld.idx.msk [tilespmem:v4+s19+$0x0], $0xffff;
	[tilespmem:s10+$0x3170] =	vst v54  }
0x113: {  	v48 =	vld.idx.msk [tilespmem:v4+s20+$0x0], $0xffff;
	[tilespmem:s10+$0x31F0] =	vst v55  }
0x114: {  	v49 =	vld.idx.msk [tilespmem:v4+s21+$0x0], $0xffff;
	[tilespmem:s10+$0x3270] =	vst v56  }
0x115: {  	v50 =	vld.idx.msk [tilespmem:v4+s22+$0x0], $0xffff;
	[tilespmem:s10+$0x32F0] =	vst v2  }
0x116: {  	[tilespmem:s12+$0x3310] =	vst v1;
	v2 =	vld [tilespmem:s28+$0x1F60]  }
0x117: {  	v4 =	vld.idx.msk [tilespmem:v4+s23+$0x0], $0xffff;
	[tilespmem:s30+$0x2F70] =	vst v44  }
0x118: {  	[tilespmem:s30+$0x2FF0] =	vst v45  }
0x119: {  	[tilespmem:s30+$0x3070] =	vst v46  }
0x11a: {  	[tilespmem:s30+$0x30F0] =	vst v47  }
0x11b: {  	[tilespmem:s30+$0x3170] =	vst v48;
	v21 =	vand.u32 $0xFFFF, v2  }
0x11c: {  	[tilespmem:s30+$0x31F0] =	vst v49  }
0x11d: {  	v0 =	vld [tilespmem:s15+$0x1F70];
	[tilespmem:s30+$0x3270] =	vst v50  }
0x11e: {  	[tilespmem:s30+$0x32F0] =	vst v4;
	v48 =	vld [tilespmem:s29+$0x1F70]  }
0x11f: {  	v4 =	vld [tilespmem:s24+$0x1F60]  }
0x120: {  	v26 =	vld.idx.msk [tilespmem:v21+s4+$0x0], $0xffff  }
0x121: {  	v27 =	vld.idx.msk [tilespmem:v21+s17+$0x0], $0xffff  }
0x122: {  	v28 =	vld.idx.msk [tilespmem:v21+s18+$0x0], $0xffff  }
0x123: {  	v53 =	vand.u32 $0xFFFF, v48;
	v29 =	vld.idx.msk [tilespmem:v21+s19+$0x0], $0xffff  }
0x124: {  	v30 =	vld.idx.msk [tilespmem:v21+s20+$0x0], $0xffff  }
0x125: {  	v31 =	vld.idx.msk [tilespmem:v21+s21+$0x0], $0xffff  }
0x126: {  	v32 =	vld.idx.msk [tilespmem:v21+s22+$0x0], $0xffff  }
0x127: {  	v33 =	vld.idx.msk [tilespmem:v21+s23+$0x0], $0xffff  }
0x128: {  	v57 =	vld.idx.msk [tilespmem:v53+s4+$0x0], $0xffff  }
0x129: {  	v58 =	vld.idx.msk [tilespmem:v53+s17+$0x0], $0xffff  }
0x12a: {  	v62 =	vand.u32 $0xFFFF, v4;
	v59 =	vld.idx.msk [tilespmem:v53+s18+$0x0], $0xffff  }
0x12b: {  	v60 =	vld.idx.msk [tilespmem:v53+s19+$0x0], $0xffff  }
0x12c: {  	v61 =	vld.idx.msk [tilespmem:v53+s20+$0x0], $0xffff  }
0x12d: {  	v63 =	vld.idx.msk [tilespmem:v53+s22+$0x0], $0xffff  }
0x12e: {  	v15 =	vld.idx.msk [tilespmem:v53+s23+$0x0], $0xffff  }
0x12f: {  	v17 =	vld.idx.msk [tilespmem:v62+s4+$0x0], $0xffff;
	[tilespmem:s10+$0x2F80] =	vst v26  }
0x130: {  	v18 =	vld.idx.msk [tilespmem:v62+s17+$0x0], $0xffff;
	[tilespmem:s10+$0x3000] =	vst v27  }
0x131: {  	v19 =	vld.idx.msk [tilespmem:v62+s18+$0x0], $0xffff;
	[tilespmem:s10+$0x3080] =	vst v28  }
0x132: {  	v20 =	vld.idx.msk [tilespmem:v62+s19+$0x0], $0xffff;
	[tilespmem:s10+$0x3100] =	vst v29  }
0x133: {  	v22 =	vld.idx.msk [tilespmem:v62+s20+$0x0], $0xffff;
	[tilespmem:s10+$0x3180] =	vst v30  }
0x134: {  	v23 =	vld.idx.msk [tilespmem:v62+s21+$0x0], $0xffff;
	[tilespmem:s10+$0x3200] =	vst v31  }
0x135: {  	v24 =	vld.idx.msk [tilespmem:v62+s22+$0x0], $0xffff;
	[tilespmem:s10+$0x3280] =	vst v32  }
0x136: {  	v25 =	vld.idx.msk [tilespmem:v62+s23+$0x0], $0xffff;
	[tilespmem:s10+$0x3300] =	vst v33  }
0x137: {  	v62 =	vld.idx.msk [tilespmem:v53+s21+$0x0], $0xffff;
	[tilespmem:s12+$0x2FA0] =	vst v57  }
0x138: {  	v47 =	vand.u32 $0xFFFF, v0;
	[tilespmem:s12+$0x3020] =	vst v58  }
0x139: {  	[tilespmem:s12+$0x30A0] =	vst v59  }
0x13a: {  	[tilespmem:s12+$0x3120] =	vst v60  }
0x13b: {  	v2 =	vshrl.u32 v2, $0x10;
	[tilespmem:s12+$0x31A0] =	vst v61  }
0x13c: {  	[tilespmem:s12+$0x32A0] =	vst v63  }
0x13d: {  	v49 =	vld.idx.msk [tilespmem:v47+s4+$0x0], $0xffff;
	[tilespmem:s12+$0x3320] =	vst v15  }
0x13e: {  	v50 =	vld.idx.msk [tilespmem:v47+s17+$0x0], $0xffff;
	[tilespmem:s30+$0x2F80] =	vst v17  }
0x13f: {  	v51 =	vld.idx.msk [tilespmem:v47+s18+$0x0], $0xffff;
	[tilespmem:s30+$0x3000] =	vst v18  }
0x140: {  	[tilespmem:s30+$0x3080] =	vst v19;
	v1 =	vld.idx.msk [tilespmem:v2+s4+$0x0], $0xffff  }
0x141: {  	[tilespmem:s30+$0x3100] =	vst v20;
	v41 =	vld.idx.msk [tilespmem:v2+s17+$0x0], $0xffff  }
0x142: {  	[tilespmem:s30+$0x3180] =	vst v22;
	v42 =	vld.idx.msk [tilespmem:v2+s18+$0x0], $0xffff  }
0x143: {  	[tilespmem:s30+$0x3200] =	vst v23;
	v43 =	vld.idx.msk [tilespmem:v2+s19+$0x0], $0xffff  }
0x144: {  	[tilespmem:s30+$0x3280] =	vst v24;
	v44 =	vld.idx.msk [tilespmem:v2+s20+$0x0], $0xffff  }
0x145: {  	[tilespmem:s30+$0x3300] =	vst v25;
	v45 =	vld.idx.msk [tilespmem:v2+s21+$0x0], $0xffff  }
0x146: {  	v46 =	vld.idx.msk [tilespmem:v2+s22+$0x0], $0xffff;
	[tilespmem:s12+$0x3220] =	vst v62  }
0x147: {  	v4 =	vshrl.u32 v4, $0x10;
	v2 =	vld.idx.msk [tilespmem:v2+s23+$0x0], $0xffff;
	[tilespmem:s10+$0x2F90] =	vst v1  }
0x148: {  	v52 =	vld.idx.msk [tilespmem:v47+s19+$0x0], $0xffff;
	[tilespmem:s10+$0x3010] =	vst v41  }
0x149: {  	v54 =	vld.idx.msk [tilespmem:v47+s20+$0x0], $0xffff;
	[tilespmem:s10+$0x3090] =	vst v42  }
0x14a: {  	v55 =	vld.idx.msk [tilespmem:v47+s21+$0x0], $0xffff;
	[tilespmem:s10+$0x3110] =	vst v43  }
0x14b: {  	v56 =	vld.idx.msk [tilespmem:v47+s22+$0x0], $0xffff;
	[tilespmem:s10+$0x3190] =	vst v44  }
0x14c: {  	v34 =	vld.idx.msk [tilespmem:v4+s4+$0x0], $0xffff;
	[tilespmem:s10+$0x3210] =	vst v45  }
0x14d: {  	v35 =	vld.idx.msk [tilespmem:v4+s17+$0x0], $0xffff;
	[tilespmem:s10+$0x3290] =	vst v46  }
0x14e: {  	v36 =	vld.idx.msk [tilespmem:v4+s18+$0x0], $0xffff;
	[tilespmem:s10+$0x3310] =	vst v2  }
0x14f: {  	v1 =	vld.idx.msk [tilespmem:v47+s23+$0x0], $0xffff;
	[tilespmem:s9+$0x2FA0] =	vst v49  }
0x150: {  	v3 =	vshrl.u32 v48, $0x10;
	v37 =	vld.idx.msk [tilespmem:v4+s19+$0x0], $0xffff;
	[tilespmem:s9+$0x3020] =	vst v50  }
0x151: {  	v38 =	vld.idx.msk [tilespmem:v4+s20+$0x0], $0xffff;
	[tilespmem:s9+$0x30A0] =	vst v51  }
0x152: {  	v39 =	vld.idx.msk [tilespmem:v4+s21+$0x0], $0xffff;
	[tilespmem:s9+$0x3120] =	vst v52  }
0x153: {  	v40 =	vld.idx.msk [tilespmem:v4+s22+$0x0], $0xffff;
	[tilespmem:s9+$0x31A0] =	vst v54  }
0x154: {  	v4 =	vld.idx.msk [tilespmem:v4+s23+$0x0], $0xffff;
	[tilespmem:s9+$0x3220] =	vst v55  }
0x155: {  	v23 =	vld.idx.msk [tilespmem:v3+s17+$0x0], $0xffff;
	[tilespmem:s30+$0x2F90] =	vst v34  }
0x156: {  	v24 =	vld.idx.msk [tilespmem:v3+s18+$0x0], $0xffff;
	[tilespmem:s30+$0x3010] =	vst v35  }
0x157: {  	v25 =	vld.idx.msk [tilespmem:v3+s19+$0x0], $0xffff;
	[tilespmem:s30+$0x3090] =	vst v36  }
0x158: {  	v27 =	vld.idx.msk [tilespmem:v3+s20+$0x0], $0xffff;
	[tilespmem:s30+$0x3110] =	vst v37  }
0x159: {  	v28 =	vld.idx.msk [tilespmem:v3+s21+$0x0], $0xffff;
	[tilespmem:s30+$0x3190] =	vst v38  }
0x15a: {  	v0 =	vshrl.u32 v0, $0x10;
	v29 =	vld.idx.msk [tilespmem:v3+s22+$0x0], $0xffff;
	[tilespmem:s30+$0x3210] =	vst v39  }
0x15b: {  	v30 =	vld.idx.msk [tilespmem:v3+s23+$0x0], $0xffff;
	[tilespmem:s30+$0x3290] =	vst v40  }
0x15c: {  	[tilespmem:s30+$0x3310] =	vst v4;
	v2 =	vld [tilespmem:s28+$0x1F70]  }
0x15d: {  	[tilespmem:s9+$0x32A0] =	vst v56;
	v4 =	vld [tilespmem:s24+$0x1F70]  }
0x15e: {  	[tilespmem:s9+$0x3320] =	vst v1;
	v1 =	vld.idx.msk [tilespmem:v3+s4+$0x0], $0xffff  }
0x15f: {  	[tilespmem:s12+$0x3030] =	vst v23;
	v16 =	vld.idx.msk [tilespmem:v0+s4+$0x0], $0xffff  }
0x160: {  	[tilespmem:s12+$0x30B0] =	vst v24;
	v17 =	vld.idx.msk [tilespmem:v0+s17+$0x0], $0xffff  }
0x161: {  	[tilespmem:s12+$0x3130] =	vst v25;
	v18 =	vld.idx.msk [tilespmem:v0+s18+$0x0], $0xffff  }
0x162: {  	[tilespmem:s12+$0x31B0] =	vst v27;
	v19 =	vld.idx.msk [tilespmem:v0+s19+$0x0], $0xffff;
	v35 =	vand.u32 $0xFFFF, v2  }
0x163: {  	[tilespmem:s12+$0x3230] =	vst v28;
	v20 =	vld.idx.msk [tilespmem:v0+s20+$0x0], $0xffff  }
0x164: {  	[tilespmem:s12+$0x32B0] =	vst v29;
	v21 =	vld.idx.msk [tilespmem:v0+s21+$0x0], $0xffff  }
0x165: {  	[tilespmem:s12+$0x3330] =	vst v30;
	v22 =	vld.idx.msk [tilespmem:v0+s22+$0x0], $0xffff  }
0x166: {  	v0 =	vld.idx.msk [tilespmem:v0+s23+$0x0], $0xffff;
	[tilespmem:s12+$0x2FB0] =	vst v1  }
0x167: {  	[tilespmem:s9+$0x2FB0] =	vst v16;
	v40 =	vld.idx.msk [tilespmem:v35+s4+$0x0], $0xffff  }
0x168: {  	[tilespmem:s9+$0x3030] =	vst v17;
	v41 =	vld.idx.msk [tilespmem:v35+s17+$0x0], $0xffff  }
0x169: {  	[tilespmem:s9+$0x30B0] =	vst v18;
	v42 =	vld.idx.msk [tilespmem:v35+s18+$0x0], $0xffff  }
0x16a: {  	v26 =	vand.u32 $0xFFFF, v4;
	[tilespmem:s9+$0x3130] =	vst v19;
	v43 =	vld.idx.msk [tilespmem:v35+s19+$0x0], $0xffff  }
0x16b: {  	[tilespmem:s9+$0x31B0] =	vst v20;
	v44 =	vld.idx.msk [tilespmem:v35+s20+$0x0], $0xffff  }
0x16c: {  	[tilespmem:s9+$0x3230] =	vst v21;
	v45 =	vld.idx.msk [tilespmem:v35+s21+$0x0], $0xffff  }
0x16d: {  	[tilespmem:s9+$0x32B0] =	vst v22;
	v46 =	vld.idx.msk [tilespmem:v35+s22+$0x0], $0xffff  }
0x16e: {  	[tilespmem:s9+$0x3330] =	vst v0;
	v47 =	vld.idx.msk [tilespmem:v35+s23+$0x0], $0xffff  }
0x16f: {  	v31 =	vld.idx.msk [tilespmem:v26+s4+$0x0], $0xffff;
	[tilespmem:s10+$0x2FA0] =	vst v40  }
0x170: {  	v32 =	vld.idx.msk [tilespmem:v26+s17+$0x0], $0xffff;
	[tilespmem:s10+$0x3020] =	vst v41  }
0x171: {  	v33 =	vld.idx.msk [tilespmem:v26+s18+$0x0], $0xffff;
	[tilespmem:s10+$0x30A0] =	vst v42  }
0x172: {  	v2 =	vshrl.u32 v2, $0x10;
	v34 =	vld.idx.msk [tilespmem:v26+s19+$0x0], $0xffff;
	[tilespmem:s10+$0x3120] =	vst v43  }
0x173: {  	v36 =	vld.idx.msk [tilespmem:v26+s20+$0x0], $0xffff;
	[tilespmem:s10+$0x31A0] =	vst v44  }
0x174: {  	v37 =	vld.idx.msk [tilespmem:v26+s21+$0x0], $0xffff;
	[tilespmem:s10+$0x3220] =	vst v45  }
0x175: {  	v38 =	vld.idx.msk [tilespmem:v26+s22+$0x0], $0xffff;
	[tilespmem:s10+$0x32A0] =	vst v46  }
0x176: {  	v39 =	vld.idx.msk [tilespmem:v26+s23+$0x0], $0xffff;
	[tilespmem:s10+$0x3320] =	vst v47  }
0x177: {  	[tilespmem:s30+$0x2FA0] =	vst v31;
	v56 =	vld.idx.msk [tilespmem:v2+s4+$0x0], $0xffff  }
0x178: {  	[tilespmem:s30+$0x3020] =	vst v32;
	v57 =	vld.idx.msk [tilespmem:v2+s17+$0x0], $0xffff  }
0x179: {  	[tilespmem:s30+$0x30A0] =	vst v33;
	v58 =	vld.idx.msk [tilespmem:v2+s18+$0x0], $0xffff  }
0x17a: {  	v4 =	vshrl.u32 v4, $0x10;
	[tilespmem:s30+$0x3120] =	vst v34;
	v59 =	vld.idx.msk [tilespmem:v2+s19+$0x0], $0xffff  }
0x17b: {  	[tilespmem:s30+$0x31A0] =	vst v36;
	v60 =	vld.idx.msk [tilespmem:v2+s20+$0x0], $0xffff  }
0x17c: {  	[tilespmem:s30+$0x3220] =	vst v37;
	v61 =	vld.idx.msk [tilespmem:v2+s21+$0x0], $0xffff  }
0x17d: {  	[tilespmem:s30+$0x32A0] =	vst v38;
	v62 =	vld.idx.msk [tilespmem:v2+s22+$0x0], $0xffff  }
0x17e: {  	[tilespmem:s30+$0x3320] =	vst v39;
	v63 =	vld.idx.msk [tilespmem:v2+s23+$0x0], $0xffff  }
0x17f: {  	v48 =	vld.idx.msk [tilespmem:v4+s4+$0x0], $0xffff;
	[tilespmem:s10+$0x2FB0] =	vst v56  }
0x180: {  	v49 =	vld.idx.msk [tilespmem:v4+s17+$0x0], $0xffff;
	[tilespmem:s10+$0x3030] =	vst v57  }
0x181: {  	v50 =	vld.idx.msk [tilespmem:v4+s18+$0x0], $0xffff;
	[tilespmem:s10+$0x30B0] =	vst v58  }
0x182: {  	v51 =	vld.idx.msk [tilespmem:v4+s19+$0x0], $0xffff;
	[tilespmem:s10+$0x3130] =	vst v59  }
0x183: {  	v52 =	vld.idx.msk [tilespmem:v4+s20+$0x0], $0xffff;
	[tilespmem:s10+$0x31B0] =	vst v60  }
0x184: {  	v53 =	vld.idx.msk [tilespmem:v4+s21+$0x0], $0xffff;
	[tilespmem:s10+$0x3230] =	vst v61  }
0x185: {  	v54 =	vld.idx.msk [tilespmem:v4+s22+$0x0], $0xffff;
	[tilespmem:s10+$0x32B0] =	vst v62  }
0x186: {  	v55 =	vld.idx.msk [tilespmem:v4+s23+$0x0], $0xffff;
	[tilespmem:s30+$0x2FB0] =	vst v48  }
0x187: {  	[tilespmem:s30+$0x3030] =	vst v49  }
0x188: {  	[tilespmem:s30+$0x30B0] =	vst v50  }
0x189: {  	p0 =	slt.u32 s8, $0x1C;
	[tilespmem:s30+$0x3130] =	vst v51  }
.Ltmp8:
0x18a: {  	[tilespmem:s30+$0x31B0] =	vst v52;
	(pc) =	sbr.rel @p0 .LBB2_8-.Ltmp8, $4  }
0x18b: {  	[tilespmem:s30+$0x3230] =	vst v53  }
0x18c: {  	[tilespmem:s30+$0x32B0] =	vst v54  }
0x18d: {  	[tilespmem:s30+$0x3330] =	vst v55;
	s30 =	sadd.s32 $0x4, s8  }
0x18e: {  	[tilespmem:s10+$0x3330] =	vst v63;
	s8 =	smov.u32 s30  }
0x18f: {  	s8 =	rddreg [dreg:$0x5]  }
0x190: {  	s2 =	smul.u32 $0x7D, s14;
	p0 =	sge.u32 s1, s8  }
0x191: {  	s0 =	sadd.s32 @!p0 $0x2, s0  }
0x192: {  	s2 =	sadd.s32 s13, s2;
	s8 =	smulhi.u32 @!p0 $0x66666667, s0  }
0x193: {  	s2 =	sshll.u32 s2, $0xC  }
0x194: {  	s2 =	sand.u32 $0x1FFFF000, s2;
	s8 =	sshrl.u32 @!p0 s8, $0x3  }
0x195: {  	s9 =	simm.s32 $0x2F40;
	s2 =	sadd.s32 s11, s2;
	s8 =	smul.u32 @!p0 $0x14, s8  }
0x196: {  	[hbm4b:s2+s4] =	stream.linear.scatter [tilespmem:s9], [sflag:$0x3], $0x8000, $0x38;
	[tilespmem:$0x12F40] =	vst v63  }
0x197: {  	s0 =	ssub.s32 @!p0 s0, s8  }
0x198: {  	s0 =	sshll.u32 @!p0 s0, $0x8  }
0x199: {  	s2 =	simm.s32 @!p0 $0x0;
	s8 =	simm.s32 @!p0 $0x1F40;
	s0 =	sadd.s32 @!p0 s5, s0  }
0x19a: {  	[tilespmem:s8], [sflag:$0x1] =	stream.linear.gather @!p0 [hbm4b:s0+s2], $0x800, $0x38;
	[tilespmem:$0x12F40] =	vst v63  }
.LBB2_10:
0x19b: {  	s0 =	sor.u32 $0x1, s1  }
0x19c: {  	p0 =	sge.u32 s0, s7  }
.Ltmp9:
0x19d: {  	_ = 	snop;
	(pc) =	sbr.rel @p0 .LBB2_14-.Ltmp9, $1  }
0x19e: {  	_ =	sdelay $0x3  }
0x19f: {  	s0 =	sadd.s32 s3, s0  }
0x1a0: {  	s2 =	smulhi.u32 $0x66666667, s0;
	_ =	sdelay $0x1  }
0x1a1: {  	s13 =	sshrl.u32 s2, $0x3  }
0x1a2: {  	s2 =	smul.u32 $0xFFFFFFEC, s13;
	_ =	sdelay $0x1  }
0x1a3: {  	s14 =	sadd.s32 s0, s2  }
0x1a4: {  	p0 =	sne.s32 s14, $0x0  }
0x1a5: {  	s2 =	smul.u32 @!p0 $0x3E8, s13;
	_ =	sdelay $0x1  }
0x1a6: {  	s8 =	simm.s32 @!p0 $0x0;
	s2 =	sadd.s32 @!p0 s6, s2  }
0x1a7: {  	[tilespmem:s8], [sflag:$0x5] =	stream.linear.gather @!p0 [hbm4b:s2+s8], $0x1F40, $0x38;
	[tilespmem:$0x12F40] =	vst v63  }
0x1a8: {  	s2 =	simm.s32 @!p0 $0x5  }
0x1a9: {  	_ =	swait.ge @!p0 [sflag:s2], $0x1F40  }
0x1aa: {  	[sflag:s2] =	ssyncset.done @!p0 $0x0  }
0x1ab: {  	[sflag:s2] =	ssyncadd.s32 @!p0 $0xFFFFE0C0  }
0x1ac: {  	_ =	swait.ge [sflag:s26], $0x800  }
0x1ad: {  	p0 =	seq.s32 s31, $0x0;
	[sflag:s26] =	ssyncset.done $0x0  }
0x1ae: {  	s2 =	simm.s32 @!p0 $0x4;
	[sflag:s26] =	ssyncadd.s32 $0xFFFFF800  }
0x1af: {  	_ =	swait.ge @!p0 [sflag:s2], $0x8000  }
0x1b0: {  	[sflag:s2] =	ssyncset.done @!p0 $0x0  }
0x1b1: {  	s8 =	simm.s32 $0x0;
	[sflag:s2] =	ssyncadd.s32 @!p0 $0xFFFF8000  }
.LBB2_12:
0x1b2: {  	s2 =	sshll.u32 s8, $0x6  }
0x1b3: {  	s15 =	sand.u32 $0x3FFFFFC0, s2  }
0x1b4: {  	v0 =	vld [tilespmem:s15+$0x2740];
	_ =	sdelay $0x4  }
0x1b5: {  	v1 =	vand.u32 $0xFFFF, v0;
	_ =	sdelay $0x4  }
0x1b6: {  	v2 =	vld.idx.msk [tilespmem:v1+s4+$0x0], $0xffff  }
0x1b7: {  	v3 =	vld.idx.msk [tilespmem:v1+s17+$0x0], $0xffff  }
0x1b8: {  	v4 =	vld.idx.msk [tilespmem:v1+s18+$0x0], $0xffff  }
0x1b9: {  	v5 =	vld.idx.msk [tilespmem:v1+s19+$0x0], $0xffff  }
0x1ba: {  	v6 =	vld.idx.msk [tilespmem:v1+s20+$0x0], $0xffff  }
0x1bb: {  	s24 =	sshll.u32 s8, $0xA;
	v7 =	vld.idx.msk [tilespmem:v1+s21+$0x0], $0xffff  }
0x1bc: {  	s9 =	sand.u32 $0x3FFFFC00, s24;
	v8 =	vld.idx.msk [tilespmem:v1+s22+$0x0], $0xffff  }
0x1bd: {  	v1 =	vld.idx.msk [tilespmem:v1+s23+$0x0], $0xffff;
	[tilespmem:s9+$0xAF40] =	vst v2  }
0x1be: {  	[tilespmem:s9+$0xAFC0] =	vst v3  }
0x1bf: {  	[tilespmem:s9+$0xB040] =	vst v4  }
0x1c0: {  	v0 =	vshrl.u32 v0, $0x10;
	[tilespmem:s9+$0xB0C0] =	vst v5  }
0x1c1: {  	[tilespmem:s9+$0xB140] =	vst v6  }
0x1c2: {  	[tilespmem:s9+$0xB1C0] =	vst v7  }
0x1c3: {  	[tilespmem:s9+$0xB240] =	vst v8  }
0x1c4: {  	[tilespmem:s9+$0xB2C0] =	vst v1  }
0x1c5: {  	v1 =	vld.idx.msk [tilespmem:v0+s4+$0x0], $0xffff  }
0x1c6: {  	v2 =	vld.idx.msk [tilespmem:v0+s17+$0x0], $0xffff  }
0x1c7: {  	v3 =	vld.idx.msk [tilespmem:v0+s18+$0x0], $0xffff  }
0x1c8: {  	v4 =	vld.idx.msk [tilespmem:v0+s19+$0x0], $0xffff  }
0x1c9: {  	v5 =	vld.idx.msk [tilespmem:v0+s20+$0x0], $0xffff  }
0x1ca: {  	v6 =	vld.idx.msk [tilespmem:v0+s21+$0x0], $0xffff  }
0x1cb: {  	v7 =	vld.idx.msk [tilespmem:v0+s22+$0x0], $0xffff  }
0x1cc: {  	v0 =	vld.idx.msk [tilespmem:v0+s23+$0x0], $0xffff;
	[tilespmem:s9+$0xAF50] =	vst v1  }
0x1cd: {  	[tilespmem:s9+$0xAFD0] =	vst v2  }
0x1ce: {  	[tilespmem:s9+$0xB050] =	vst v3  }
0x1cf: {  	[tilespmem:s9+$0xB0D0] =	vst v4  }
0x1d0: {  	[tilespmem:s9+$0xB150] =	vst v5  }
0x1d1: {  	[tilespmem:s9+$0xB1D0] =	vst v6  }
0x1d2: {  	[tilespmem:s9+$0xB250] =	vst v7  }
0x1d3: {  	[tilespmem:s9+$0xB2D0] =	vst v0  }
0x1d4: {  	v0 =	vld [tilespmem:s15+$0x2750];
	_ =	sdelay $0x4  }
0x1d5: {  	s28 =	sor.u32 $0x1, s8;
	v30 =	vand.u32 $0xFFFF, v0  }
0x1d6: {  	s12 =	sshll.u32 s28, $0x6  }
0x1d7: {  	s29 =	sand.u32 $0x3FFFFFC0, s12  }
0x1d8: {  	v31 =	vld [tilespmem:s29+$0x2740];
	_ =	sdelay $0x1  }
0x1d9: {  	v32 =	vld.idx.msk [tilespmem:v30+s4+$0x0], $0xffff  }
0x1da: {  	v4 =	vld.idx.msk [tilespmem:v30+s17+$0x0], $0xffff  }
0x1db: {  	v5 =	vld.idx.msk [tilespmem:v30+s18+$0x0], $0xffff  }
0x1dc: {  	v33 =	vand.u32 $0xFFFF, v31;
	v6 =	vld.idx.msk [tilespmem:v30+s19+$0x0], $0xffff  }
0x1dd: {  	v34 =	vld.idx.msk [tilespmem:v30+s20+$0x0], $0xffff  }
0x1de: {  	v9 =	vld.idx.msk [tilespmem:v30+s21+$0x0], $0xffff  }
0x1df: {  	v10 =	vld.idx.msk [tilespmem:v30+s22+$0x0], $0xffff  }
0x1e0: {  	v1 =	vld.idx.msk [tilespmem:v30+s23+$0x0], $0xffff  }
0x1e1: {  	v35 =	vld.idx.msk [tilespmem:v33+s4+$0x0], $0xffff;
	[tilespmem:s9+$0xAF60] =	vst v32  }
0x1e2: {  	v36 =	vld.idx.msk [tilespmem:v33+s17+$0x0], $0xffff;
	[tilespmem:s9+$0xAFE0] =	vst v4  }
0x1e3: {  	v37 =	vld.idx.msk [tilespmem:v33+s18+$0x0], $0xffff;
	[tilespmem:s9+$0xB060] =	vst v5  }
0x1e4: {  	v38 =	vld.idx.msk [tilespmem:v33+s19+$0x0], $0xffff;
	[tilespmem:s9+$0xB0E0] =	vst v6  }
0x1e5: {  	v0 =	vshrl.u32 v0, $0x10;
	v39 =	vld.idx.msk [tilespmem:v33+s20+$0x0], $0xffff;
	[tilespmem:s9+$0xB160] =	vst v34  }
0x1e6: {  	s30 =	sor.u32 $0x2, s8;
	v40 =	vld.idx.msk [tilespmem:v33+s21+$0x0], $0xffff;
	[tilespmem:s9+$0xB1E0] =	vst v9  }
0x1e7: {  	s2 =	sshll.u32 s28, $0xA;
	s24 =	sshll.u32 s30, $0x6;
	v41 =	vld.idx.msk [tilespmem:v33+s22+$0x0], $0xffff;
	[tilespmem:s9+$0xB260] =	vst v10  }
0x1e8: {  	s12 =	sand.u32 $0x3FFFFC00, s2;
	s24 =	sand.u32 $0x3FFFFFC0, s24;
	v42 =	vld.idx.msk [tilespmem:v33+s23+$0x0], $0xffff;
	[tilespmem:s9+$0xB2E0] =	vst v1  }
0x1e9: {  	[tilespmem:s12+$0xAFC0] =	vst v36;
	v36 =	vld [tilespmem:s24+$0x2740]  }
0x1ea: {  	[tilespmem:s12+$0xAF40] =	vst v35;
	v43 =	vld.idx.msk [tilespmem:v0+s4+$0x0], $0xffff  }
0x1eb: {  	[tilespmem:s12+$0xB040] =	vst v37;
	v44 =	vld.idx.msk [tilespmem:v0+s17+$0x0], $0xffff  }
0x1ec: {  	[tilespmem:s12+$0xB0C0] =	vst v38;
	v45 =	vld.idx.msk [tilespmem:v0+s18+$0x0], $0xffff  }
0x1ed: {  	v2 =	vshrl.u32 v31, $0x10;
	[tilespmem:s12+$0xB140] =	vst v39;
	v46 =	vld.idx.msk [tilespmem:v0+s19+$0x0], $0xffff  }
0x1ee: {  	[tilespmem:s12+$0xB1C0] =	vst v40;
	v47 =	vld.idx.msk [tilespmem:v0+s20+$0x0], $0xffff  }
0x1ef: {  	[tilespmem:s12+$0xB240] =	vst v41;
	v48 =	vld.idx.msk [tilespmem:v0+s21+$0x0], $0xffff  }
0x1f0: {  	[tilespmem:s12+$0xB2C0] =	vst v42;
	v49 =	vld.idx.msk [tilespmem:v0+s22+$0x0], $0xffff  }
0x1f1: {  	v0 =	vld.idx.msk [tilespmem:v0+s23+$0x0], $0xffff;
	[tilespmem:s9+$0xAF70] =	vst v43  }
0x1f2: {  	v1 =	vld.idx.msk [tilespmem:v2+s4+$0x0], $0xffff;
	[tilespmem:s9+$0xAFF0] =	vst v44  }
0x1f3: {  	v50 =	vld.idx.msk [tilespmem:v2+s17+$0x0], $0xffff;
	[tilespmem:s9+$0xB070] =	vst v45  }
0x1f4: {  	v51 =	vld.idx.msk [tilespmem:v2+s18+$0x0], $0xffff;
	[tilespmem:s9+$0xB0F0] =	vst v46  }
0x1f5: {  	v52 =	vld.idx.msk [tilespmem:v2+s19+$0x0], $0xffff;
	[tilespmem:s9+$0xB170] =	vst v47  }
0x1f6: {  	v53 =	vld.idx.msk [tilespmem:v2+s20+$0x0], $0xffff;
	[tilespmem:s9+$0xB1F0] =	vst v48  }
0x1f7: {  	v54 =	vld.idx.msk [tilespmem:v2+s21+$0x0], $0xffff;
	[tilespmem:s9+$0xB270] =	vst v49  }
0x1f8: {  	v55 =	vld.idx.msk [tilespmem:v2+s22+$0x0], $0xffff;
	[tilespmem:s9+$0xB2F0] =	vst v0  }
0x1f9: {  	v56 =	vld.idx.msk [tilespmem:v2+s23+$0x0], $0xffff;
	[tilespmem:s12+$0xAF50] =	vst v1  }
0x1fa: {  	[tilespmem:s12+$0xAFD0] =	vst v50  }
0x1fb: {  	[tilespmem:s12+$0xB050] =	vst v51  }
0x1fc: {  	s10 =	sor.u32 $0x3, s8;
	[tilespmem:s12+$0xB0D0] =	vst v52  }
0x1fd: {  	s28 =	sshll.u32 s10, $0x6;
	v37 =	vand.u32 $0xFFFF, v36;
	[tilespmem:s12+$0xB150] =	vst v53  }
0x1fe: {  	s28 =	sand.u32 $0x3FFFFFC0, s28;
	[tilespmem:s12+$0xB1D0] =	vst v54  }
0x1ff: {  	v38 =	vld [tilespmem:s28+$0x2740];
	[tilespmem:s12+$0xB250] =	vst v55  }
0x200: {  	[tilespmem:s12+$0xB2D0] =	vst v56;
	v57 =	vld [tilespmem:s15+$0x2760]  }
0x201: {  	v0 =	vld [tilespmem:s29+$0x2750]  }
0x202: {  	v39 =	vld.idx.msk [tilespmem:v37+s4+$0x0], $0xffff  }
0x203: {  	v40 =	vld.idx.msk [tilespmem:v37+s17+$0x0], $0xffff  }
0x204: {  	v43 =	vand.u32 $0xFFFF, v38;
	v41 =	vld.idx.msk [tilespmem:v37+s18+$0x0], $0xffff  }
0x205: {  	v42 =	vld.idx.msk [tilespmem:v37+s19+$0x0], $0xffff;
	v58 =	vand.u32 $0xFFFF, v57  }
0x206: {  	v44 =	vld.idx.msk [tilespmem:v37+s20+$0x0], $0xffff  }
0x207: {  	v11 =	vld.idx.msk [tilespmem:v37+s21+$0x0], $0xffff  }
0x208: {  	v3 =	vld.idx.msk [tilespmem:v37+s23+$0x0], $0xffff  }
0x209: {  	v45 =	vld.idx.msk [tilespmem:v43+s4+$0x0], $0xffff  }
0x20a: {  	v59 =	vld.idx.msk [tilespmem:v58+s4+$0x0], $0xffff  }
0x20b: {  	v60 =	vld.idx.msk [tilespmem:v58+s17+$0x0], $0xffff  }
0x20c: {  	v61 =	vld.idx.msk [tilespmem:v58+s18+$0x0], $0xffff  }
0x20d: {  	v63 =	vand.u32 $0xFFFF, v0;
	v62 =	vld.idx.msk [tilespmem:v58+s19+$0x0], $0xffff  }
0x20e: {  	v12 =	vld.idx.msk [tilespmem:v58+s20+$0x0], $0xffff  }
0x20f: {  	v9 =	vld.idx.msk [tilespmem:v58+s21+$0x0], $0xffff  }
0x210: {  	v13 =	vld.idx.msk [tilespmem:v58+s22+$0x0], $0xffff  }
0x211: {  	v1 =	vld.idx.msk [tilespmem:v58+s23+$0x0], $0xffff;
	[tilespmem:s9+$0xAF80] =	vst v59  }
0x212: {  	v14 =	vld.idx.msk [tilespmem:v63+s4+$0x0], $0xffff;
	[tilespmem:s9+$0xB000] =	vst v60  }
0x213: {  	v15 =	vld.idx.msk [tilespmem:v63+s17+$0x0], $0xffff;
	[tilespmem:s9+$0xB080] =	vst v61  }
0x214: {  	v16 =	vld.idx.msk [tilespmem:v63+s18+$0x0], $0xffff;
	[tilespmem:s9+$0xB100] =	vst v62  }
0x215: {  	v17 =	vld.idx.msk [tilespmem:v63+s19+$0x0], $0xffff;
	[tilespmem:s9+$0xB180] =	vst v12  }
0x216: {  	v2 =	vshrl.u32 v57, $0x10;
	v18 =	vld.idx.msk [tilespmem:v63+s20+$0x0], $0xffff;
	[tilespmem:s9+$0xB200] =	vst v9  }
0x217: {  	v19 =	vld.idx.msk [tilespmem:v63+s21+$0x0], $0xffff;
	[tilespmem:s9+$0xB280] =	vst v13  }
0x218: {  	v20 =	vld.idx.msk [tilespmem:v63+s22+$0x0], $0xffff;
	[tilespmem:s9+$0xB300] =	vst v1  }
0x219: {  	v21 =	vld.idx.msk [tilespmem:v63+s23+$0x0], $0xffff;
	[tilespmem:s12+$0xAF60] =	vst v14  }
0x21a: {  	[tilespmem:s12+$0xAFE0] =	vst v15;
	v12 =	vld.idx.msk [tilespmem:v37+s22+$0x0], $0xffff  }
0x21b: {  	[tilespmem:s12+$0xB060] =	vst v16;
	v22 =	vld.idx.msk [tilespmem:v2+s4+$0x0], $0xffff  }
0x21c: {  	[tilespmem:s12+$0xB0E0] =	vst v17;
	v23 =	vld.idx.msk [tilespmem:v2+s17+$0x0], $0xffff  }
0x21d: {  	[tilespmem:s12+$0xB160] =	vst v18;
	v24 =	vld.idx.msk [tilespmem:v2+s18+$0x0], $0xffff  }
0x21e: {  	v0 =	vshrl.u32 v0, $0x10;
	[tilespmem:s12+$0xB1E0] =	vst v19;
	v25 =	vld.idx.msk [tilespmem:v2+s19+$0x0], $0xffff  }
0x21f: {  	s2 =	sshll.u32 s30, $0xA;
	[tilespmem:s12+$0xB260] =	vst v20;
	v26 =	vld.idx.msk [tilespmem:v2+s20+$0x0], $0xffff  }
0x220: {  	s30 =	sand.u32 $0x3FFFFC00, s2;
	[tilespmem:s12+$0xB2E0] =	vst v21;
	v27 =	vld.idx.msk [tilespmem:v2+s21+$0x0], $0xffff  }
0x221: {  	[tilespmem:s30+$0xAF40] =	vst v39;
	v28 =	vld.idx.msk [tilespmem:v2+s22+$0x0], $0xffff  }
0x222: {  	v2 =	vld.idx.msk [tilespmem:v2+s23+$0x0], $0xffff;
	[tilespmem:s9+$0xAF90] =	vst v22  }
0x223: {  	v1 =	vld.idx.msk [tilespmem:v0+s4+$0x0], $0xffff;
	[tilespmem:s9+$0xB010] =	vst v23  }
0x224: {  	v29 =	vld.idx.msk [tilespmem:v0+s17+$0x0], $0xffff;
	[tilespmem:s9+$0xB090] =	vst v24  }
0x225: {  	v30 =	vld.idx.msk [tilespmem:v0+s18+$0x0], $0xffff;
	[tilespmem:s9+$0xB110] =	vst v25  }
0x226: {  	v31 =	vld.idx.msk [tilespmem:v0+s19+$0x0], $0xffff;
	[tilespmem:s9+$0xB190] =	vst v26  }
0x227: {  	v32 =	vld.idx.msk [tilespmem:v0+s20+$0x0], $0xffff;
	[tilespmem:s9+$0xB210] =	vst v27  }
0x228: {  	v33 =	vld.idx.msk [tilespmem:v0+s21+$0x0], $0xffff;
	[tilespmem:s9+$0xB290] =	vst v28  }
0x229: {  	v34 =	vld.idx.msk [tilespmem:v0+s22+$0x0], $0xffff;
	[tilespmem:s9+$0xB310] =	vst v2  }
0x22a: {  	v35 =	vld.idx.msk [tilespmem:v0+s23+$0x0], $0xffff;
	[tilespmem:s12+$0xAF70] =	vst v1  }
0x22b: {  	v46 =	vld.idx.msk [tilespmem:v43+s17+$0x0], $0xffff;
	[tilespmem:s12+$0xAFF0] =	vst v29  }
0x22c: {  	v47 =	vld.idx.msk [tilespmem:v43+s18+$0x0], $0xffff;
	[tilespmem:s12+$0xB070] =	vst v30  }
0x22d: {  	v48 =	vld.idx.msk [tilespmem:v43+s19+$0x0], $0xffff;
	[tilespmem:s12+$0xB0F0] =	vst v31  }
0x22e: {  	v49 =	vld.idx.msk [tilespmem:v43+s20+$0x0], $0xffff;
	[tilespmem:s12+$0xB170] =	vst v32  }
0x22f: {  	v50 =	vld.idx.msk [tilespmem:v43+s21+$0x0], $0xffff;
	[tilespmem:s12+$0xB1F0] =	vst v33  }
0x230: {  	[tilespmem:s12+$0xB270] =	vst v34;
	v0 =	vld [tilespmem:s15+$0x2770];
	s15 =	sshll.u32 s10, $0xA  }
0x231: {  	v51 =	vld.idx.msk [tilespmem:v43+s22+$0x0], $0xffff;
	[tilespmem:s12+$0xB2F0] =	vst v35;
	s10 =	sand.u32 $0x3FFFFC00, s15  }
0x232: {  	v52 =	vld.idx.msk [tilespmem:v43+s23+$0x0], $0xffff;
	[tilespmem:s10+$0xAF40] =	vst v45  }
0x233: {  	[tilespmem:s10+$0xAFC0] =	vst v46  }
0x234: {  	[tilespmem:s10+$0xB040] =	vst v47  }
0x235: {  	v4 =	vshrl.u32 v38, $0x10;
	[tilespmem:s10+$0xB0C0] =	vst v48  }
0x236: {  	[tilespmem:s10+$0xB140] =	vst v49  }
0x237: {  	[tilespmem:s10+$0xB1C0] =	vst v50  }
0x238: {  	[tilespmem:s10+$0xB240] =	vst v51  }
0x239: {  	v1 =	vld [tilespmem:s29+$0x2760];
	[tilespmem:s10+$0xB2C0] =	vst v52  }
0x23a: {  	[tilespmem:s30+$0xB2C0] =	vst v3;
	v3 =	vld.idx.msk [tilespmem:v4+s4+$0x0], $0xffff  }
0x23b: {  	[tilespmem:s30+$0xAFC0] =	vst v40;
	v60 =	vld.idx.msk [tilespmem:v4+s17+$0x0], $0xffff  }
0x23c: {  	[tilespmem:s30+$0xB040] =	vst v41;
	v61 =	vld.idx.msk [tilespmem:v4+s18+$0x0], $0xffff  }
0x23d: {  	[tilespmem:s30+$0xB0C0] =	vst v42;
	v2 =	vshrl.u32 v36, $0x10;
	v62 =	vld.idx.msk [tilespmem:v4+s19+$0x0], $0xffff  }
0x23e: {  	[tilespmem:s30+$0xB140] =	vst v44;
	v15 =	vld.idx.msk [tilespmem:v4+s20+$0x0], $0xffff  }
0x23f: {  	[tilespmem:s30+$0xB1C0] =	vst v11;
	v16 =	vld.idx.msk [tilespmem:v4+s21+$0x0], $0xffff  }
0x240: {  	[tilespmem:s30+$0xB240] =	vst v12;
	v17 =	vld.idx.msk [tilespmem:v4+s22+$0x0], $0xffff  }
0x241: {  	v18 =	vld.idx.msk [tilespmem:v4+s23+$0x0], $0xffff;
	[tilespmem:s10+$0xAF50] =	vst v3  }
0x242: {  	v53 =	vld.idx.msk [tilespmem:v2+s4+$0x0], $0xffff;
	[tilespmem:s10+$0xAFD0] =	vst v60  }
0x243: {  	v54 =	vld.idx.msk [tilespmem:v2+s17+$0x0], $0xffff;
	[tilespmem:s10+$0xB050] =	vst v61  }
0x244: {  	v55 =	vld.idx.msk [tilespmem:v2+s18+$0x0], $0xffff;
	[tilespmem:s10+$0xB0D0] =	vst v62  }
0x245: {  	v56 =	vld.idx.msk [tilespmem:v2+s19+$0x0], $0xffff;
	v63 =	vand.u32 $0xFFFF, v1;
	[tilespmem:s10+$0xB150] =	vst v15  }
0x246: {  	v57 =	vld.idx.msk [tilespmem:v2+s20+$0x0], $0xffff;
	[tilespmem:s10+$0xB1D0] =	vst v16  }
0x247: {  	v58 =	vld.idx.msk [tilespmem:v2+s21+$0x0], $0xffff;
	[tilespmem:s10+$0xB250] =	vst v17  }
0x248: {  	v59 =	vld.idx.msk [tilespmem:v2+s22+$0x0], $0xffff;
	[tilespmem:s10+$0xB2D0] =	vst v18  }
0x249: {  	v2 =	vld.idx.msk [tilespmem:v2+s23+$0x0], $0xffff;
	[tilespmem:s30+$0xAF50] =	vst v53  }
0x24a: {  	[tilespmem:s30+$0xAFD0] =	vst v54;
	v20 =	vld.idx.msk [tilespmem:v63+s4+$0x0], $0xffff  }
0x24b: {  	[tilespmem:s30+$0xB050] =	vst v55;
	v21 =	vld.idx.msk [tilespmem:v63+s17+$0x0], $0xffff  }
0x24c: {  	[tilespmem:s30+$0xB0D0] =	vst v56;
	v22 =	vld.idx.msk [tilespmem:v63+s18+$0x0], $0xffff  }
0x24d: {  	[tilespmem:s30+$0xB150] =	vst v57;
	v23 =	vld.idx.msk [tilespmem:v63+s19+$0x0], $0xffff  }
0x24e: {  	[tilespmem:s30+$0xB1D0] =	vst v58;
	v24 =	vld.idx.msk [tilespmem:v63+s20+$0x0], $0xffff  }
0x24f: {  	[tilespmem:s30+$0xB250] =	vst v59;
	v26 =	vld.idx.msk [tilespmem:v63+s21+$0x0], $0xffff  }
0x250: {  	[tilespmem:s30+$0xB2D0] =	vst v2;
	v27 =	vld.idx.msk [tilespmem:v63+s22+$0x0], $0xffff  }
0x251: {  	v9 =	vld.idx.msk [tilespmem:v63+s23+$0x0], $0xffff;
	[tilespmem:s12+$0xAF80] =	vst v20  }
0x252: {  	[tilespmem:s12+$0xB000] =	vst v21  }
0x253: {  	[tilespmem:s12+$0xB080] =	vst v22  }
0x254: {  	v1 =	vshrl.u32 v1, $0x10;
	[tilespmem:s12+$0xB100] =	vst v23  }
0x255: {  	[tilespmem:s12+$0xB180] =	vst v24  }
0x256: {  	[tilespmem:s12+$0xB200] =	vst v26  }
0x257: {  	v2 =	vld [tilespmem:s28+$0x2750];
	[tilespmem:s12+$0xB280] =	vst v27  }
0x258: {  	v19 =	vld [tilespmem:s24+$0x2750];
	[tilespmem:s12+$0xB300] =	vst v9  }
0x259: {  	v57 =	vld.idx.msk [tilespmem:v1+s4+$0x0], $0xffff  }
0x25a: {  	v58 =	vld.idx.msk [tilespmem:v1+s17+$0x0], $0xffff  }
0x25b: {  	v59 =	vld.idx.msk [tilespmem:v1+s18+$0x0], $0xffff  }
0x25c: {  	v13 =	vand.u32 $0xFFFF, v2;
	v60 =	vld.idx.msk [tilespmem:v1+s19+$0x0], $0xffff  }
0x25d: {  	v61 =	vld.idx.msk [tilespmem:v1+s20+$0x0], $0xffff  }
0x25e: {  	v63 =	vld.idx.msk [tilespmem:v1+s21+$0x0], $0xffff  }
0x25f: {  	v16 =	vld.idx.msk [tilespmem:v1+s22+$0x0], $0xffff  }
0x260: {  	v1 =	vld.idx.msk [tilespmem:v1+s23+$0x0], $0xffff  }
0x261: {  	v36 =	vld.idx.msk [tilespmem:v13+s4+$0x0], $0xffff;
	[tilespmem:s12+$0xAF90] =	vst v57  }
0x262: {  	v37 =	vld.idx.msk [tilespmem:v13+s17+$0x0], $0xffff;
	[tilespmem:s12+$0xB010] =	vst v58  }
0x263: {  	v38 =	vld.idx.msk [tilespmem:v13+s18+$0x0], $0xffff;
	[tilespmem:s12+$0xB090] =	vst v59  }
0x264: {  	v25 =	vand.u32 $0xFFFF, v19;
	v39 =	vld.idx.msk [tilespmem:v13+s19+$0x0], $0xffff;
	[tilespmem:s12+$0xB110] =	vst v60  }
0x265: {  	v40 =	vld.idx.msk [tilespmem:v13+s20+$0x0], $0xffff;
	[tilespmem:s12+$0xB190] =	vst v61  }
0x266: {  	v41 =	vld.idx.msk [tilespmem:v13+s21+$0x0], $0xffff;
	[tilespmem:s12+$0xB210] =	vst v63  }
0x267: {  	v42 =	vld.idx.msk [tilespmem:v13+s22+$0x0], $0xffff;
	[tilespmem:s12+$0xB290] =	vst v16  }
0x268: {  	v43 =	vld.idx.msk [tilespmem:v13+s23+$0x0], $0xffff;
	[tilespmem:s10+$0xAF60] =	vst v36  }
0x269: {  	v28 =	vld.idx.msk [tilespmem:v25+s4+$0x0], $0xffff;
	[tilespmem:s10+$0xAFE0] =	vst v37  }
0x26a: {  	v29 =	vld.idx.msk [tilespmem:v25+s17+$0x0], $0xffff;
	[tilespmem:s10+$0xB060] =	vst v38  }
0x26b: {  	v30 =	vld.idx.msk [tilespmem:v25+s18+$0x0], $0xffff;
	[tilespmem:s10+$0xB0E0] =	vst v39  }
0x26c: {  	v2 =	vshrl.u32 v2, $0x10;
	v31 =	vld.idx.msk [tilespmem:v25+s19+$0x0], $0xffff;
	[tilespmem:s10+$0xB160] =	vst v40  }
0x26d: {  	v32 =	vld.idx.msk [tilespmem:v25+s20+$0x0], $0xffff;
	[tilespmem:s10+$0xB1E0] =	vst v41  }
0x26e: {  	v33 =	vld.idx.msk [tilespmem:v25+s21+$0x0], $0xffff;
	[tilespmem:s10+$0xB260] =	vst v42  }
0x26f: {  	v34 =	vld.idx.msk [tilespmem:v25+s22+$0x0], $0xffff;
	[tilespmem:s10+$0xB2E0] =	vst v43  }
0x270: {  	v35 =	vld.idx.msk [tilespmem:v25+s23+$0x0], $0xffff;
	[tilespmem:s30+$0xAF60] =	vst v28  }
0x271: {  	[tilespmem:s30+$0xAFE0] =	vst v29;
	v9 =	vld.idx.msk [tilespmem:v2+s4+$0x0], $0xffff  }
0x272: {  	[tilespmem:s30+$0xB060] =	vst v30;
	v51 =	vld.idx.msk [tilespmem:v2+s17+$0x0], $0xffff  }
0x273: {  	[tilespmem:s30+$0xB0E0] =	vst v31;
	v52 =	vld.idx.msk [tilespmem:v2+s18+$0x0], $0xffff  }
0x274: {  	v4 =	vshrl.u32 v19, $0x10;
	[tilespmem:s30+$0xB160] =	vst v32;
	v53 =	vld.idx.msk [tilespmem:v2+s19+$0x0], $0xffff  }
0x275: {  	[tilespmem:s30+$0xB1E0] =	vst v33;
	v54 =	vld.idx.msk [tilespmem:v2+s20+$0x0], $0xffff  }
0x276: {  	[tilespmem:s30+$0xB260] =	vst v34;
	v55 =	vld.idx.msk [tilespmem:v2+s21+$0x0], $0xffff  }
0x277: {  	[tilespmem:s30+$0xB2E0] =	vst v35;
	v56 =	vld.idx.msk [tilespmem:v2+s22+$0x0], $0xffff  }
0x278: {  	v2 =	vld.idx.msk [tilespmem:v2+s23+$0x0], $0xffff;
	[tilespmem:s10+$0xAF70] =	vst v9  }
0x279: {  	v44 =	vld.idx.msk [tilespmem:v4+s4+$0x0], $0xffff;
	[tilespmem:s10+$0xAFF0] =	vst v51  }
0x27a: {  	v45 =	vld.idx.msk [tilespmem:v4+s17+$0x0], $0xffff;
	[tilespmem:s10+$0xB070] =	vst v52  }
0x27b: {  	v46 =	vld.idx.msk [tilespmem:v4+s18+$0x0], $0xffff;
	[tilespmem:s10+$0xB0F0] =	vst v53  }
0x27c: {  	v47 =	vld.idx.msk [tilespmem:v4+s19+$0x0], $0xffff;
	[tilespmem:s10+$0xB170] =	vst v54  }
0x27d: {  	v48 =	vld.idx.msk [tilespmem:v4+s20+$0x0], $0xffff;
	[tilespmem:s10+$0xB1F0] =	vst v55  }
0x27e: {  	v49 =	vld.idx.msk [tilespmem:v4+s21+$0x0], $0xffff;
	[tilespmem:s10+$0xB270] =	vst v56  }
0x27f: {  	v50 =	vld.idx.msk [tilespmem:v4+s22+$0x0], $0xffff;
	[tilespmem:s10+$0xB2F0] =	vst v2  }
0x280: {  	[tilespmem:s12+$0xB310] =	vst v1;
	v2 =	vld [tilespmem:s28+$0x2760]  }
0x281: {  	v4 =	vld.idx.msk [tilespmem:v4+s23+$0x0], $0xffff;
	[tilespmem:s30+$0xAF70] =	vst v44  }
0x282: {  	[tilespmem:s30+$0xAFF0] =	vst v45  }
0x283: {  	[tilespmem:s30+$0xB070] =	vst v46  }
0x284: {  	[tilespmem:s30+$0xB0F0] =	vst v47  }
0x285: {  	[tilespmem:s30+$0xB170] =	vst v48;
	v21 =	vand.u32 $0xFFFF, v2  }
0x286: {  	[tilespmem:s30+$0xB1F0] =	vst v49  }
0x287: {  	[tilespmem:s30+$0xB270] =	vst v50  }
0x288: {  	[tilespmem:s30+$0xB2F0] =	vst v4;
	v48 =	vld [tilespmem:s29+$0x2770]  }
0x289: {  	v4 =	vld [tilespmem:s24+$0x2760]  }
0x28a: {  	v26 =	vld.idx.msk [tilespmem:v21+s4+$0x0], $0xffff  }
0x28b: {  	v27 =	vld.idx.msk [tilespmem:v21+s17+$0x0], $0xffff  }
0x28c: {  	v28 =	vld.idx.msk [tilespmem:v21+s18+$0x0], $0xffff  }
0x28d: {  	v53 =	vand.u32 $0xFFFF, v48;
	v29 =	vld.idx.msk [tilespmem:v21+s19+$0x0], $0xffff  }
0x28e: {  	v30 =	vld.idx.msk [tilespmem:v21+s20+$0x0], $0xffff  }
0x28f: {  	v31 =	vld.idx.msk [tilespmem:v21+s21+$0x0], $0xffff  }
0x290: {  	v32 =	vld.idx.msk [tilespmem:v21+s22+$0x0], $0xffff  }
0x291: {  	v33 =	vld.idx.msk [tilespmem:v21+s23+$0x0], $0xffff  }
0x292: {  	v57 =	vld.idx.msk [tilespmem:v53+s4+$0x0], $0xffff  }
0x293: {  	v58 =	vld.idx.msk [tilespmem:v53+s17+$0x0], $0xffff  }
0x294: {  	v62 =	vand.u32 $0xFFFF, v4;
	v59 =	vld.idx.msk [tilespmem:v53+s18+$0x0], $0xffff  }
0x295: {  	v60 =	vld.idx.msk [tilespmem:v53+s19+$0x0], $0xffff  }
0x296: {  	v61 =	vld.idx.msk [tilespmem:v53+s20+$0x0], $0xffff  }
0x297: {  	v63 =	vld.idx.msk [tilespmem:v53+s22+$0x0], $0xffff  }
0x298: {  	v15 =	vld.idx.msk [tilespmem:v53+s23+$0x0], $0xffff  }
0x299: {  	v17 =	vld.idx.msk [tilespmem:v62+s4+$0x0], $0xffff;
	[tilespmem:s10+$0xAF80] =	vst v26  }
0x29a: {  	v18 =	vld.idx.msk [tilespmem:v62+s17+$0x0], $0xffff;
	[tilespmem:s10+$0xB000] =	vst v27  }
0x29b: {  	v19 =	vld.idx.msk [tilespmem:v62+s18+$0x0], $0xffff;
	[tilespmem:s10+$0xB080] =	vst v28  }
0x29c: {  	v20 =	vld.idx.msk [tilespmem:v62+s19+$0x0], $0xffff;
	[tilespmem:s10+$0xB100] =	vst v29  }
0x29d: {  	v22 =	vld.idx.msk [tilespmem:v62+s20+$0x0], $0xffff;
	[tilespmem:s10+$0xB180] =	vst v30  }
0x29e: {  	v23 =	vld.idx.msk [tilespmem:v62+s21+$0x0], $0xffff;
	[tilespmem:s10+$0xB200] =	vst v31  }
0x29f: {  	v24 =	vld.idx.msk [tilespmem:v62+s22+$0x0], $0xffff;
	[tilespmem:s10+$0xB280] =	vst v32  }
0x2a0: {  	v25 =	vld.idx.msk [tilespmem:v62+s23+$0x0], $0xffff;
	[tilespmem:s10+$0xB300] =	vst v33  }
0x2a1: {  	v62 =	vld.idx.msk [tilespmem:v53+s21+$0x0], $0xffff;
	[tilespmem:s12+$0xAFA0] =	vst v57  }
0x2a2: {  	v47 =	vand.u32 $0xFFFF, v0;
	[tilespmem:s12+$0xB020] =	vst v58  }
0x2a3: {  	[tilespmem:s12+$0xB0A0] =	vst v59  }
0x2a4: {  	[tilespmem:s12+$0xB120] =	vst v60  }
0x2a5: {  	v2 =	vshrl.u32 v2, $0x10;
	[tilespmem:s12+$0xB1A0] =	vst v61  }
0x2a6: {  	[tilespmem:s12+$0xB2A0] =	vst v63  }
0x2a7: {  	v49 =	vld.idx.msk [tilespmem:v47+s4+$0x0], $0xffff;
	[tilespmem:s12+$0xB320] =	vst v15  }
0x2a8: {  	v50 =	vld.idx.msk [tilespmem:v47+s17+$0x0], $0xffff;
	[tilespmem:s30+$0xAF80] =	vst v17  }
0x2a9: {  	v51 =	vld.idx.msk [tilespmem:v47+s18+$0x0], $0xffff;
	[tilespmem:s30+$0xB000] =	vst v18  }
0x2aa: {  	[tilespmem:s30+$0xB080] =	vst v19;
	v1 =	vld.idx.msk [tilespmem:v2+s4+$0x0], $0xffff  }
0x2ab: {  	[tilespmem:s30+$0xB100] =	vst v20;
	v41 =	vld.idx.msk [tilespmem:v2+s17+$0x0], $0xffff  }
0x2ac: {  	[tilespmem:s30+$0xB180] =	vst v22;
	v42 =	vld.idx.msk [tilespmem:v2+s18+$0x0], $0xffff  }
0x2ad: {  	[tilespmem:s30+$0xB200] =	vst v23;
	v43 =	vld.idx.msk [tilespmem:v2+s19+$0x0], $0xffff  }
0x2ae: {  	[tilespmem:s30+$0xB280] =	vst v24;
	v44 =	vld.idx.msk [tilespmem:v2+s20+$0x0], $0xffff  }
0x2af: {  	[tilespmem:s30+$0xB300] =	vst v25;
	v45 =	vld.idx.msk [tilespmem:v2+s21+$0x0], $0xffff  }
0x2b0: {  	v46 =	vld.idx.msk [tilespmem:v2+s22+$0x0], $0xffff;
	[tilespmem:s12+$0xB220] =	vst v62  }
0x2b1: {  	v4 =	vshrl.u32 v4, $0x10;
	v2 =	vld.idx.msk [tilespmem:v2+s23+$0x0], $0xffff;
	[tilespmem:s10+$0xAF90] =	vst v1  }
0x2b2: {  	v52 =	vld.idx.msk [tilespmem:v47+s19+$0x0], $0xffff;
	[tilespmem:s10+$0xB010] =	vst v41  }
0x2b3: {  	v54 =	vld.idx.msk [tilespmem:v47+s20+$0x0], $0xffff;
	[tilespmem:s10+$0xB090] =	vst v42  }
0x2b4: {  	v55 =	vld.idx.msk [tilespmem:v47+s21+$0x0], $0xffff;
	[tilespmem:s10+$0xB110] =	vst v43  }
0x2b5: {  	v56 =	vld.idx.msk [tilespmem:v47+s22+$0x0], $0xffff;
	[tilespmem:s10+$0xB190] =	vst v44  }
0x2b6: {  	v34 =	vld.idx.msk [tilespmem:v4+s4+$0x0], $0xffff;
	[tilespmem:s10+$0xB210] =	vst v45  }
0x2b7: {  	v35 =	vld.idx.msk [tilespmem:v4+s17+$0x0], $0xffff;
	[tilespmem:s10+$0xB290] =	vst v46  }
0x2b8: {  	v36 =	vld.idx.msk [tilespmem:v4+s18+$0x0], $0xffff;
	[tilespmem:s10+$0xB310] =	vst v2  }
0x2b9: {  	v1 =	vld.idx.msk [tilespmem:v47+s23+$0x0], $0xffff;
	[tilespmem:s9+$0xAFA0] =	vst v49  }
0x2ba: {  	v3 =	vshrl.u32 v48, $0x10;
	v37 =	vld.idx.msk [tilespmem:v4+s19+$0x0], $0xffff;
	[tilespmem:s9+$0xB020] =	vst v50  }
0x2bb: {  	v38 =	vld.idx.msk [tilespmem:v4+s20+$0x0], $0xffff;
	[tilespmem:s9+$0xB0A0] =	vst v51  }
0x2bc: {  	v39 =	vld.idx.msk [tilespmem:v4+s21+$0x0], $0xffff;
	[tilespmem:s9+$0xB120] =	vst v52  }
0x2bd: {  	v40 =	vld.idx.msk [tilespmem:v4+s22+$0x0], $0xffff;
	[tilespmem:s9+$0xB1A0] =	vst v54  }
0x2be: {  	v4 =	vld.idx.msk [tilespmem:v4+s23+$0x0], $0xffff;
	[tilespmem:s9+$0xB220] =	vst v55  }
0x2bf: {  	v23 =	vld.idx.msk [tilespmem:v3+s17+$0x0], $0xffff;
	[tilespmem:s30+$0xAF90] =	vst v34  }
0x2c0: {  	v24 =	vld.idx.msk [tilespmem:v3+s18+$0x0], $0xffff;
	[tilespmem:s30+$0xB010] =	vst v35  }
0x2c1: {  	v25 =	vld.idx.msk [tilespmem:v3+s19+$0x0], $0xffff;
	[tilespmem:s30+$0xB090] =	vst v36  }
0x2c2: {  	v27 =	vld.idx.msk [tilespmem:v3+s20+$0x0], $0xffff;
	[tilespmem:s30+$0xB110] =	vst v37  }
0x2c3: {  	v28 =	vld.idx.msk [tilespmem:v3+s21+$0x0], $0xffff;
	[tilespmem:s30+$0xB190] =	vst v38  }
0x2c4: {  	v0 =	vshrl.u32 v0, $0x10;
	v29 =	vld.idx.msk [tilespmem:v3+s22+$0x0], $0xffff;
	[tilespmem:s30+$0xB210] =	vst v39  }
0x2c5: {  	v30 =	vld.idx.msk [tilespmem:v3+s23+$0x0], $0xffff;
	[tilespmem:s30+$0xB290] =	vst v40  }
0x2c6: {  	[tilespmem:s30+$0xB310] =	vst v4;
	v2 =	vld [tilespmem:s28+$0x2770]  }
0x2c7: {  	[tilespmem:s9+$0xB2A0] =	vst v56;
	v4 =	vld [tilespmem:s24+$0x2770]  }
0x2c8: {  	[tilespmem:s9+$0xB320] =	vst v1;
	v1 =	vld.idx.msk [tilespmem:v3+s4+$0x0], $0xffff  }
0x2c9: {  	[tilespmem:s12+$0xB030] =	vst v23;
	v16 =	vld.idx.msk [tilespmem:v0+s4+$0x0], $0xffff  }
0x2ca: {  	[tilespmem:s12+$0xB0B0] =	vst v24;
	v17 =	vld.idx.msk [tilespmem:v0+s17+$0x0], $0xffff  }
0x2cb: {  	[tilespmem:s12+$0xB130] =	vst v25;
	v18 =	vld.idx.msk [tilespmem:v0+s18+$0x0], $0xffff  }
0x2cc: {  	[tilespmem:s12+$0xB1B0] =	vst v27;
	v19 =	vld.idx.msk [tilespmem:v0+s19+$0x0], $0xffff;
	v35 =	vand.u32 $0xFFFF, v2  }
0x2cd: {  	[tilespmem:s12+$0xB230] =	vst v28;
	v20 =	vld.idx.msk [tilespmem:v0+s20+$0x0], $0xffff  }
0x2ce: {  	[tilespmem:s12+$0xB2B0] =	vst v29;
	v21 =	vld.idx.msk [tilespmem:v0+s21+$0x0], $0xffff  }
0x2cf: {  	[tilespmem:s12+$0xB330] =	vst v30;
	v22 =	vld.idx.msk [tilespmem:v0+s22+$0x0], $0xffff  }
0x2d0: {  	v0 =	vld.idx.msk [tilespmem:v0+s23+$0x0], $0xffff;
	[tilespmem:s12+$0xAFB0] =	vst v1  }
0x2d1: {  	[tilespmem:s9+$0xAFB0] =	vst v16;
	v40 =	vld.idx.msk [tilespmem:v35+s4+$0x0], $0xffff  }
0x2d2: {  	[tilespmem:s9+$0xB030] =	vst v17;
	v41 =	vld.idx.msk [tilespmem:v35+s17+$0x0], $0xffff  }
0x2d3: {  	[tilespmem:s9+$0xB0B0] =	vst v18;
	v42 =	vld.idx.msk [tilespmem:v35+s18+$0x0], $0xffff  }
0x2d4: {  	v26 =	vand.u32 $0xFFFF, v4;
	[tilespmem:s9+$0xB130] =	vst v19;
	v43 =	vld.idx.msk [tilespmem:v35+s19+$0x0], $0xffff  }
0x2d5: {  	[tilespmem:s9+$0xB1B0] =	vst v20;
	v44 =	vld.idx.msk [tilespmem:v35+s20+$0x0], $0xffff  }
0x2d6: {  	[tilespmem:s9+$0xB230] =	vst v21;
	v45 =	vld.idx.msk [tilespmem:v35+s21+$0x0], $0xffff  }
0x2d7: {  	[tilespmem:s9+$0xB2B0] =	vst v22;
	v46 =	vld.idx.msk [tilespmem:v35+s22+$0x0], $0xffff  }
0x2d8: {  	[tilespmem:s9+$0xB330] =	vst v0;
	v47 =	vld.idx.msk [tilespmem:v35+s23+$0x0], $0xffff  }
0x2d9: {  	v31 =	vld.idx.msk [tilespmem:v26+s4+$0x0], $0xffff;
	[tilespmem:s10+$0xAFA0] =	vst v40  }
0x2da: {  	v32 =	vld.idx.msk [tilespmem:v26+s17+$0x0], $0xffff;
	[tilespmem:s10+$0xB020] =	vst v41  }
0x2db: {  	v33 =	vld.idx.msk [tilespmem:v26+s18+$0x0], $0xffff;
	[tilespmem:s10+$0xB0A0] =	vst v42  }
0x2dc: {  	v2 =	vshrl.u32 v2, $0x10;
	v34 =	vld.idx.msk [tilespmem:v26+s19+$0x0], $0xffff;
	[tilespmem:s10+$0xB120] =	vst v43  }
0x2dd: {  	v36 =	vld.idx.msk [tilespmem:v26+s20+$0x0], $0xffff;
	[tilespmem:s10+$0xB1A0] =	vst v44  }
0x2de: {  	v37 =	vld.idx.msk [tilespmem:v26+s21+$0x0], $0xffff;
	[tilespmem:s10+$0xB220] =	vst v45  }
0x2df: {  	v38 =	vld.idx.msk [tilespmem:v26+s22+$0x0], $0xffff;
	[tilespmem:s10+$0xB2A0] =	vst v46  }
0x2e0: {  	v39 =	vld.idx.msk [tilespmem:v26+s23+$0x0], $0xffff;
	[tilespmem:s10+$0xB320] =	vst v47  }
0x2e1: {  	[tilespmem:s30+$0xAFA0] =	vst v31;
	v56 =	vld.idx.msk [tilespmem:v2+s4+$0x0], $0xffff  }
0x2e2: {  	[tilespmem:s30+$0xB020] =	vst v32;
	v57 =	vld.idx.msk [tilespmem:v2+s17+$0x0], $0xffff  }
0x2e3: {  	[tilespmem:s30+$0xB0A0] =	vst v33;
	v58 =	vld.idx.msk [tilespmem:v2+s18+$0x0], $0xffff  }
0x2e4: {  	v4 =	vshrl.u32 v4, $0x10;
	[tilespmem:s30+$0xB120] =	vst v34;
	v59 =	vld.idx.msk [tilespmem:v2+s19+$0x0], $0xffff  }
0x2e5: {  	[tilespmem:s30+$0xB1A0] =	vst v36;
	v60 =	vld.idx.msk [tilespmem:v2+s20+$0x0], $0xffff  }
0x2e6: {  	[tilespmem:s30+$0xB220] =	vst v37;
	v61 =	vld.idx.msk [tilespmem:v2+s21+$0x0], $0xffff  }
0x2e7: {  	[tilespmem:s30+$0xB2A0] =	vst v38;
	v62 =	vld.idx.msk [tilespmem:v2+s22+$0x0], $0xffff  }
0x2e8: {  	[tilespmem:s30+$0xB320] =	vst v39;
	v63 =	vld.idx.msk [tilespmem:v2+s23+$0x0], $0xffff  }
0x2e9: {  	v48 =	vld.idx.msk [tilespmem:v4+s4+$0x0], $0xffff;
	[tilespmem:s10+$0xAFB0] =	vst v56  }
0x2ea: {  	v49 =	vld.idx.msk [tilespmem:v4+s17+$0x0], $0xffff;
	[tilespmem:s10+$0xB030] =	vst v57  }
0x2eb: {  	v50 =	vld.idx.msk [tilespmem:v4+s18+$0x0], $0xffff;
	[tilespmem:s10+$0xB0B0] =	vst v58  }
0x2ec: {  	v51 =	vld.idx.msk [tilespmem:v4+s19+$0x0], $0xffff;
	[tilespmem:s10+$0xB130] =	vst v59  }
0x2ed: {  	v52 =	vld.idx.msk [tilespmem:v4+s20+$0x0], $0xffff;
	[tilespmem:s10+$0xB1B0] =	vst v60  }
0x2ee: {  	v53 =	vld.idx.msk [tilespmem:v4+s21+$0x0], $0xffff;
	[tilespmem:s10+$0xB230] =	vst v61  }
0x2ef: {  	v54 =	vld.idx.msk [tilespmem:v4+s22+$0x0], $0xffff;
	[tilespmem:s10+$0xB2B0] =	vst v62  }
0x2f0: {  	v55 =	vld.idx.msk [tilespmem:v4+s23+$0x0], $0xffff;
	[tilespmem:s30+$0xAFB0] =	vst v48  }
0x2f1: {  	[tilespmem:s30+$0xB030] =	vst v49  }
0x2f2: {  	[tilespmem:s30+$0xB0B0] =	vst v50  }
0x2f3: {  	p0 =	slt.u32 s8, $0x1C;
	[tilespmem:s30+$0xB130] =	vst v51  }
.Ltmp10:
0x2f4: {  	[tilespmem:s30+$0xB1B0] =	vst v52;
	(pc) =	sbr.rel @p0 .LBB2_12-.Ltmp10, $4  }
0x2f5: {  	[tilespmem:s30+$0xB230] =	vst v53  }
0x2f6: {  	[tilespmem:s30+$0xB2B0] =	vst v54  }
0x2f7: {  	[tilespmem:s30+$0xB330] =	vst v55;
	s30 =	sadd.s32 $0x4, s8  }
0x2f8: {  	[tilespmem:s10+$0xB330] =	vst v63;
	s8 =	smov.u32 s30  }
0x2f9: {  	s8 =	rddreg [dreg:$0x6]  }
0x2fa: {  	s2 =	smul.u32 $0x7D, s14;
	p0 =	sge.u32 s1, s8  }
0x2fb: {  	s0 =	sadd.s32 @!p0 $0x2, s0  }
0x2fc: {  	s29 =	sadd.s32 s13, s2;
	s2 =	smulhi.u32 @!p0 $0x66666667, s0  }
0x2fd: {  	s1 =	sshll.u32 s29, $0xC  }
0x2fe: {  	s1 =	sand.u32 $0x1FFFF000, s1;
	s2 =	sshrl.u32 @!p0 s2, $0x3  }
0x2ff: {  	s30 =	simm.s32 $0xAF40;
	s1 =	sadd.s32 s11, s1;
	s2 =	smul.u32 @!p0 $0x14, s2  }
0x300: {  	[hbm4b:s1+s4] =	stream.linear.scatter [tilespmem:s30], [sflag:$0x4], $0x8000, $0x38;
	[tilespmem:$0x12F40] =	vst v63  }
.Ltmp11:
0x301: {  	_ = 	snop;
	(pc) =	sbr.rel .LBB2_14-.Ltmp11, $4  }
0x302: {  	s0 =	ssub.s32 @!p0 s0, s2  }
0x303: {  	s0 =	sshll.u32 @!p0 s0, $0x8  }
0x304: {  	s1 =	simm.s32 @!p0 $0x0;
	s2 =	simm.s32 @!p0 $0x2740;
	s0 =	sadd.s32 @!p0 s5, s0  }
0x305: {  	[tilespmem:s2], [sflag:$0x2] =	stream.linear.gather @!p0 [hbm4b:s0+s1], $0x800, $0x38;
	[tilespmem:$0x12F40] =	vst v63  }
.LBB2_16:
0x306: {  	_ =	sfence.sel $0x180000  }
0x307: {  	[bflag:$0x0] =	sbarrier.arrive $0xFFFF  }
0x308: {  	_ =	strace $0x90000047  }
0x309: {  	s0 =	stileid.u32;
	[bflag:$0x2] =	sbarrier.arrive $0xFFFF  }
0x30a: {  	p0 =	sne.s32 s0, $0x0;
	s0 =	rddreg [dreg:$0x2]  }
0x30b: {  	s0 =	sadd.s32 @!p0 $0x100000, s0  }
0x30c: {  	[sflag:s0] =	ssyncadd.tile.s32 @!p0 $0x1;
	_ =	shalt  }
.Lfunc_end2:
_tile_overlayer_lowered:
.L_overlay_start_2:
0x30d: {  	(tag) =	ssettag $0x2  }
0x30e: {  	s0 =	rddreg [dreg:$0x0];
	s2 =	stileid.u32  }
0x30f: {  	s1 =	rddreg [dreg:$0x1];
	p0 =	sne.s32 s2, $0x0  }
0x310: {  	s3 =	rddreg [dreg:$0x2];
	[bflag:$0x3] =	sbarrier.arrive $0xFFFF;
	s2 =	simm.s32 @!p0 $0x1C05  }
0x311: {  	[timem:s3], [sflag:s2] =	dma.local @!p0 [hbm:s0], s1  }
0x312: {  	s0 =	simm.s32 @!p0 $0x5  }
0x313: {  	_ =	swait.ge @!p0 [sflag:s0], s1  }
0x314: {  	s1 =	ssub.s32 @!p0 $0x0, s1;
	[sflag:s0] =	ssyncset.done @!p0 $0x0  }
0x315: {  	[sflag:s0] =	ssyncadd.s32 @!p0 s1  }
0x316: {  	[bflag:$0x3] =	sbarrier.arrive $0xFFFF  }
0x317: {  	_ =	shalt  }

</sc_bundles>
